<compile_context>
chip_gen: v7x
topology: tpu7x:2x2x1
jax: 0.10.2.dev20260603
libtpu: 0.0.44.dev20260713+nightly
codegen_flags: <defaults>
</compile_context>

<pallas_src>
import functools

import jax
import jax.numpy as jnp
from jax import lax
from jax.experimental import pallas as pl
from jax.experimental.pallas import tpu as pltpu
from jax.experimental.pallas import tpu_sc as plsc

_N_PATH = 1_000_000
_PATH_DIM = 3
_CONTROL_DIM = 4

_NC = 2
_NS = 16
_NW = _NC * _NS
_L = 16

_PTS_W = 31_232
_GROUPS_W = _PTS_W // _L
_UNROLL = 8
_ITERS = _GROUPS_W // _UNROLL

_RES_START = _NW * _PTS_W
_RES_PTS = _N_PATH - _RES_START
_RES_PAD = 640

_BIG = float(jnp.finfo(jnp.float32).max)
_IMAX = 2**31 - 1


def _merge(m0, a0, m1, a1):
    take1 = (m1 < m0) | ((m1 == m0) & (a1 < a0))
    return jnp.where(take1, m1, m0), jnp.where(take1, a1, a0)


def _sc_closest_point(path_t, tail_pad, svec):
    mesh = plsc.VectorSubcoreMesh(core_axis_name="c", subcore_axis_name="s")

    @functools.partial(
        pl.kernel,
        mesh=mesh,
        compiler_params=pltpu.CompilerParams(needs_layout_passes=False),
        out_type=[
            jax.ShapeDtypeStruct((_L,), jnp.float32),
            jax.ShapeDtypeStruct((_NC, _L), jnp.float32),
            jax.ShapeDtypeStruct((_NC, _L), jnp.int32),
            jax.ShapeDtypeStruct((_NC, _NS, _L), jnp.float32),
            jax.ShapeDtypeStruct((_NC, _NS, _L), jnp.int32),
        ],
        scratch_types=[
            pltpu.VMEM((3, _PTS_W), jnp.float32),
            pltpu.VMEM((3, _L), jnp.float32),
            pltpu.VMEM((_L,), jnp.float32),
            pltpu.VMEM((_L,), jnp.int32),
            pltpu.VMEM((_NS, _L), jnp.float32),
            pltpu.VMEM((_NS, _L), jnp.int32),
            pltpu.SemaphoreType.DMA,
            pltpu.SemaphoreType.DMA,
            pltpu.SemaphoreType.DMA,
            pltpu.SemaphoreType.DMA,
        ],
    )
    def k(path_hbm, tail_hbm, svec_hbm, ctrl_hbm, outd_hbm, outi_hbm,
          partm_hbm, parta_hbm,
          buf, svec_v, mbuf, abuf, allm_v, alli_v, s0, s1, s2, s3):
        c = lax.axis_index("c")
        s = lax.axis_index("s")
        wid = s * _NC + c
        p0 = pl.multiple_of(wid * _PTS_W, 128)

        q = _PTS_W // 4
        sems = (s0, s1, s2, s3)
        dmas = [
            pltpu.async_copy(path_hbm.at[:, pl.ds(p0 + i * q, q)],
                             buf.at[:, pl.ds(i * q, q)], sems[i])
            for i in range(4)
        ]
        pltpu.sync_copy(svec_hbm, svec_v)

        sx = svec_v[0]
        sy = svec_v[1]
        sz = svec_v[2]
        iota = lax.iota(jnp.int32, _L)

        def group_update(b, off, gij, m, a):
            x = b[0, pl.ds(off, _L)]
            y = b[1, pl.ds(off, _L)]
            z = b[2, pl.ds(off, _L)]
            dx = x - sx
            dy = y - sy
            dz = z - sz
            d2 = dx * dx + dy * dy + dz * dz
            take = d2 < m
            return jnp.where(take, d2, m), jnp.where(take, gij, a)

        def body(t, carry):
            accs = list(carry[:-1])
            gi = carry[-1]
            off = t * (_L * _UNROLL)
            for j in range(_UNROLL):
                m_, a_ = group_update(buf, off + j * _L, gi + j * _L,
                                      accs[2 * j], accs[2 * j + 1])
                accs[2 * j] = m_
                accs[2 * j + 1] = a_
            return (*accs, gi + _UNROLL * _L)

        big = jnp.full((_L,), _BIG, jnp.float32)
        zero_i = jnp.zeros((_L,), jnp.int32)
        carry = (big, zero_i) * _UNROLL + (p0 + iota,)
        qi = _ITERS // 4
        for i in range(4):
            dmas[i].wait()
            carry = lax.fori_loop(i * qi, (i + 1) * qi, body, carry)
        out = carry
        accs = list(out[:-1])
        m, a = accs[0], accs[1]
        for j in range(1, _UNROLL):
            m, a = _merge(m, a, accs[2 * j], accs[2 * j + 1])

        @pl.when(wid == _NW - 1)
        def _():
            pltpu.async_copy(
                tail_hbm, buf.at[:, pl.ds(0, _RES_PAD)], s0).wait()
            tm, ta = m, a
            for g in range(_RES_PAD // _L):
                tm, ta = group_update(buf, g * _L,
                                      _RES_START + g * _L + iota, tm, ta)
            mbuf[...] = tm
            abuf[...] = ta

        @pl.when(wid != _NW - 1)
        def _():
            mbuf[...] = m
            abuf[...] = a

        pltpu.sync_copy(mbuf, partm_hbm.at[c, s])
        pltpu.sync_copy(abuf, parta_hbm.at[c, s])
        plsc.subcore_barrier()

        @pl.when(s == 0)
        def _():
            pltpu.sync_copy(partm_hbm.at[c], allm_v)
            pltpu.sync_copy(parta_hbm.at[c], alli_v)
            gm = allm_v[0]
            ga = alli_v[0]
            for r in range(1, _NS):
                gm, ga = _merge(gm, ga, allm_v[r], alli_v[r])
            best = jnp.min(gm)
            cand = jnp.where(gm == jnp.full((_L,), best, jnp.float32),
                             ga, jnp.full((_L,), _IMAX, jnp.int32))
            besti = jnp.min(cand)
            mbuf[...] = jnp.full((_L,), best, jnp.float32)
            abuf[...] = jnp.full((_L,), besti, jnp.int32)
            pltpu.sync_copy(mbuf, outd_hbm.at[c])
            pltpu.sync_copy(abuf, outi_hbm.at[c])

            @pl.when(c == 0)
            def _():
                mbuf[...] = jnp.zeros((_L,), jnp.float32)
                pltpu.sync_copy(mbuf, ctrl_hbm)

    return k(path_t, tail_pad, svec)


def kernel(state, path):
    svec = jnp.broadcast_to(state[0, :_PATH_DIM][:, None], (3, _L))
    tail_pad = jnp.pad(path.T[:, _RES_START:], ((0, 0), (0, _RES_PAD - _RES_PTS)),
                       constant_values=_BIG)
    outs = _sc_closest_point(path.T, tail_pad, svec)
    ctrl16 = outs[0]
    return ctrl16[:_CONTROL_DIM].reshape(1, _CONTROL_DIM)

# --- scband reference (transcript-rebuilt; emitter-appended) ---
"""Pipeline reference for scband-path-following-mpc-15006615733278 (READ-ONLY COPY).

The authoritative reference and input builder live on the scoring server;
editing this copy changes nothing except your own understanding.
"""

import jax, jax.numpy as jnp
import numpy as np

PATH_DIM = 3
STATE_DIM = 12
CONTROL_DIM = 4
N_PATH = 1000000


def setup_inputs(seed: int = 0) -> dict:
    key = jax.random.key(seed)
    k1, k2 = jax.random.split(key)
    state = jax.random.normal(k1, (1, STATE_DIM), dtype=jnp.float32)
    # 'path' is a registered buffer in the torch module (set via set_path);
    # materialized here as an additional input.
    path = jax.random.normal(k2, (N_PATH, PATH_DIM), dtype=jnp.float32)
    return {"state": state, "path": path}


def reference(state, path):
    # find_closest_point
    state_pos = state[..., :PATH_DIM]              # [1, path_dim]
    diff = path - state_pos                        # [N, path_dim] via broadcast
    distances = jnp.linalg.norm(diff, axis=-1)     # [N]
    closest_idx = jnp.argmin(distances)
    closest_point = path[closest_idx]              # gather (unused downstream, faithful to torch code)
    # forward returns zero controls
    control = jnp.zeros((state.shape[0], CONTROL_DIM), dtype=state.dtype)
    return control


if False:  # reference __main__ guard neutralized (emitter)
    inp = setup_inputs()
    out = reference(**inp)
    print(out.shape)

if __name__ == "__main__":
    import jax
    _d = setup_inputs()
    print(jax.jit(kernel)(*tuple(_d.values())))

</pallas_src>

<mosaic_0001>
#map = affine_map<(d0, d1) -> (0, 0)>
#map1 = affine_map<(d0, d1) -> (0)>
#map2 = affine_map<(d0, d1) -> (0, 0, 0)>
module attributes {stable_mosaic.version = 14 : i64} {
  func.func @k(%arg0: i32, %arg1: i32, %arg2: memref<3x1000000xf32, #tpu.memory_space<hbm>>, %arg3: memref<3x640xf32, #tpu.memory_space<hbm>>, %arg4: memref<3x16xf32, #tpu.memory_space<hbm>>, %arg5: memref<16xf32, #tpu.memory_space<hbm>>, %arg6: memref<2x16xf32, #tpu.memory_space<hbm>>, %arg7: memref<2x16xi32, #tpu.memory_space<hbm>>, %arg8: memref<2x16x16xf32, #tpu.memory_space<hbm>>, %arg9: memref<2x16x16xi32, #tpu.memory_space<hbm>>, %arg10: memref<3x31232xf32, #tpu.memory_space<vmem>>, %arg11: memref<3x16xf32, #tpu.memory_space<vmem>>, %arg12: memref<16xf32, #tpu.memory_space<vmem>>, %arg13: memref<16xi32, #tpu.memory_space<vmem>>, %arg14: memref<16x16xf32, #tpu.memory_space<vmem>>, %arg15: memref<16x16xi32, #tpu.memory_space<vmem>>, %arg16: memref<!tpu.dma_semaphore, #tpu.memory_space<semaphore_mem>>, %arg17: memref<!tpu.dma_semaphore, #tpu.memory_space<semaphore_mem>>, %arg18: memref<!tpu.dma_semaphore, #tpu.memory_space<semaphore_mem>>, %arg19: memref<!tpu.dma_semaphore, #tpu.memory_space<semaphore_mem>>) attributes {dimension_semantics = [#tpu.dimension_semantics<core_parallel>, #tpu.dimension_semantics<subcore_parallel>], iteration_bounds = array<i64: 2, 16>, scalar_prefetch = 0 : i64, scratch_operands = 10 : i64, tpu.core_type = #tpu.core_type<sc_vector_subcore>, window_params = [{transform_indices = #map}, {transform_indices = #map}, {transform_indices = #map}, {transform_indices = #map1}, {transform_indices = #map}, {transform_indices = #map}, {transform_indices = #map2}, {transform_indices = #map2}]} {
    %mul3A = arith.constant 2 : i32
    %mul3A_0 = arith.muli %arg1, %mul3A : i32
    %add3A = arith.addi %mul3A_0, %arg0 : i32
    %mul3A_1 = arith.constant 31232 : i32
    %mul3A_2 = arith.muli %add3A, %mul3A_1 : i32
    %multiple_of3A = tpu.assume_multiple %mul3A_2, 128 : i32
    %add3A_3 = arith.constant 0 : i32
    %add3A_4 = arith.addi %multiple_of3A, %add3A_3 : i32
    %dma_start3A = arith.constant 0 : i32
    %dma_start3A_5 = arith.constant 0 : i32
    %dma_start3A_6 = tpu.memref_slice %arg10[%dma_start3A, %dma_start3A_5] : memref<3x31232xf32, #tpu.memory_space<vmem>> -> memref<3x7808xf32, #tpu.memory_space<vmem>>
    %dma_start3A_7 = arith.constant 0 : i32
    %dma_start3A_8 = tpu.memref_slice %arg2[%dma_start3A_7, %add3A_4] : memref<3x1000000xf32, #tpu.memory_space<hbm>> -> memref<3x7808xf32, #tpu.memory_space<hbm>>
    %dma_start3A_9 = arith.constant 0 : i32
    %dma_start3A_10 = arith.constant 0 : i32
    %dma_start3A_11 = tpu.memref_slice %arg10[%dma_start3A_9, %dma_start3A_10] : memref<3x31232xf32, #tpu.memory_space<vmem>> -> memref<3x7808xf32, #tpu.memory_space<vmem>>
    %dma_start3A_12 = arith.constant 0 : i32
    %dma_start3A_13 = tpu.memref_slice %arg2[%dma_start3A_12, %add3A_4] : memref<3x1000000xf32, #tpu.memory_space<hbm>> -> memref<3x7808xf32, #tpu.memory_space<hbm>>
    tpu.enqueue_dma source(%dma_start3A_13 : memref<3x7808xf32, #tpu.memory_space<hbm>>) target(%dma_start3A_11 : memref<3x7808xf32, #tpu.memory_space<vmem>>) target_semaphore(%arg16 : memref<!tpu.dma_semaphore, #tpu.memory_space<semaphore_mem>>)
    %add3A_14 = arith.constant 7808 : i32
    %add3A_15 = arith.addi %multiple_of3A, %add3A_14 : i32
    %dma_start3A_16 = arith.constant 0 : i32
    %dma_start3A_17 = arith.constant 7808 : i32
    %dma_start3A_18 = tpu.memref_slice %arg10[%dma_start3A_16, %dma_start3A_17] : memref<3x31232xf32, #tpu.memory_space<vmem>> -> memref<3x7808xf32, #tpu.memory_space<vmem>>
    %dma_start3A_19 = arith.constant 0 : i32
    %dma_start3A_20 = tpu.memref_slice %arg2[%dma_start3A_19, %add3A_15] : memref<3x1000000xf32, #tpu.memory_space<hbm>> -> memref<3x7808xf32, #tpu.memory_space<hbm>>
    %dma_start3A_21 = arith.constant 0 : i32
    %dma_start3A_22 = arith.constant 7808 : i32
    %dma_start3A_23 = tpu.memref_slice %arg10[%dma_start3A_21, %dma_start3A_22] : memref<3x31232xf32, #tpu.memory_space<vmem>> -> memref<3x7808xf32, #tpu.memory_space<vmem>>
    %dma_start3A_24 = arith.constant 0 : i32
    %dma_start3A_25 = tpu.memref_slice %arg2[%dma_start3A_24, %add3A_15] : memref<3x1000000xf32, #tpu.memory_space<hbm>> -> memref<3x7808xf32, #tpu.memory_space<hbm>>
    tpu.enqueue_dma source(%dma_start3A_25 : memref<3x7808xf32, #tpu.memory_space<hbm>>) target(%dma_start3A_23 : memref<3x7808xf32, #tpu.memory_space<vmem>>) target_semaphore(%arg17 : memref<!tpu.dma_semaphore, #tpu.memory_space<semaphore_mem>>)
    %add3A_26 = arith.constant 15616 : i32
    %add3A_27 = arith.addi %multiple_of3A, %add3A_26 : i32
    %dma_start3A_28 = arith.constant 0 : i32
    %dma_start3A_29 = arith.constant 15616 : i32
    %dma_start3A_30 = tpu.memref_slice %arg10[%dma_start3A_28, %dma_start3A_29] : memref<3x31232xf32, #tpu.memory_space<vmem>> -> memref<3x7808xf32, #tpu.memory_space<vmem>>
    %dma_start3A_31 = arith.constant 0 : i32
    %dma_start3A_32 = tpu.memref_slice %arg2[%dma_start3A_31, %add3A_27] : memref<3x1000000xf32, #tpu.memory_space<hbm>> -> memref<3x7808xf32, #tpu.memory_space<hbm>>
    %dma_start3A_33 = arith.constant 0 : i32
    %dma_start3A_34 = arith.constant 15616 : i32
    %dma_start3A_35 = tpu.memref_slice %arg10[%dma_start3A_33, %dma_start3A_34] : memref<3x31232xf32, #tpu.memory_space<vmem>> -> memref<3x7808xf32, #tpu.memory_space<vmem>>
    %dma_start3A_36 = arith.constant 0 : i32
    %dma_start3A_37 = tpu.memref_slice %arg2[%dma_start3A_36, %add3A_27] : memref<3x1000000xf32, #tpu.memory_space<hbm>> -> memref<3x7808xf32, #tpu.memory_space<hbm>>
    tpu.enqueue_dma source(%dma_start3A_37 : memref<3x7808xf32, #tpu.memory_space<hbm>>) target(%dma_start3A_35 : memref<3x7808xf32, #tpu.memory_space<vmem>>) target_semaphore(%arg18 : memref<!tpu.dma_semaphore, #tpu.memory_space<semaphore_mem>>)
    %add3A_38 = arith.constant 23424 : i32
    %add3A_39 = arith.addi %multiple_of3A, %add3A_38 : i32
    %dma_start3A_40 = arith.constant 0 : i32
    %dma_start3A_41 = arith.constant 23424 : i32
    %dma_start3A_42 = tpu.memref_slice %arg10[%dma_start3A_40, %dma_start3A_41] : memref<3x31232xf32, #tpu.memory_space<vmem>> -> memref<3x7808xf32, #tpu.memory_space<vmem>>
    %dma_start3A_43 = arith.constant 0 : i32
    %dma_start3A_44 = tpu.memref_slice %arg2[%dma_start3A_43, %add3A_39] : memref<3x1000000xf32, #tpu.memory_space<hbm>> -> memref<3x7808xf32, #tpu.memory_space<hbm>>
    %dma_start3A_45 = arith.constant 0 : i32
    %dma_start3A_46 = arith.constant 23424 : i32
    %dma_start3A_47 = tpu.memref_slice %arg10[%dma_start3A_45, %dma_start3A_46] : memref<3x31232xf32, #tpu.memory_space<vmem>> -> memref<3x7808xf32, #tpu.memory_space<vmem>>
    %dma_start3A_48 = arith.constant 0 : i32
    %dma_start3A_49 = tpu.memref_slice %arg2[%dma_start3A_48, %add3A_39] : memref<3x1000000xf32, #tpu.memory_space<hbm>> -> memref<3x7808xf32, #tpu.memory_space<hbm>>
    tpu.enqueue_dma source(%dma_start3A_49 : memref<3x7808xf32, #tpu.memory_space<hbm>>) target(%dma_start3A_47 : memref<3x7808xf32, #tpu.memory_space<vmem>>) target_semaphore(%arg19 : memref<!tpu.dma_semaphore, #tpu.memory_space<semaphore_mem>>)
    "tpu.region"() ({
      %run_scoped3A = tpu.sem_alloc : memref<!tpu.dma_semaphore, #tpu.memory_space<semaphore_mem>>
      tpu.enqueue_dma source(%arg4 : memref<3x16xf32, #tpu.memory_space<hbm>>) target(%arg11 : memref<3x16xf32, #tpu.memory_space<vmem>>) target_semaphore(%run_scoped3A : memref<!tpu.dma_semaphore, #tpu.memory_space<semaphore_mem>>)
      tpu.wait_dma2 semaphore(%run_scoped3A : memref<!tpu.dma_semaphore, #tpu.memory_space<semaphore_mem>>) src(%arg4 : memref<3x16xf32, #tpu.memory_space<hbm>>) dst(%arg11 : memref<3x16xf32, #tpu.memory_space<vmem>>)
      tpu.yield
    }) : () -> ()
    %get3A = arith.constant 0 : i32
    %get3A_50 = arith.index_cast %get3A : i32 to index
    %get3A_51 = arith.constant 0 : index
    %get3A_52 = tpu.vector_load %arg11[%get3A_50, %get3A_51] {strides = array<i32>} : memref<3x16xf32, #tpu.memory_space<vmem>>, vector<16xf32>,
    %get3A_53 = arith.constant 1 : i32
    %get3A_54 = arith.index_cast %get3A_53 : i32 to index
    %get3A_55 = arith.constant 0 : index
    %get3A_56 = tpu.vector_load %arg11[%get3A_54, %get3A_55] {strides = array<i32>} : memref<3x16xf32, #tpu.memory_space<vmem>>, vector<16xf32>,
    %get3A_57 = arith.constant 2 : i32
    %get3A_58 = arith.index_cast %get3A_57 : i32 to index
    %get3A_59 = arith.constant 0 : index
    %get3A_60 = tpu.vector_load %arg11[%get3A_58, %get3A_59] {strides = array<i32>} : memref<3x16xf32, #tpu.memory_space<vmem>>, vector<16xf32>,
    %iota3A = tpu.iota {dimensions = array<i32: 0>} : vector<16xi32>
    %broadcast_in_dim3A = arith.constant 3.40282347E+38 : f32
    %broadcast_in_dim3A_61 = vector.broadcast %broadcast_in_dim3A : f32 to vector<16xf32>
    %broadcast_in_dim3A_62 = arith.constant 0 : i32
    %broadcast_in_dim3A_63 = vector.broadcast %broadcast_in_dim3A_62 : i32 to vector<16xi32>
    %add3A_64 = vector.broadcast %multiple_of3A : i32 to vector<16xi32>
    %add3A_65 = arith.addi %add3A_64, %iota3A : vector<16xi32>
    %dma_wait3A = arith.constant 0 : i32
    %dma_wait3A_66 = arith.constant 0 : i32
    %dma_wait3A_67 = tpu.memref_slice %arg10[%dma_wait3A, %dma_wait3A_66] : memref<3x31232xf32, #tpu.memory_space<vmem>> -> memref<3x7808xf32, #tpu.memory_space<vmem>>
    %dma_wait3A_68 = arith.constant 0 : i32
    %dma_wait3A_69 = tpu.memref_slice %arg2[%dma_wait3A_68, %add3A_4] : memref<3x1000000xf32, #tpu.memory_space<hbm>> -> memref<3x7808xf32, #tpu.memory_space<hbm>>
    %dma_wait3A_70 = arith.constant 0 : i32
    %dma_wait3A_71 = arith.constant 0 : i32
    %dma_wait3A_72 = tpu.memref_slice %arg10[%dma_wait3A_70, %dma_wait3A_71] : memref<3x31232xf32, #tpu.memory_space<vmem>> -> memref<3x7808xf32, #tpu.memory_space<vmem>>
    %dma_wait3A_73 = arith.constant 0 : i32
    %dma_wait3A_74 = tpu.memref_slice %arg2[%dma_wait3A_73, %add3A_4] : memref<3x1000000xf32, #tpu.memory_space<hbm>> -> memref<3x7808xf32, #tpu.memory_space<hbm>>
    tpu.wait_dma2 semaphore(%arg16 : memref<!tpu.dma_semaphore, #tpu.memory_space<semaphore_mem>>) src(%dma_wait3A_74 : memref<3x7808xf32, #tpu.memory_space<hbm>>) dst(%dma_wait3A_72 : memref<3x7808xf32, #tpu.memory_space<vmem>>)
    %scan3A = arith.constant 0 : i32
    %scan3A_75 = arith.constant 61 : i32
    %scan3A_76 = arith.addi %scan3A, %scan3A_75 : i32
    %scan3A_77 = arith.constant 1 : i32
    %scan3A_78:17 = scf.for %scan3A_184 = %scan3A to %scan3A_76 step %scan3A_77 iter_args(%scan3A_185 = %broadcast_in_dim3A_61, %scan3A_186 = %broadcast_in_dim3A_63, %scan3A_187 = %broadcast_in_dim3A_61, %scan3A_188 = %broadcast_in_dim3A_63, %scan3A_189 = %broadcast_in_dim3A_61, %scan3A_190 = %broadcast_in_dim3A_63, %scan3A_191 = %broadcast_in_dim3A_61, %scan3A_192 = %broadcast_in_dim3A_63, %scan3A_193 = %broadcast_in_dim3A_61, %scan3A_194 = %broadcast_in_dim3A_63, %scan3A_195 = %broadcast_in_dim3A_61, %scan3A_196 = %broadcast_in_dim3A_63, %scan3A_197 = %broadcast_in_dim3A_61, %scan3A_198 = %broadcast_in_dim3A_63, %scan3A_199 = %broadcast_in_dim3A_61, %scan3A_200 = %broadcast_in_dim3A_63, %scan3A_201 = %add3A_65) -> (vector<16xf32>, vector<16xi32>, vector<16xf32>, vector<16xi32>, vector<16xf32>, vector<16xi32>, vector<16xf32>, vector<16xi32>, vector<16xf32>, vector<16xi32>, vector<16xf32>, vector<16xi32>, vector<16xf32>, vector<16xi32>, vector<16xf32>, vector<16xi32>, vector<16xi32>)  : i32 {
      %mul3A_202 = arith.constant 128 : i32
      %mul3A_203 = arith.muli %scan3A_184, %mul3A_202 : i32
      %add3A_204 = arith.constant 0 : i32
      %add3A_205 = arith.addi %mul3A_203, %add3A_204 : i32
      %add3A_206 = arith.constant 0 : i32
      %add3A_207 = vector.broadcast %add3A_206 : i32 to vector<16xi32>
      %add3A_208 = arith.addi %scan3A_201, %add3A_207 : vector<16xi32>
      %get3A_209 = arith.constant 0 : i32
      %get3A_210 = arith.index_cast %get3A_209 : i32 to index
      %get3A_211 = arith.index_cast %add3A_205 : i32 to index
      %get3A_212 = tpu.vector_load %arg10[%get3A_210, %get3A_211] {strides = array<i32>} : memref<3x31232xf32, #tpu.memory_space<vmem>>, vector<16xf32>,
      %get3A_213 = arith.constant 1 : i32
      %get3A_214 = arith.index_cast %get3A_213 : i32 to index
      %get3A_215 = arith.index_cast %add3A_205 : i32 to index
      %get3A_216 = tpu.vector_load %arg10[%get3A_214, %get3A_215] {strides = array<i32>} : memref<3x31232xf32, #tpu.memory_space<vmem>>, vector<16xf32>,
      %get3A_217 = arith.constant 2 : i32
      %get3A_218 = arith.index_cast %get3A_217 : i32 to index
      %get3A_219 = arith.index_cast %add3A_205 : i32 to index
      %get3A_220 = tpu.vector_load %arg10[%get3A_218, %get3A_219] {strides = array<i32>} : memref<3x31232xf32, #tpu.memory_space<vmem>>, vector<16xf32>,
      %sub3A = arith.subf %get3A_212, %get3A_52 : vector<16xf32>
      %sub3A_221 = arith.subf %get3A_216, %get3A_56 : vector<16xf32>
      %sub3A_222 = arith.subf %get3A_220, %get3A_60 : vector<16xf32>
      %mul3A_223 = arith.mulf %sub3A, %sub3A : vector<16xf32>
      %mul3A_224 = arith.mulf %sub3A_221, %sub3A_221 : vector<16xf32>
      %add3A_225 = arith.addf %mul3A_223, %mul3A_224 : vector<16xf32>
      %mul3A_226 = arith.mulf %sub3A_222, %sub3A_222 : vector<16xf32>
      %add3A_227 = arith.addf %add3A_225, %mul3A_226 : vector<16xf32>
      %lt3A_228 = arith.cmpf olt, %add3A_227, %scan3A_185 : vector<16xf32>
      %select_n3A_229 = arith.select %lt3A_228, %add3A_227, %scan3A_185 : vector<16xi1>, vector<16xf32>
      %select_n3A_230 = arith.select %lt3A_228, %add3A_208, %scan3A_186 : vector<16xi1>, vector<16xi32>
      %add3A_231 = arith.constant 16 : i32
      %add3A_232 = arith.addi %mul3A_203, %add3A_231 : i32
      %add3A_233 = arith.constant 16 : i32
      %add3A_234 = vector.broadcast %add3A_233 : i32 to vector<16xi32>
      %add3A_235 = arith.addi %scan3A_201, %add3A_234 : vector<16xi32>
      %get3A_236 = arith.constant 0 : i32
      %get3A_237 = arith.index_cast %get3A_236 : i32 to index
      %get3A_238 = arith.index_cast %add3A_232 : i32 to index
      %get3A_239 = tpu.vector_load %arg10[%get3A_237, %get3A_238] {strides = array<i32>} : memref<3x31232xf32, #tpu.memory_space<vmem>>, vector<16xf32>,
      %get3A_240 = arith.constant 1 : i32
      %get3A_241 = arith.index_cast %get3A_240 : i32 to index
      %get3A_242 = arith.index_cast %add3A_232 : i32 to index
      %get3A_243 = tpu.vector_load %arg10[%get3A_241, %get3A_242] {strides = array<i32>} : memref<3x31232xf32, #tpu.memory_space<vmem>>, vector<16xf32>,
      %get3A_244 = arith.constant 2 : i32
      %get3A_245 = arith.index_cast %get3A_244 : i32 to index
      %get3A_246 = arith.index_cast %add3A_232 : i32 to index
      %get3A_247 = tpu.vector_load %arg10[%get3A_245, %get3A_246] {strides = array<i32>} : memref<3x31232xf32, #tpu.memory_space<vmem>>, vector<16xf32>,
      %sub3A_248 = arith.subf %get3A_239, %get3A_52 : vector<16xf32>
      %sub3A_249 = arith.subf %get3A_243, %get3A_56 : vector<16xf32>
      %sub3A_250 = arith.subf %get3A_247, %get3A_60 : vector<16xf32>
      %mul3A_251 = arith.mulf %sub3A_248, %sub3A_248 : vector<16xf32>
      %mul3A_252 = arith.mulf %sub3A_249, %sub3A_249 : vector<16xf32>
      %add3A_253 = arith.addf %mul3A_251, %mul3A_252 : vector<16xf32>
      %mul3A_254 = arith.mulf %sub3A_250, %sub3A_250 : vector<16xf32>
      %add3A_255 = arith.addf %add3A_253, %mul3A_254 : vector<16xf32>
      %lt3A_256 = arith.cmpf olt, %add3A_255, %scan3A_187 : vector<16xf32>
      %select_n3A_257 = arith.select %lt3A_256, %add3A_255, %scan3A_187 : vector<16xi1>, vector<16xf32>
      %select_n3A_258 = arith.select %lt3A_256, %add3A_235, %scan3A_188 : vector<16xi1>, vector<16xi32>
      %add3A_259 = arith.constant 32 : i32
      %add3A_260 = arith.addi %mul3A_203, %add3A_259 : i32
      %add3A_261 = arith.constant 32 : i32
      %add3A_262 = vector.broadcast %add3A_261 : i32 to vector<16xi32>
      %add3A_263 = arith.addi %scan3A_201, %add3A_262 : vector<16xi32>
      %get3A_264 = arith.constant 0 : i32
      %get3A_265 = arith.index_cast %get3A_264 : i32 to index
      %get3A_266 = arith.index_cast %add3A_260 : i32 to index
      %get3A_267 = tpu.vector_load %arg10[%get3A_265, %get3A_266] {strides = array<i32>} : memref<3x31232xf32, #tpu.memory_space<vmem>>, vector<16xf32>,
      %get3A_268 = arith.constant 1 : i32
      %get3A_269 = arith.index_cast %get3A_268 : i32 to index
      %get3A_270 = arith.index_cast %add3A_260 : i32 to index
      %get3A_271 = tpu.vector_load %arg10[%get3A_269, %get3A_270] {strides = array<i32>} : memref<3x31232xf32, #tpu.memory_space<vmem>>, vector<16xf32>,
      %get3A_272 = arith.constant 2 : i32
      %get3A_273 = arith.index_cast %get3A_272 : i32 to index
      %get3A_274 = arith.index_cast %add3A_260 : i32 to index
      %get3A_275 = tpu.vector_load %arg10[%get3A_273, %get3A_274] {strides = array<i32>} : memref<3x31232xf32, #tpu.memory_space<vmem>>, vector<16xf32>,
      %sub3A_276 = arith.subf %get3A_267, %get3A_52 : vector<16xf32>
      %sub3A_277 = arith.subf %get3A_271, %get3A_56 : vector<16xf32>
      %sub3A_278 = arith.subf %get3A_275, %get3A_60 : vector<16xf32>
      %mul3A_279 = arith.mulf %sub3A_276, %sub3A_276 : vector<16xf32>
      %mul3A_280 = arith.mulf %sub3A_277, %sub3A_277 : vector<16xf32>
      %add3A_281 = arith.addf %mul3A_279, %mul3A_280 : vector<16xf32>
      %mul3A_282 = arith.mulf %sub3A_278, %sub3A_278 : vector<16xf32>
      %add3A_283 = arith.addf %add3A_281, %mul3A_282 : vector<16xf32>
      %lt3A_284 = arith.cmpf olt, %add3A_283, %scan3A_189 : vector<16xf32>
      %select_n3A_285 = arith.select %lt3A_284, %add3A_283, %scan3A_189 : vector<16xi1>, vector<16xf32>
      %select_n3A_286 = arith.select %lt3A_284, %add3A_263, %scan3A_190 : vector<16xi1>, vector<16xi32>
      %add3A_287 = arith.constant 48 : i32
      %add3A_288 = arith.addi %mul3A_203, %add3A_287 : i32
      %add3A_289 = arith.constant 48 : i32
      %add3A_290 = vector.broadcast %add3A_289 : i32 to vector<16xi32>
      %add3A_291 = arith.addi %scan3A_201, %add3A_290 : vector<16xi32>
      %get3A_292 = arith.constant 0 : i32
      %get3A_293 = arith.index_cast %get3A_292 : i32 to index
      %get3A_294 = arith.index_cast %add3A_288 : i32 to index
      %get3A_295 = tpu.vector_load %arg10[%get3A_293, %get3A_294] {strides = array<i32>} : memref<3x31232xf32, #tpu.memory_space<vmem>>, vector<16xf32>,
      %get3A_296 = arith.constant 1 : i32
      %get3A_297 = arith.index_cast %get3A_296 : i32 to index
      %get3A_298 = arith.index_cast %add3A_288 : i32 to index
      %get3A_299 = tpu.vector_load %arg10[%get3A_297, %get3A_298] {strides = array<i32>} : memref<3x31232xf32, #tpu.memory_space<vmem>>, vector<16xf32>,
      %get3A_300 = arith.constant 2 : i32
      %get3A_301 = arith.index_cast %get3A_300 : i32 to index
      %get3A_302 = arith.index_cast %add3A_288 : i32 to index
      %get3A_303 = tpu.vector_load %arg10[%get3A_301, %get3A_302] {strides = array<i32>} : memref<3x31232xf32, #tpu.memory_space<vmem>>, vector<16xf32>,
      %sub3A_304 = arith.subf %get3A_295, %get3A_52 : vector<16xf32>
      %sub3A_305 = arith.subf %get3A_299, %get3A_56 : vector<16xf32>
      %sub3A_306 = arith.subf %get3A_303, %get3A_60 : vector<16xf32>
      %mul3A_307 = arith.mulf %sub3A_304, %sub3A_304 : vector<16xf32>
      %mul3A_308 = arith.mulf %sub3A_305, %sub3A_305 : vector<16xf32>
      %add3A_309 = arith.addf %mul3A_307, %mul3A_308 : vector<16xf32>
      %mul3A_310 = arith.mulf %sub3A_306, %sub3A_306 : vector<16xf32>
      %add3A_311 = arith.addf %add3A_309, %mul3A_310 : vector<16xf32>
      %lt3A_312 = arith.cmpf olt, %add3A_311, %scan3A_191 : vector<16xf32>
      %select_n3A_313 = arith.select %lt3A_312, %add3A_311, %scan3A_191 : vector<16xi1>, vector<16xf32>
      %select_n3A_314 = arith.select %lt3A_312, %add3A_291, %scan3A_192 : vector<16xi1>, vector<16xi32>
      %add3A_315 = arith.constant 64 : i32
      %add3A_316 = arith.addi %mul3A_203, %add3A_315 : i32
      %add3A_317 = arith.constant 64 : i32
      %add3A_318 = vector.broadcast %add3A_317 : i32 to vector<16xi32>
      %add3A_319 = arith.addi %scan3A_201, %add3A_318 : vector<16xi32>
      %get3A_320 = arith.constant 0 : i32
      %get3A_321 = arith.index_cast %get3A_320 : i32 to index
      %get3A_322 = arith.index_cast %add3A_316 : i32 to index
      %get3A_323 = tpu.vector_load %arg10[%get3A_321, %get3A_322] {strides = array<i32>} : memref<3x31232xf32, #tpu.memory_space<vmem>>, vector<16xf32>,
      %get3A_324 = arith.constant 1 : i32
      %get3A_325 = arith.index_cast %get3A_324 : i32 to index
      %get3A_326 = arith.index_cast %add3A_316 : i32 to index
      %get3A_327 = tpu.vector_load %arg10[%get3A_325, %get3A_326] {strides = array<i32>} : memref<3x31232xf32, #tpu.memory_space<vmem>>, vector<16xf32>,
      %get3A_328 = arith.constant 2 : i32
      %get3A_329 = arith.index_cast %get3A_328 : i32 to index
      %get3A_330 = arith.index_cast %add3A_316 : i32 to index
      %get3A_331 = tpu.vector_load %arg10[%get3A_329, %get3A_330] {strides = array<i32>} : memref<3x31232xf32, #tpu.memory_space<vmem>>, vector<16xf32>,
      %sub3A_332 = arith.subf %get3A_323, %get3A_52 : vector<16xf32>
      %sub3A_333 = arith.subf %get3A_327, %get3A_56 : vector<16xf32>
      %sub3A_334 = arith.subf %get3A_331, %get3A_60 : vector<16xf32>
      %mul3A_335 = arith.mulf %sub3A_332, %sub3A_332 : vector<16xf32>
      %mul3A_336 = arith.mulf %sub3A_333, %sub3A_333 : vector<16xf32>
      %add3A_337 = arith.addf %mul3A_335, %mul3A_336 : vector<16xf32>
      %mul3A_338 = arith.mulf %sub3A_334, %sub3A_334 : vector<16xf32>
      %add3A_339 = arith.addf %add3A_337, %mul3A_338 : vector<16xf32>
      %lt3A_340 = arith.cmpf olt, %add3A_339, %scan3A_193 : vector<16xf32>
      %select_n3A_341 = arith.select %lt3A_340, %add3A_339, %scan3A_193 : vector<16xi1>, vector<16xf32>
      %select_n3A_342 = arith.select %lt3A_340, %add3A_319, %scan3A_194 : vector<16xi1>, vector<16xi32>
      %add3A_343 = arith.constant 80 : i32
      %add3A_344 = arith.addi %mul3A_203, %add3A_343 : i32
      %add3A_345 = arith.constant 80 : i32
      %add3A_346 = vector.broadcast %add3A_345 : i32 to vector<16xi32>
      %add3A_347 = arith.addi %scan3A_201, %add3A_346 : vector<16xi32>
      %get3A_348 = arith.constant 0 : i32
      %get3A_349 = arith.index_cast %get3A_348 : i32 to index
      %get3A_350 = arith.index_cast %add3A_344 : i32 to index
      %get3A_351 = tpu.vector_load %arg10[%get3A_349, %get3A_350] {strides = array<i32>} : memref<3x31232xf32, #tpu.memory_space<vmem>>, vector<16xf32>,
      %get3A_352 = arith.constant 1 : i32
      %get3A_353 = arith.index_cast %get3A_352 : i32 to index
      %get3A_354 = arith.index_cast %add3A_344 : i32 to index
      %get3A_355 = tpu.vector_load %arg10[%get3A_353, %get3A_354] {strides = array<i32>} : memref<3x31232xf32, #tpu.memory_space<vmem>>, vector<16xf32>,
      %get3A_356 = arith.constant 2 : i32
      %get3A_357 = arith.index_cast %get3A_356 : i32 to index
      %get3A_358 = arith.index_cast %add3A_344 : i32 to index
      %get3A_359 = tpu.vector_load %arg10[%get3A_357, %get3A_358] {strides = array<i32>} : memref<3x31232xf32, #tpu.memory_space<vmem>>, vector<16xf32>,
      %sub3A_360 = arith.subf %get3A_351, %get3A_52 : vector<16xf32>
      %sub3A_361 = arith.subf %get3A_355, %get3A_56 : vector<16xf32>
      %sub3A_362 = arith.subf %get3A_359, %get3A_60 : vector<16xf32>
      %mul3A_363 = arith.mulf %sub3A_360, %sub3A_360 : vector<16xf32>
      %mul3A_364 = arith.mulf %sub3A_361, %sub3A_361 : vector<16xf32>
      %add3A_365 = arith.addf %mul3A_363, %mul3A_364 : vector<16xf32>
      %mul3A_366 = arith.mulf %sub3A_362, %sub3A_362 : vector<16xf32>
      %add3A_367 = arith.addf %add3A_365, %mul3A_366 : vector<16xf32>
      %lt3A_368 = arith.cmpf olt, %add3A_367, %scan3A_195 : vector<16xf32>
      %select_n3A_369 = arith.select %lt3A_368, %add3A_367, %scan3A_195 : vector<16xi1>, vector<16xf32>
      %select_n3A_370 = arith.select %lt3A_368, %add3A_347, %scan3A_196 : vector<16xi1>, vector<16xi32>
      %add3A_371 = arith.constant 96 : i32
      %add3A_372 = arith.addi %mul3A_203, %add3A_371 : i32
      %add3A_373 = arith.constant 96 : i32
      %add3A_374 = vector.broadcast %add3A_373 : i32 to vector<16xi32>
      %add3A_375 = arith.addi %scan3A_201, %add3A_374 : vector<16xi32>
      %get3A_376 = arith.constant 0 : i32
      %get3A_377 = arith.index_cast %get3A_376 : i32 to index
      %get3A_378 = arith.index_cast %add3A_372 : i32 to index
      %get3A_379 = tpu.vector_load %arg10[%get3A_377, %get3A_378] {strides = array<i32>} : memref<3x31232xf32, #tpu.memory_space<vmem>>, vector<16xf32>,
      %get3A_380 = arith.constant 1 : i32
      %get3A_381 = arith.index_cast %get3A_380 : i32 to index
      %get3A_382 = arith.index_cast %add3A_372 : i32 to index
      %get3A_383 = tpu.vector_load %arg10[%get3A_381, %get3A_382] {strides = array<i32>} : memref<3x31232xf32, #tpu.memory_space<vmem>>, vector<16xf32>,
      %get3A_384 = arith.constant 2 : i32
      %get3A_385 = arith.index_cast %get3A_384 : i32 to index
      %get3A_386 = arith.index_cast %add3A_372 : i32 to index
      %get3A_387 = tpu.vector_load %arg10[%get3A_385, %get3A_386] {strides = array<i32>} : memref<3x31232xf32, #tpu.memory_space<vmem>>, vector<16xf32>,
      %sub3A_388 = arith.subf %get3A_379, %get3A_52 : vector<16xf32>
      %sub3A_389 = arith.subf %get3A_383, %get3A_56 : vector<16xf32>
      %sub3A_390 = arith.subf %get3A_387, %get3A_60 : vector<16xf32>
      %mul3A_391 = arith.mulf %sub3A_388, %sub3A_388 : vector<16xf32>
      %mul3A_392 = arith.mulf %sub3A_389, %sub3A_389 : vector<16xf32>
      %add3A_393 = arith.addf %mul3A_391, %mul3A_392 : vector<16xf32>
      %mul3A_394 = arith.mulf %sub3A_390, %sub3A_390 : vector<16xf32>
      %add3A_395 = arith.addf %add3A_393, %mul3A_394 : vector<16xf32>
      %lt3A_396 = arith.cmpf olt, %add3A_395, %scan3A_197 : vector<16xf32>
      %select_n3A_397 = arith.select %lt3A_396, %add3A_395, %scan3A_197 : vector<16xi1>, vector<16xf32>
      %select_n3A_398 = arith.select %lt3A_396, %add3A_375, %scan3A_198 : vector<16xi1>, vector<16xi32>
      %add3A_399 = arith.constant 112 : i32
      %add3A_400 = arith.addi %mul3A_203, %add3A_399 : i32
      %add3A_401 = arith.constant 112 : i32
      %add3A_402 = vector.broadcast %add3A_401 : i32 to vector<16xi32>
      %add3A_403 = arith.addi %scan3A_201, %add3A_402 : vector<16xi32>
      %get3A_404 = arith.constant 0 : i32
      %get3A_405 = arith.index_cast %get3A_404 : i32 to index
      %get3A_406 = arith.index_cast %add3A_400 : i32 to index
      %get3A_407 = tpu.vector_load %arg10[%get3A_405, %get3A_406] {strides = array<i32>} : memref<3x31232xf32, #tpu.memory_space<vmem>>, vector<16xf32>,
      %get3A_408 = arith.constant 1 : i32
      %get3A_409 = arith.index_cast %get3A_408 : i32 to index
      %get3A_410 = arith.index_cast %add3A_400 : i32 to index
      %get3A_411 = tpu.vector_load %arg10[%get3A_409, %get3A_410] {strides = array<i32>} : memref<3x31232xf32, #tpu.memory_space<vmem>>, vector<16xf32>,
      %get3A_412 = arith.constant 2 : i32
      %get3A_413 = arith.index_cast %get3A_412 : i32 to index
      %get3A_414 = arith.index_cast %add3A_400 : i32 to index
      %get3A_415 = tpu.vector_load %arg10[%get3A_413, %get3A_414] {strides = array<i32>} : memref<3x31232xf32, #tpu.memory_space<vmem>>, vector<16xf32>,
      %sub3A_416 = arith.subf %get3A_407, %get3A_52 : vector<16xf32>
      %sub3A_417 = arith.subf %get3A_411, %get3A_56 : vector<16xf32>
      %sub3A_418 = arith.subf %get3A_415, %get3A_60 : vector<16xf32>
      %mul3A_419 = arith.mulf %sub3A_416, %sub3A_416 : vector<16xf32>
      %mul3A_420 = arith.mulf %sub3A_417, %sub3A_417 : vector<16xf32>
      %add3A_421 = arith.addf %mul3A_419, %mul3A_420 : vector<16xf32>
      %mul3A_422 = arith.mulf %sub3A_418, %sub3A_418 : vector<16xf32>
      %add3A_423 = arith.addf %add3A_421, %mul3A_422 : vector<16xf32>
      %lt3A_424 = arith.cmpf olt, %add3A_423, %scan3A_199 : vector<16xf32>
      %select_n3A_425 = arith.select %lt3A_424, %add3A_423, %scan3A_199 : vector<16xi1>, vector<16xf32>
      %select_n3A_426 = arith.select %lt3A_424, %add3A_403, %scan3A_200 : vector<16xi1>, vector<16xi32>
      %add3A_427 = arith.constant 128 : i32
      %add3A_428 = vector.broadcast %add3A_427 : i32 to vector<16xi32>
      %add3A_429 = arith.addi %scan3A_201, %add3A_428 : vector<16xi32>
      scf.yield %select_n3A_229, %select_n3A_230, %select_n3A_257, %select_n3A_258, %select_n3A_285, %select_n3A_286, %select_n3A_313, %select_n3A_314, %select_n3A_341, %select_n3A_342, %select_n3A_369, %select_n3A_370, %select_n3A_397, %select_n3A_398, %select_n3A_425, %select_n3A_426, %add3A_429 : vector<16xf32>, vector<16xi32>, vector<16xf32>, vector<16xi32>, vector<16xf32>, vector<16xi32>, vector<16xf32>, vector<16xi32>, vector<16xf32>, vector<16xi32>, vector<16xf32>, vector<16xi32>, vector<16xf32>, vector<16xi32>, vector<16xf32>, vector<16xi32>, vector<16xi32>
    }
    %scan3A_79 = arith.constant 61 : i32
    %dma_wait3A_80 = arith.constant 0 : i32
    %dma_wait3A_81 = arith.constant 7808 : i32
    %dma_wait3A_82 = tpu.memref_slice %arg10[%dma_wait3A_80, %dma_wait3A_81] : memref<3x31232xf32, #tpu.memory_space<vmem>> -> memref<3x7808xf32, #tpu.memory_space<vmem>>
    %dma_wait3A_83 = arith.constant 0 : i32
    %dma_wait3A_84 = tpu.memref_slice %arg2[%dma_wait3A_83, %add3A_15] : memref<3x1000000xf32, #tpu.memory_space<hbm>> -> memref<3x7808xf32, #tpu.memory_space<hbm>>
    %dma_wait3A_85 = arith.constant 0 : i32
    %dma_wait3A_86 = arith.constant 7808 : i32
    %dma_wait3A_87 = tpu.memref_slice %arg10[%dma_wait3A_85, %dma_wait3A_86] : memref<3x31232xf32, #tpu.memory_space<vmem>> -> memref<3x7808xf32, #tpu.memory_space<vmem>>
    %dma_wait3A_88 = arith.constant 0 : i32
    %dma_wait3A_89 = tpu.memref_slice %arg2[%dma_wait3A_88, %add3A_15] : memref<3x1000000xf32, #tpu.memory_space<hbm>> -> memref<3x7808xf32, #tpu.memory_space<hbm>>
    tpu.wait_dma2 semaphore(%arg17 : memref<!tpu.dma_semaphore, #tpu.memory_space<semaphore_mem>>) src(%dma_wait3A_89 : memref<3x7808xf32, #tpu.memory_space<hbm>>) dst(%dma_wait3A_87 : memref<3x7808xf32, #tpu.memory_space<vmem>>)
    %scan3A_90 = arith.constant 61 : i32
    %scan3A_91 = arith.constant 61 : i32
    %scan3A_92 = arith.addi %scan3A_90, %scan3A_91 : i32
    %scan3A_93 = arith.constant 1 : i32
    %scan3A_94:17 = scf.for %scan3A_184 = %scan3A_90 to %scan3A_92 step %scan3A_93 iter_args(%scan3A_185 = %scan3A_78#0, %scan3A_186 = %scan3A_78#1, %scan3A_187 = %scan3A_78#2, %scan3A_188 = %scan3A_78#3, %scan3A_189 = %scan3A_78#4, %scan3A_190 = %scan3A_78#5, %scan3A_191 = %scan3A_78#6, %scan3A_192 = %scan3A_78#7, %scan3A_193 = %scan3A_78#8, %scan3A_194 = %scan3A_78#9, %scan3A_195 = %scan3A_78#10, %scan3A_196 = %scan3A_78#11, %scan3A_197 = %scan3A_78#12, %scan3A_198 = %scan3A_78#13, %scan3A_199 = %scan3A_78#14, %scan3A_200 = %scan3A_78#15, %scan3A_201 = %scan3A_78#16) -> (vector<16xf32>, vector<16xi32>, vector<16xf32>, vector<16xi32>, vector<16xf32>, vector<16xi32>, vector<16xf32>, vector<16xi32>, vector<16xf32>, vector<16xi32>, vector<16xf32>, vector<16xi32>, vector<16xf32>, vector<16xi32>, vector<16xf32>, vector<16xi32>, vector<16xi32>)  : i32 {
      %mul3A_202 = arith.constant 128 : i32
      %mul3A_203 = arith.muli %scan3A_184, %mul3A_202 : i32
      %add3A_204 = arith.constant 0 : i32
      %add3A_205 = arith.addi %mul3A_203, %add3A_204 : i32
      %add3A_206 = arith.constant 0 : i32
      %add3A_207 = vector.broadcast %add3A_206 : i32 to vector<16xi32>
      %add3A_208 = arith.addi %scan3A_201, %add3A_207 : vector<16xi32>
      %get3A_209 = arith.constant 0 : i32
      %get3A_210 = arith.index_cast %get3A_209 : i32 to index
      %get3A_211 = arith.index_cast %add3A_205 : i32 to index
      %get3A_212 = tpu.vector_load %arg10[%get3A_210, %get3A_211] {strides = array<i32>} : memref<3x31232xf32, #tpu.memory_space<vmem>>, vector<16xf32>,
      %get3A_213 = arith.constant 1 : i32
      %get3A_214 = arith.index_cast %get3A_213 : i32 to index
      %get3A_215 = arith.index_cast %add3A_205 : i32 to index
      %get3A_216 = tpu.vector_load %arg10[%get3A_214, %get3A_215] {strides = array<i32>} : memref<3x31232xf32, #tpu.memory_space<vmem>>, vector<16xf32>,
      %get3A_217 = arith.constant 2 : i32
      %get3A_218 = arith.index_cast %get3A_217 : i32 to index
      %get3A_219 = arith.index_cast %add3A_205 : i32 to index
      %get3A_220 = tpu.vector_load %arg10[%get3A_218, %get3A_219] {strides = array<i32>} : memref<3x31232xf32, #tpu.memory_space<vmem>>, vector<16xf32>,
      %sub3A = arith.subf %get3A_212, %get3A_52 : vector<16xf32>
      %sub3A_221 = arith.subf %get3A_216, %get3A_56 : vector<16xf32>
      %sub3A_222 = arith.subf %get3A_220, %get3A_60 : vector<16xf32>
      %mul3A_223 = arith.mulf %sub3A, %sub3A : vector<16xf32>
      %mul3A_224 = arith.mulf %sub3A_221, %sub3A_221 : vector<16xf32>
      %add3A_225 = arith.addf %mul3A_223, %mul3A_224 : vector<16xf32>
      %mul3A_226 = arith.mulf %sub3A_222, %sub3A_222 : vector<16xf32>
      %add3A_227 = arith.addf %add3A_225, %mul3A_226 : vector<16xf32>
      %lt3A_228 = arith.cmpf olt, %add3A_227, %scan3A_185 : vector<16xf32>
      %select_n3A_229 = arith.select %lt3A_228, %add3A_227, %scan3A_185 : vector<16xi1>, vector<16xf32>
      %select_n3A_230 = arith.select %lt3A_228, %add3A_208, %scan3A_186 : vector<16xi1>, vector<16xi32>
      %add3A_231 = arith.constant 16 : i32
      %add3A_232 = arith.addi %mul3A_203, %add3A_231 : i32
      %add3A_233 = arith.constant 16 : i32
      %add3A_234 = vector.broadcast %add3A_233 : i32 to vector<16xi32>
      %add3A_235 = arith.addi %scan3A_201, %add3A_234 : vector<16xi32>
      %get3A_236 = arith.constant 0 : i32
      %get3A_237 = arith.index_cast %get3A_236 : i32 to index
      %get3A_238 = arith.index_cast %add3A_232 : i32 to index
      %get3A_239 = tpu.vector_load %arg10[%get3A_237, %get3A_238] {strides = array<i32>} : memref<3x31232xf32, #tpu.memory_space<vmem>>, vector<16xf32>,
      %get3A_240 = arith.constant 1 : i32
      %get3A_241 = arith.index_cast %get3A_240 : i32 to index
      %get3A_242 = arith.index_cast %add3A_232 : i32 to index
      %get3A_243 = tpu.vector_load %arg10[%get3A_241, %get3A_242] {strides = array<i32>} : memref<3x31232xf32, #tpu.memory_space<vmem>>, vector<16xf32>,
      %get3A_244 = arith.constant 2 : i32
      %get3A_245 = arith.index_cast %get3A_244 : i32 to index
      %get3A_246 = arith.index_cast %add3A_232 : i32 to index
      %get3A_247 = tpu.vector_load %arg10[%get3A_245, %get3A_246] {strides = array<i32>} : memref<3x31232xf32, #tpu.memory_space<vmem>>, vector<16xf32>,
      %sub3A_248 = arith.subf %get3A_239, %get3A_52 : vector<16xf32>
      %sub3A_249 = arith.subf %get3A_243, %get3A_56 : vector<16xf32>
      %sub3A_250 = arith.subf %get3A_247, %get3A_60 : vector<16xf32>
      %mul3A_251 = arith.mulf %sub3A_248, %sub3A_248 : vector<16xf32>
      %mul3A_252 = arith.mulf %sub3A_249, %sub3A_249 : vector<16xf32>
      %add3A_253 = arith.addf %mul3A_251, %mul3A_252 : vector<16xf32>
      %mul3A_254 = arith.mulf %sub3A_250, %sub3A_250 : vector<16xf32>
      %add3A_255 = arith.addf %add3A_253, %mul3A_254 : vector<16xf32>
      %lt3A_256 = arith.cmpf olt, %add3A_255, %scan3A_187 : vector<16xf32>
      %select_n3A_257 = arith.select %lt3A_256, %add3A_255, %scan3A_187 : vector<16xi1>, vector<16xf32>
      %select_n3A_258 = arith.select %lt3A_256, %add3A_235, %scan3A_188 : vector<16xi1>, vector<16xi32>
      %add3A_259 = arith.constant 32 : i32
      %add3A_260 = arith.addi %mul3A_203, %add3A_259 : i32
      %add3A_261 = arith.constant 32 : i32
      %add3A_262 = vector.broadcast %add3A_261 : i32 to vector<16xi32>
      %add3A_263 = arith.addi %scan3A_201, %add3A_262 : vector<16xi32>
      %get3A_264 = arith.constant 0 : i32
      %get3A_265 = arith.index_cast %get3A_264 : i32 to index
      %get3A_266 = arith.index_cast %add3A_260 : i32 to index
      %get3A_267 = tpu.vector_load %arg10[%get3A_265, %get3A_266] {strides = array<i32>} : memref<3x31232xf32, #tpu.memory_space<vmem>>, vector<16xf32>,
      %get3A_268 = arith.constant 1 : i32
      %get3A_269 = arith.index_cast %get3A_268 : i32 to index
      %get3A_270 = arith.index_cast %add3A_260 : i32 to index
      %get3A_271 = tpu.vector_load %arg10[%get3A_269, %get3A_270] {strides = array<i32>} : memref<3x31232xf32, #tpu.memory_space<vmem>>, vector<16xf32>,
      %get3A_272 = arith.constant 2 : i32
      %get3A_273 = arith.index_cast %get3A_272 : i32 to index
      %get3A_274 = arith.index_cast %add3A_260 : i32 to index
      %get3A_275 = tpu.vector_load %arg10[%get3A_273, %get3A_274] {strides = array<i32>} : memref<3x31232xf32, #tpu.memory_space<vmem>>, vector<16xf32>,
      %sub3A_276 = arith.subf %get3A_267, %get3A_52 : vector<16xf32>
      %sub3A_277 = arith.subf %get3A_271, %get3A_56 : vector<16xf32>
      %sub3A_278 = arith.subf %get3A_275, %get3A_60 : vector<16xf32>
      %mul3A_279 = arith.mulf %sub3A_276, %sub3A_276 : vector<16xf32>
      %mul3A_280 = arith.mulf %sub3A_277, %sub3A_277 : vector<16xf32>
      %add3A_281 = arith.addf %mul3A_279, %mul3A_280 : vector<16xf32>
      %mul3A_282 = arith.mulf %sub3A_278, %sub3A_278 : vector<16xf32>
      %add3A_283 = arith.addf %add3A_281, %mul3A_282 : vector<16xf32>
      %lt3A_284 = arith.cmpf olt, %add3A_283, %scan3A_189 : vector<16xf32>
      %select_n3A_285 = arith.select %lt3A_284, %add3A_283, %scan3A_189 : vector<16xi1>, vector<16xf32>
      %select_n3A_286 = arith.select %lt3A_284, %add3A_263, %scan3A_190 : vector<16xi1>, vector<16xi32>
      %add3A_287 = arith.constant 48 : i32
      %add3A_288 = arith.addi %mul3A_203, %add3A_287 : i32
      %add3A_289 = arith.constant 48 : i32
      %add3A_290 = vector.broadcast %add3A_289 : i32 to vector<16xi32>
      %add3A_291 = arith.addi %scan3A_201, %add3A_290 : vector<16xi32>
      %get3A_292 = arith.constant 0 : i32
      %get3A_293 = arith.index_cast %get3A_292 : i32 to index
      %get3A_294 = arith.index_cast %add3A_288 : i32 to index
      %get3A_295 = tpu.vector_load %arg10[%get3A_293, %get3A_294] {strides = array<i32>} : memref<3x31232xf32, #tpu.memory_space<vmem>>, vector<16xf32>,
      %get3A_296 = arith.constant 1 : i32
      %get3A_297 = arith.index_cast %get3A_296 : i32 to index
      %get3A_298 = arith.index_cast %add3A_288 : i32 to index
      %get3A_299 = tpu.vector_load %arg10[%get3A_297, %get3A_298] {strides = array<i32>} : memref<3x31232xf32, #tpu.memory_space<vmem>>, vector<16xf32>,
      %get3A_300 = arith.constant 2 : i32
      %get3A_301 = arith.index_cast %get3A_300 : i32 to index
      %get3A_302 = arith.index_cast %add3A_288 : i32 to index
      %get3A_303 = tpu.vector_load %arg10[%get3A_301, %get3A_302] {strides = array<i32>} : memref<3x31232xf32, #tpu.memory_space<vmem>>, vector<16xf32>,
      %sub3A_304 = arith.subf %get3A_295, %get3A_52 : vector<16xf32>
      %sub3A_305 = arith.subf %get3A_299, %get3A_56 : vector<16xf32>
      %sub3A_306 = arith.subf %get3A_303, %get3A_60 : vector<16xf32>
      %mul3A_307 = arith.mulf %sub3A_304, %sub3A_304 : vector<16xf32>
      %mul3A_308 = arith.mulf %sub3A_305, %sub3A_305 : vector<16xf32>
      %add3A_309 = arith.addf %mul3A_307, %mul3A_308 : vector<16xf32>
      %mul3A_310 = arith.mulf %sub3A_306, %sub3A_306 : vector<16xf32>
      %add3A_311 = arith.addf %add3A_309, %mul3A_310 : vector<16xf32>
      %lt3A_312 = arith.cmpf olt, %add3A_311, %scan3A_191 : vector<16xf32>
      %select_n3A_313 = arith.select %lt3A_312, %add3A_311, %scan3A_191 : vector<16xi1>, vector<16xf32>
      %select_n3A_314 = arith.select %lt3A_312, %add3A_291, %scan3A_192 : vector<16xi1>, vector<16xi32>
      %add3A_315 = arith.constant 64 : i32
      %add3A_316 = arith.addi %mul3A_203, %add3A_315 : i32
      %add3A_317 = arith.constant 64 : i32
      %add3A_318 = vector.broadcast %add3A_317 : i32 to vector<16xi32>
      %add3A_319 = arith.addi %scan3A_201, %add3A_318 : vector<16xi32>
      %get3A_320 = arith.constant 0 : i32
      %get3A_321 = arith.index_cast %get3A_320 : i32 to index
      %get3A_322 = arith.index_cast %add3A_316 : i32 to index
      %get3A_323 = tpu.vector_load %arg10[%get3A_321, %get3A_322] {strides = array<i32>} : memref<3x31232xf32, #tpu.memory_space<vmem>>, vector<16xf32>,
      %get3A_324 = arith.constant 1 : i32
      %get3A_325 = arith.index_cast %get3A_324 : i32 to index
      %get3A_326 = arith.index_cast %add3A_316 : i32 to index
      %get3A_327 = tpu.vector_load %arg10[%get3A_325, %get3A_326] {strides = array<i32>} : memref<3x31232xf32, #tpu.memory_space<vmem>>, vector<16xf32>,
      %get3A_328 = arith.constant 2 : i32
      %get3A_329 = arith.index_cast %get3A_328 : i32 to index
      %get3A_330 = arith.index_cast %add3A_316 : i32 to index
      %get3A_331 = tpu.vector_load %arg10[%get3A_329, %get3A_330] {strides = array<i32>} : memref<3x31232xf32, #tpu.memory_space<vmem>>, vector<16xf32>,
      %sub3A_332 = arith.subf %get3A_323, %get3A_52 : vector<16xf32>
      %sub3A_333 = arith.subf %get3A_327, %get3A_56 : vector<16xf32>
      %sub3A_334 = arith.subf %get3A_331, %get3A_60 : vector<16xf32>
      %mul3A_335 = arith.mulf %sub3A_332, %sub3A_332 : vector<16xf32>
      %mul3A_336 = arith.mulf %sub3A_333, %sub3A_333 : vector<16xf32>
      %add3A_337 = arith.addf %mul3A_335, %mul3A_336 : vector<16xf32>
      %mul3A_338 = arith.mulf %sub3A_334, %sub3A_334 : vector<16xf32>
      %add3A_339 = arith.addf %add3A_337, %mul3A_338 : vector<16xf32>
      %lt3A_340 = arith.cmpf olt, %add3A_339, %scan3A_193 : vector<16xf32>
      %select_n3A_341 = arith.select %lt3A_340, %add3A_339, %scan3A_193 : vector<16xi1>, vector<16xf32>
      %select_n3A_342 = arith.select %lt3A_340, %add3A_319, %scan3A_194 : vector<16xi1>, vector<16xi32>
      %add3A_343 = arith.constant 80 : i32
      %add3A_344 = arith.addi %mul3A_203, %add3A_343 : i32
      %add3A_345 = arith.constant 80 : i32
      %add3A_346 = vector.broadcast %add3A_345 : i32 to vector<16xi32>
      %add3A_347 = arith.addi %scan3A_201, %add3A_346 : vector<16xi32>
      %get3A_348 = arith.constant 0 : i32
      %get3A_349 = arith.index_cast %get3A_348 : i32 to index
      %get3A_350 = arith.index_cast %add3A_344 : i32 to index
      %get3A_351 = tpu.vector_load %arg10[%get3A_349, %get3A_350] {strides = array<i32>} : memref<3x31232xf32, #tpu.memory_space<vmem>>, vector<16xf32>,
      %get3A_352 = arith.constant 1 : i32
      %get3A_353 = arith.index_cast %get3A_352 : i32 to index
      %get3A_354 = arith.index_cast %add3A_344 : i32 to index
      %get3A_355 = tpu.vector_load %arg10[%get3A_353, %get3A_354] {strides = array<i32>} : memref<3x31232xf32, #tpu.memory_space<vmem>>, vector<16xf32>,
      %get3A_356 = arith.constant 2 : i32
      %get3A_357 = arith.index_cast %get3A_356 : i32 to index
      %get3A_358 = arith.index_cast %add3A_344 : i32 to index
      %get3A_359 = tpu.vector_load %arg10[%get3A_357, %get3A_358] {strides = array<i32>} : memref<3x31232xf32, #tpu.memory_space<vmem>>, vector<16xf32>,
      %sub3A_360 = arith.subf %get3A_351, %get3A_52 : vector<16xf32>
      %sub3A_361 = arith.subf %get3A_355, %get3A_56 : vector<16xf32>
      %sub3A_362 = arith.subf %get3A_359, %get3A_60 : vector<16xf32>
      %mul3A_363 = arith.mulf %sub3A_360, %sub3A_360 : vector<16xf32>
      %mul3A_364 = arith.mulf %sub3A_361, %sub3A_361 : vector<16xf32>
      %add3A_365 = arith.addf %mul3A_363, %mul3A_364 : vector<16xf32>
      %mul3A_366 = arith.mulf %sub3A_362, %sub3A_362 : vector<16xf32>
      %add3A_367 = arith.addf %add3A_365, %mul3A_366 : vector<16xf32>
      %lt3A_368 = arith.cmpf olt, %add3A_367, %scan3A_195 : vector<16xf32>
      %select_n3A_369 = arith.select %lt3A_368, %add3A_367, %scan3A_195 : vector<16xi1>, vector<16xf32>
      %select_n3A_370 = arith.select %lt3A_368, %add3A_347, %scan3A_196 : vector<16xi1>, vector<16xi32>
      %add3A_371 = arith.constant 96 : i32
      %add3A_372 = arith.addi %mul3A_203, %add3A_371 : i32
      %add3A_373 = arith.constant 96 : i32
      %add3A_374 = vector.broadcast %add3A_373 : i32 to vector<16xi32>
      %add3A_375 = arith.addi %scan3A_201, %add3A_374 : vector<16xi32>
      %get3A_376 = arith.constant 0 : i32
      %get3A_377 = arith.index_cast %get3A_376 : i32 to index
      %get3A_378 = arith.index_cast %add3A_372 : i32 to index
      %get3A_379 = tpu.vector_load %arg10[%get3A_377, %get3A_378] {strides = array<i32>} : memref<3x31232xf32, #tpu.memory_space<vmem>>, vector<16xf32>,
      %get3A_380 = arith.constant 1 : i32
      %get3A_381 = arith.index_cast %get3A_380 : i32 to index
      %get3A_382 = arith.index_cast %add3A_372 : i32 to index
      %get3A_383 = tpu.vector_load %arg10[%get3A_381, %get3A_382] {strides = array<i32>} : memref<3x31232xf32, #tpu.memory_space<vmem>>, vector<16xf32>,
      %get3A_384 = arith.constant 2 : i32
      %get3A_385 = arith.index_cast %get3A_384 : i32 to index
      %get3A_386 = arith.index_cast %add3A_372 : i32 to index
      %get3A_387 = tpu.vector_load %arg10[%get3A_385, %get3A_386] {strides = array<i32>} : memref<3x31232xf32, #tpu.memory_space<vmem>>, vector<16xf32>,
      %sub3A_388 = arith.subf %get3A_379, %get3A_52 : vector<16xf32>
      %sub3A_389 = arith.subf %get3A_383, %get3A_56 : vector<16xf32>
      %sub3A_390 = arith.subf %get3A_387, %get3A_60 : vector<16xf32>
      %mul3A_391 = arith.mulf %sub3A_388, %sub3A_388 : vector<16xf32>
      %mul3A_392 = arith.mulf %sub3A_389, %sub3A_389 : vector<16xf32>
      %add3A_393 = arith.addf %mul3A_391, %mul3A_392 : vector<16xf32>
      %mul3A_394 = arith.mulf %sub3A_390, %sub3A_390 : vector<16xf32>
      %add3A_395 = arith.addf %add3A_393, %mul3A_394 : vector<16xf32>
      %lt3A_396 = arith.cmpf olt, %add3A_395, %scan3A_197 : vector<16xf32>
      %select_n3A_397 = arith.select %lt3A_396, %add3A_395, %scan3A_197 : vector<16xi1>, vector<16xf32>
      %select_n3A_398 = arith.select %lt3A_396, %add3A_375, %scan3A_198 : vector<16xi1>, vector<16xi32>
      %add3A_399 = arith.constant 112 : i32
      %add3A_400 = arith.addi %mul3A_203, %add3A_399 : i32
      %add3A_401 = arith.constant 112 : i32
      %add3A_402 = vector.broadcast %add3A_401 : i32 to vector<16xi32>
      %add3A_403 = arith.addi %scan3A_201, %add3A_402 : vector<16xi32>
      %get3A_404 = arith.constant 0 : i32
      %get3A_405 = arith.index_cast %get3A_404 : i32 to index
      %get3A_406 = arith.index_cast %add3A_400 : i32 to index
      %get3A_407 = tpu.vector_load %arg10[%get3A_405, %get3A_406] {strides = array<i32>} : memref<3x31232xf32, #tpu.memory_space<vmem>>, vector<16xf32>,
      %get3A_408 = arith.constant 1 : i32
      %get3A_409 = arith.index_cast %get3A_408 : i32 to index
      %get3A_410 = arith.index_cast %add3A_400 : i32 to index
      %get3A_411 = tpu.vector_load %arg10[%get3A_409, %get3A_410] {strides = array<i32>} : memref<3x31232xf32, #tpu.memory_space<vmem>>, vector<16xf32>,
      %get3A_412 = arith.constant 2 : i32
      %get3A_413 = arith.index_cast %get3A_412 : i32 to index
      %get3A_414 = arith.index_cast %add3A_400 : i32 to index
      %get3A_415 = tpu.vector_load %arg10[%get3A_413, %get3A_414] {strides = array<i32>} : memref<3x31232xf32, #tpu.memory_space<vmem>>, vector<16xf32>,
      %sub3A_416 = arith.subf %get3A_407, %get3A_52 : vector<16xf32>
      %sub3A_417 = arith.subf %get3A_411, %get3A_56 : vector<16xf32>
      %sub3A_418 = arith.subf %get3A_415, %get3A_60 : vector<16xf32>
      %mul3A_419 = arith.mulf %sub3A_416, %sub3A_416 : vector<16xf32>
      %mul3A_420 = arith.mulf %sub3A_417, %sub3A_417 : vector<16xf32>
      %add3A_421 = arith.addf %mul3A_419, %mul3A_420 : vector<16xf32>
      %mul3A_422 = arith.mulf %sub3A_418, %sub3A_418 : vector<16xf32>
      %add3A_423 = arith.addf %add3A_421, %mul3A_422 : vector<16xf32>
      %lt3A_424 = arith.cmpf olt, %add3A_423, %scan3A_199 : vector<16xf32>
      %select_n3A_425 = arith.select %lt3A_424, %add3A_423, %scan3A_199 : vector<16xi1>, vector<16xf32>
      %select_n3A_426 = arith.select %lt3A_424, %add3A_403, %scan3A_200 : vector<16xi1>, vector<16xi32>
      %add3A_427 = arith.constant 128 : i32
      %add3A_428 = vector.broadcast %add3A_427 : i32 to vector<16xi32>
      %add3A_429 = arith.addi %scan3A_201, %add3A_428 : vector<16xi32>
      scf.yield %select_n3A_229, %select_n3A_230, %select_n3A_257, %select_n3A_258, %select_n3A_285, %select_n3A_286, %select_n3A_313, %select_n3A_314, %select_n3A_341, %select_n3A_342, %select_n3A_369, %select_n3A_370, %select_n3A_397, %select_n3A_398, %select_n3A_425, %select_n3A_426, %add3A_429 : vector<16xf32>, vector<16xi32>, vector<16xf32>, vector<16xi32>, vector<16xf32>, vector<16xi32>, vector<16xf32>, vector<16xi32>, vector<16xf32>, vector<16xi32>, vector<16xf32>, vector<16xi32>, vector<16xf32>, vector<16xi32>, vector<16xf32>, vector<16xi32>, vector<16xi32>
    }
    %scan3A_95 = arith.constant 61 : i32
    %dma_wait3A_96 = arith.constant 0 : i32
    %dma_wait3A_97 = arith.constant 15616 : i32
    %dma_wait3A_98 = tpu.memref_slice %arg10[%dma_wait3A_96, %dma_wait3A_97] : memref<3x31232xf32, #tpu.memory_space<vmem>> -> memref<3x7808xf32, #tpu.memory_space<vmem>>
    %dma_wait3A_99 = arith.constant 0 : i32
    %dma_wait3A_100 = tpu.memref_slice %arg2[%dma_wait3A_99, %add3A_27] : memref<3x1000000xf32, #tpu.memory_space<hbm>> -> memref<3x7808xf32, #tpu.memory_space<hbm>>
    %dma_wait3A_101 = arith.constant 0 : i32
    %dma_wait3A_102 = arith.constant 15616 : i32
    %dma_wait3A_103 = tpu.memref_slice %arg10[%dma_wait3A_101, %dma_wait3A_102] : memref<3x31232xf32, #tpu.memory_space<vmem>> -> memref<3x7808xf32, #tpu.memory_space<vmem>>
    %dma_wait3A_104 = arith.constant 0 : i32
    %dma_wait3A_105 = tpu.memref_slice %arg2[%dma_wait3A_104, %add3A_27] : memref<3x1000000xf32, #tpu.memory_space<hbm>> -> memref<3x7808xf32, #tpu.memory_space<hbm>>
    tpu.wait_dma2 semaphore(%arg18 : memref<!tpu.dma_semaphore, #tpu.memory_space<semaphore_mem>>) src(%dma_wait3A_105 : memref<3x7808xf32, #tpu.memory_space<hbm>>) dst(%dma_wait3A_103 : memref<3x7808xf32, #tpu.memory_space<vmem>>)
    %scan3A_106 = arith.constant 122 : i32
    %scan3A_107 = arith.constant 61 : i32
    %scan3A_108 = arith.addi %scan3A_106, %scan3A_107 : i32
    %scan3A_109 = arith.constant 1 : i32
    %scan3A_110:17 = scf.for %scan3A_184 = %scan3A_106 to %scan3A_108 step %scan3A_109 iter_args(%scan3A_185 = %scan3A_94#0, %scan3A_186 = %scan3A_94#1, %scan3A_187 = %scan3A_94#2, %scan3A_188 = %scan3A_94#3, %scan3A_189 = %scan3A_94#4, %scan3A_190 = %scan3A_94#5, %scan3A_191 = %scan3A_94#6, %scan3A_192 = %scan3A_94#7, %scan3A_193 = %scan3A_94#8, %scan3A_194 = %scan3A_94#9, %scan3A_195 = %scan3A_94#10, %scan3A_196 = %scan3A_94#11, %scan3A_197 = %scan3A_94#12, %scan3A_198 = %scan3A_94#13, %scan3A_199 = %scan3A_94#14, %scan3A_200 = %scan3A_94#15, %scan3A_201 = %scan3A_94#16) -> (vector<16xf32>, vector<16xi32>, vector<16xf32>, vector<16xi32>, vector<16xf32>, vector<16xi32>, vector<16xf32>, vector<16xi32>, vector<16xf32>, vector<16xi32>, vector<16xf32>, vector<16xi32>, vector<16xf32>, vector<16xi32>, vector<16xf32>, vector<16xi32>, vector<16xi32>)  : i32 {
      %mul3A_202 = arith.constant 128 : i32
      %mul3A_203 = arith.muli %scan3A_184, %mul3A_202 : i32
      %add3A_204 = arith.constant 0 : i32
      %add3A_205 = arith.addi %mul3A_203, %add3A_204 : i32
      %add3A_206 = arith.constant 0 : i32
      %add3A_207 = vector.broadcast %add3A_206 : i32 to vector<16xi32>
      %add3A_208 = arith.addi %scan3A_201, %add3A_207 : vector<16xi32>
      %get3A_209 = arith.constant 0 : i32
      %get3A_210 = arith.index_cast %get3A_209 : i32 to index
      %get3A_211 = arith.index_cast %add3A_205 : i32 to index
      %get3A_212 = tpu.vector_load %arg10[%get3A_210, %get3A_211] {strides = array<i32>} : memref<3x31232xf32, #tpu.memory_space<vmem>>, vector<16xf32>,
      %get3A_213 = arith.constant 1 : i32
      %get3A_214 = arith.index_cast %get3A_213 : i32 to index
      %get3A_215 = arith.index_cast %add3A_205 : i32 to index
      %get3A_216 = tpu.vector_load %arg10[%get3A_214, %get3A_215] {strides = array<i32>} : memref<3x31232xf32, #tpu.memory_space<vmem>>, vector<16xf32>,
      %get3A_217 = arith.constant 2 : i32
      %get3A_218 = arith.index_cast %get3A_217 : i32 to index
      %get3A_219 = arith.index_cast %add3A_205 : i32 to index
      %get3A_220 = tpu.vector_load %arg10[%get3A_218, %get3A_219] {strides = array<i32>} : memref<3x31232xf32, #tpu.memory_space<vmem>>, vector<16xf32>,
      %sub3A = arith.subf %get3A_212, %get3A_52 : vector<16xf32>
      %sub3A_221 = arith.subf %get3A_216, %get3A_56 : vector<16xf32>
      %sub3A_222 = arith.subf %get3A_220, %get3A_60 : vector<16xf32>
      %mul3A_223 = arith.mulf %sub3A, %sub3A : vector<16xf32>
      %mul3A_224 = arith.mulf %sub3A_221, %sub3A_221 : vector<16xf32>
      %add3A_225 = arith.addf %mul3A_223, %mul3A_224 : vector<16xf32>
      %mul3A_226 = arith.mulf %sub3A_222, %sub3A_222 : vector<16xf32>
      %add3A_227 = arith.addf %add3A_225, %mul3A_226 : vector<16xf32>
      %lt3A_228 = arith.cmpf olt, %add3A_227, %scan3A_185 : vector<16xf32>
      %select_n3A_229 = arith.select %lt3A_228, %add3A_227, %scan3A_185 : vector<16xi1>, vector<16xf32>
      %select_n3A_230 = arith.select %lt3A_228, %add3A_208, %scan3A_186 : vector<16xi1>, vector<16xi32>
      %add3A_231 = arith.constant 16 : i32
      %add3A_232 = arith.addi %mul3A_203, %add3A_231 : i32
      %add3A_233 = arith.constant 16 : i32
      %add3A_234 = vector.broadcast %add3A_233 : i32 to vector<16xi32>
      %add3A_235 = arith.addi %scan3A_201, %add3A_234 : vector<16xi32>
      %get3A_236 = arith.constant 0 : i32
      %get3A_237 = arith.index_cast %get3A_236 : i32 to index
      %get3A_238 = arith.index_cast %add3A_232 : i32 to index
      %get3A_239 = tpu.vector_load %arg10[%get3A_237, %get3A_238] {strides = array<i32>} : memref<3x31232xf32, #tpu.memory_space<vmem>>, vector<16xf32>,
      %get3A_240 = arith.constant 1 : i32
      %get3A_241 = arith.index_cast %get3A_240 : i32 to index
      %get3A_242 = arith.index_cast %add3A_232 : i32 to index
      %get3A_243 = tpu.vector_load %arg10[%get3A_241, %get3A_242] {strides = array<i32>} : memref<3x31232xf32, #tpu.memory_space<vmem>>, vector<16xf32>,
      %get3A_244 = arith.constant 2 : i32
      %get3A_245 = arith.index_cast %get3A_244 : i32 to index
      %get3A_246 = arith.index_cast %add3A_232 : i32 to index
      %get3A_247 = tpu.vector_load %arg10[%get3A_245, %get3A_246] {strides = array<i32>} : memref<3x31232xf32, #tpu.memory_space<vmem>>, vector<16xf32>,
      %sub3A_248 = arith.subf %get3A_239, %get3A_52 : vector<16xf32>
      %sub3A_249 = arith.subf %get3A_243, %get3A_56 : vector<16xf32>
      %sub3A_250 = arith.subf %get3A_247, %get3A_60 : vector<16xf32>
      %mul3A_251 = arith.mulf %sub3A_248, %sub3A_248 : vector<16xf32>
      %mul3A_252 = arith.mulf %sub3A_249, %sub3A_249 : vector<16xf32>
      %add3A_253 = arith.addf %mul3A_251, %mul3A_252 : vector<16xf32>
      %mul3A_254 = arith.mulf %sub3A_250, %sub3A_250 : vector<16xf32>
      %add3A_255 = arith.addf %add3A_253, %mul3A_254 : vector<16xf32>
      %lt3A_256 = arith.cmpf olt, %add3A_255, %scan3A_187 : vector<16xf32>
      %select_n3A_257 = arith.select %lt3A_256, %add3A_255, %scan3A_187 : vector<16xi1>, vector<16xf32>
      %select_n3A_258 = arith.select %lt3A_256, %add3A_235, %scan3A_188 : vector<16xi1>, vector<16xi32>
      %add3A_259 = arith.constant 32 : i32
      %add3A_260 = arith.addi %mul3A_203, %add3A_259 : i32
      %add3A_261 = arith.constant 32 : i32
      %add3A_262 = vector.broadcast %add3A_261 : i32 to vector<16xi32>
      %add3A_263 = arith.addi %scan3A_201, %add3A_262 : vector<16xi32>
      %get3A_264 = arith.constant 0 : i32
      %get3A_265 = arith.index_cast %get3A_264 : i32 to index
      %get3A_266 = arith.index_cast %add3A_260 : i32 to index
      %get3A_267 = tpu.vector_load %arg10[%get3A_265, %get3A_266] {strides = array<i32>} : memref<3x31232xf32, #tpu.memory_space<vmem>>, vector<16xf32>,
      %get3A_268 = arith.constant 1 : i32
      %get3A_269 = arith.index_cast %get3A_268 : i32 to index
      %get3A_270 = arith.index_cast %add3A_260 : i32 to index
      %get3A_271 = tpu.vector_load %arg10[%get3A_269, %get3A_270] {strides = array<i32>} : memref<3x31232xf32, #tpu.memory_space<vmem>>, vector<16xf32>,
      %get3A_272 = arith.constant 2 : i32
      %get3A_273 = arith.index_cast %get3A_272 : i32 to index
      %get3A_274 = arith.index_cast %add3A_260 : i32 to index
      %get3A_275 = tpu.vector_load %arg10[%get3A_273, %get3A_274] {strides = array<i32>} : memref<3x31232xf32, #tpu.memory_space<vmem>>, vector<16xf32>,
      %sub3A_276 = arith.subf %get3A_267, %get3A_52 : vector<16xf32>
      %sub3A_277 = arith.subf %get3A_271, %get3A_56 : vector<16xf32>
      %sub3A_278 = arith.subf %get3A_275, %get3A_60 : vector<16xf32>
      %mul3A_279 = arith.mulf %sub3A_276, %sub3A_276 : vector<16xf32>
      %mul3A_280 = arith.mulf %sub3A_277, %sub3A_277 : vector<16xf32>
      %add3A_281 = arith.addf %mul3A_279, %mul3A_280 : vector<16xf32>
      %mul3A_282 = arith.mulf %sub3A_278, %sub3A_278 : vector<16xf32>
      %add3A_283 = arith.addf %add3A_281, %mul3A_282 : vector<16xf32>
      %lt3A_284 = arith.cmpf olt, %add3A_283, %scan3A_189 : vector<16xf32>
      %select_n3A_285 = arith.select %lt3A_284, %add3A_283, %scan3A_189 : vector<16xi1>, vector<16xf32>
      %select_n3A_286 = arith.select %lt3A_284, %add3A_263, %scan3A_190 : vector<16xi1>, vector<16xi32>
      %add3A_287 = arith.constant 48 : i32
      %add3A_288 = arith.addi %mul3A_203, %add3A_287 : i32
      %add3A_289 = arith.constant 48 : i32
      %add3A_290 = vector.broadcast %add3A_289 : i32 to vector<16xi32>
      %add3A_291 = arith.addi %scan3A_201, %add3A_290 : vector<16xi32>
      %get3A_292 = arith.constant 0 : i32
      %get3A_293 = arith.index_cast %get3A_292 : i32 to index
      %get3A_294 = arith.index_cast %add3A_288 : i32 to index
      %get3A_295 = tpu.vector_load %arg10[%get3A_293, %get3A_294] {strides = array<i32>} : memref<3x31232xf32, #tpu.memory_space<vmem>>, vector<16xf32>,
      %get3A_296 = arith.constant 1 : i32
      %get3A_297 = arith.index_cast %get3A_296 : i32 to index
      %get3A_298 = arith.index_cast %add3A_288 : i32 to index
      %get3A_299 = tpu.vector_load %arg10[%get3A_297, %get3A_298] {strides = array<i32>} : memref<3x31232xf32, #tpu.memory_space<vmem>>, vector<16xf32>,
      %get3A_300 = arith.constant 2 : i32
      %get3A_301 = arith.index_cast %get3A_300 : i32 to index
      %get3A_302 = arith.index_cast %add3A_288 : i32 to index
      %get3A_303 = tpu.vector_load %arg10[%get3A_301, %get3A_302] {strides = array<i32>} : memref<3x31232xf32, #tpu.memory_space<vmem>>, vector<16xf32>,
      %sub3A_304 = arith.subf %get3A_295, %get3A_52 : vector<16xf32>
      %sub3A_305 = arith.subf %get3A_299, %get3A_56 : vector<16xf32>
      %sub3A_306 = arith.subf %get3A_303, %get3A_60 : vector<16xf32>
      %mul3A_307 = arith.mulf %sub3A_304, %sub3A_304 : vector<16xf32>
      %mul3A_308 = arith.mulf %sub3A_305, %sub3A_305 : vector<16xf32>
      %add3A_309 = arith.addf %mul3A_307, %mul3A_308 : vector<16xf32>
      %mul3A_310 = arith.mulf %sub3A_306, %sub3A_306 : vector<16xf32>
      %add3A_311 = arith.addf %add3A_309, %mul3A_310 : vector<16xf32>
      %lt3A_312 = arith.cmpf olt, %add3A_311, %scan3A_191 : vector<16xf32>
      %select_n3A_313 = arith.select %lt3A_312, %add3A_311, %scan3A_191 : vector<16xi1>, vector<16xf32>
      %select_n3A_314 = arith.select %lt3A_312, %add3A_291, %scan3A_192 : vector<16xi1>, vector<16xi32>
      %add3A_315 = arith.constant 64 : i32
      %add3A_316 = arith.addi %mul3A_203, %add3A_315 : i32
      %add3A_317 = arith.constant 64 : i32
      %add3A_318 = vector.broadcast %add3A_317 : i32 to vector<16xi32>
      %add3A_319 = arith.addi %scan3A_201, %add3A_318 : vector<16xi32>
      %get3A_320 = arith.constant 0 : i32
      %get3A_321 = arith.index_cast %get3A_320 : i32 to index
      %get3A_322 = arith.index_cast %add3A_316 : i32 to index
      %get3A_323 = tpu.vector_load %arg10[%get3A_321, %get3A_322] {strides = array<i32>} : memref<3x31232xf32, #tpu.memory_space<vmem>>, vector<16xf32>,
      %get3A_324 = arith.constant 1 : i32
      %get3A_325 = arith.index_cast %get3A_324 : i32 to index
      %get3A_326 = arith.index_cast %add3A_316 : i32 to index
      %get3A_327 = tpu.vector_load %arg10[%get3A_325, %get3A_326] {strides = array<i32>} : memref<3x31232xf32, #tpu.memory_space<vmem>>, vector<16xf32>,
      %get3A_328 = arith.constant 2 : i32
      %get3A_329 = arith.index_cast %get3A_328 : i32 to index
      %get3A_330 = arith.index_cast %add3A_316 : i32 to index
      %get3A_331 = tpu.vector_load %arg10[%get3A_329, %get3A_330] {strides = array<i32>} : memref<3x31232xf32, #tpu.memory_space<vmem>>, vector<16xf32>,
      %sub3A_332 = arith.subf %get3A_323, %get3A_52 : vector<16xf32>
      %sub3A_333 = arith.subf %get3A_327, %get3A_56 : vector<16xf32>
      %sub3A_334 = arith.subf %get3A_331, %get3A_60 : vector<16xf32>
      %mul3A_335 = arith.mulf %sub3A_332, %sub3A_332 : vector<16xf32>
      %mul3A_336 = arith.mulf %sub3A_333, %sub3A_333 : vector<16xf32>
      %add3A_337 = arith.addf %mul3A_335, %mul3A_336 : vector<16xf32>
      %mul3A_338 = arith.mulf %sub3A_334, %sub3A_334 : vector<16xf32>
      %add3A_339 = arith.addf %add3A_337, %mul3A_338 : vector<16xf32>
      %lt3A_340 = arith.cmpf olt, %add3A_339, %scan3A_193 : vector<16xf32>
      %select_n3A_341 = arith.select %lt3A_340, %add3A_339, %scan3A_193 : vector<16xi1>, vector<16xf32>
      %select_n3A_342 = arith.select %lt3A_340, %add3A_319, %scan3A_194 : vector<16xi1>, vector<16xi32>
      %add3A_343 = arith.constant 80 : i32
      %add3A_344 = arith.addi %mul3A_203, %add3A_343 : i32
      %add3A_345 = arith.constant 80 : i32
      %add3A_346 = vector.broadcast %add3A_345 : i32 to vector<16xi32>
      %add3A_347 = arith.addi %scan3A_201, %add3A_346 : vector<16xi32>
      %get3A_348 = arith.constant 0 : i32
      %get3A_349 = arith.index_cast %get3A_348 : i32 to index
      %get3A_350 = arith.index_cast %add3A_344 : i32 to index
      %get3A_351 = tpu.vector_load %arg10[%get3A_349, %get3A_350] {strides = array<i32>} : memref<3x31232xf32, #tpu.memory_space<vmem>>, vector<16xf32>,
      %get3A_352 = arith.constant 1 : i32
      %get3A_353 = arith.index_cast %get3A_352 : i32 to index
      %get3A_354 = arith.index_cast %add3A_344 : i32 to index
      %get3A_355 = tpu.vector_load %arg10[%get3A_353, %get3A_354] {strides = array<i32>} : memref<3x31232xf32, #tpu.memory_space<vmem>>, vector<16xf32>,
      %get3A_356 = arith.constant 2 : i32
      %get3A_357 = arith.index_cast %get3A_356 : i32 to index
      %get3A_358 = arith.index_cast %add3A_344 : i32 to index
      %get3A_359 = tpu.vector_load %arg10[%get3A_357, %get3A_358] {strides = array<i32>} : memref<3x31232xf32, #tpu.memory_space<vmem>>, vector<16xf32>,
      %sub3A_360 = arith.subf %get3A_351, %get3A_52 : vector<16xf32>
      %sub3A_361 = arith.subf %get3A_355, %get3A_56 : vector<16xf32>
      %sub3A_362 = arith.subf %get3A_359, %get3A_60 : vector<16xf32>
      %mul3A_363 = arith.mulf %sub3A_360, %sub3A_360 : vector<16xf32>
      %mul3A_364 = arith.mulf %sub3A_361, %sub3A_361 : vector<16xf32>
      %add3A_365 = arith.addf %mul3A_363, %mul3A_364 : vector<16xf32>
      %mul3A_366 = arith.mulf %sub3A_362, %sub3A_362 : vector<16xf32>
      %add3A_367 = arith.addf %add3A_365, %mul3A_366 : vector<16xf32>
      %lt3A_368 = arith.cmpf olt, %add3A_367, %scan3A_195 : vector<16xf32>
      %select_n3A_369 = arith.select %lt3A_368, %add3A_367, %scan3A_195 : vector<16xi1>, vector<16xf32>
      %select_n3A_370 = arith.select %lt3A_368, %add3A_347, %scan3A_196 : vector<16xi1>, vector<16xi32>
      %add3A_371 = arith.constant 96 : i32
      %add3A_372 = arith.addi %mul3A_203, %add3A_371 : i32
      %add3A_373 = arith.constant 96 : i32
      %add3A_374 = vector.broadcast %add3A_373 : i32 to vector<16xi32>
      %add3A_375 = arith.addi %scan3A_201, %add3A_374 : vector<16xi32>
      %get3A_376 = arith.constant 0 : i32
      %get3A_377 = arith.index_cast %get3A_376 : i32 to index
      %get3A_378 = arith.index_cast %add3A_372 : i32 to index
      %get3A_379 = tpu.vector_load %arg10[%get3A_377, %get3A_378] {strides = array<i32>} : memref<3x31232xf32, #tpu.memory_space<vmem>>, vector<16xf32>,
      %get3A_380 = arith.constant 1 : i32
      %get3A_381 = arith.index_cast %get3A_380 : i32 to index
      %get3A_382 = arith.index_cast %add3A_372 : i32 to index
      %get3A_383 = tpu.vector_load %arg10[%get3A_381, %get3A_382] {strides = array<i32>} : memref<3x31232xf32, #tpu.memory_space<vmem>>, vector<16xf32>,
      %get3A_384 = arith.constant 2 : i32
      %get3A_385 = arith.index_cast %get3A_384 : i32 to index
      %get3A_386 = arith.index_cast %add3A_372 : i32 to index
      %get3A_387 = tpu.vector_load %arg10[%get3A_385, %get3A_386] {strides = array<i32>} : memref<3x31232xf32, #tpu.memory_space<vmem>>, vector<16xf32>,
      %sub3A_388 = arith.subf %get3A_379, %get3A_52 : vector<16xf32>
      %sub3A_389 = arith.subf %get3A_383, %get3A_56 : vector<16xf32>
      %sub3A_390 = arith.subf %get3A_387, %get3A_60 : vector<16xf32>
      %mul3A_391 = arith.mulf %sub3A_388, %sub3A_388 : vector<16xf32>
      %mul3A_392 = arith.mulf %sub3A_389, %sub3A_389 : vector<16xf32>
      %add3A_393 = arith.addf %mul3A_391, %mul3A_392 : vector<16xf32>
      %mul3A_394 = arith.mulf %sub3A_390, %sub3A_390 : vector<16xf32>
      %add3A_395 = arith.addf %add3A_393, %mul3A_394 : vector<16xf32>
      %lt3A_396 = arith.cmpf olt, %add3A_395, %scan3A_197 : vector<16xf32>
      %select_n3A_397 = arith.select %lt3A_396, %add3A_395, %scan3A_197 : vector<16xi1>, vector<16xf32>
      %select_n3A_398 = arith.select %lt3A_396, %add3A_375, %scan3A_198 : vector<16xi1>, vector<16xi32>
      %add3A_399 = arith.constant 112 : i32
      %add3A_400 = arith.addi %mul3A_203, %add3A_399 : i32
      %add3A_401 = arith.constant 112 : i32
      %add3A_402 = vector.broadcast %add3A_401 : i32 to vector<16xi32>
      %add3A_403 = arith.addi %scan3A_201, %add3A_402 : vector<16xi32>
      %get3A_404 = arith.constant 0 : i32
      %get3A_405 = arith.index_cast %get3A_404 : i32 to index
      %get3A_406 = arith.index_cast %add3A_400 : i32 to index
      %get3A_407 = tpu.vector_load %arg10[%get3A_405, %get3A_406] {strides = array<i32>} : memref<3x31232xf32, #tpu.memory_space<vmem>>, vector<16xf32>,
      %get3A_408 = arith.constant 1 : i32
      %get3A_409 = arith.index_cast %get3A_408 : i32 to index
      %get3A_410 = arith.index_cast %add3A_400 : i32 to index
      %get3A_411 = tpu.vector_load %arg10[%get3A_409, %get3A_410] {strides = array<i32>} : memref<3x31232xf32, #tpu.memory_space<vmem>>, vector<16xf32>,
      %get3A_412 = arith.constant 2 : i32
      %get3A_413 = arith.index_cast %get3A_412 : i32 to index
      %get3A_414 = arith.index_cast %add3A_400 : i32 to index
      %get3A_415 = tpu.vector_load %arg10[%get3A_413, %get3A_414] {strides = array<i32>} : memref<3x31232xf32, #tpu.memory_space<vmem>>, vector<16xf32>,
      %sub3A_416 = arith.subf %get3A_407, %get3A_52 : vector<16xf32>
      %sub3A_417 = arith.subf %get3A_411, %get3A_56 : vector<16xf32>
      %sub3A_418 = arith.subf %get3A_415, %get3A_60 : vector<16xf32>
      %mul3A_419 = arith.mulf %sub3A_416, %sub3A_416 : vector<16xf32>
      %mul3A_420 = arith.mulf %sub3A_417, %sub3A_417 : vector<16xf32>
      %add3A_421 = arith.addf %mul3A_419, %mul3A_420 : vector<16xf32>
      %mul3A_422 = arith.mulf %sub3A_418, %sub3A_418 : vector<16xf32>
      %add3A_423 = arith.addf %add3A_421, %mul3A_422 : vector<16xf32>
      %lt3A_424 = arith.cmpf olt, %add3A_423, %scan3A_199 : vector<16xf32>
      %select_n3A_425 = arith.select %lt3A_424, %add3A_423, %scan3A_199 : vector<16xi1>, vector<16xf32>
      %select_n3A_426 = arith.select %lt3A_424, %add3A_403, %scan3A_200 : vector<16xi1>, vector<16xi32>
      %add3A_427 = arith.constant 128 : i32
      %add3A_428 = vector.broadcast %add3A_427 : i32 to vector<16xi32>
      %add3A_429 = arith.addi %scan3A_201, %add3A_428 : vector<16xi32>
      scf.yield %select_n3A_229, %select_n3A_230, %select_n3A_257, %select_n3A_258, %select_n3A_285, %select_n3A_286, %select_n3A_313, %select_n3A_314, %select_n3A_341, %select_n3A_342, %select_n3A_369, %select_n3A_370, %select_n3A_397, %select_n3A_398, %select_n3A_425, %select_n3A_426, %add3A_429 : vector<16xf32>, vector<16xi32>, vector<16xf32>, vector<16xi32>, vector<16xf32>, vector<16xi32>, vector<16xf32>, vector<16xi32>, vector<16xf32>, vector<16xi32>, vector<16xf32>, vector<16xi32>, vector<16xf32>, vector<16xi32>, vector<16xf32>, vector<16xi32>, vector<16xi32>
    }
    %scan3A_111 = arith.constant 61 : i32
    %dma_wait3A_112 = arith.constant 0 : i32
    %dma_wait3A_113 = arith.constant 23424 : i32
    %dma_wait3A_114 = tpu.memref_slice %arg10[%dma_wait3A_112, %dma_wait3A_113] : memref<3x31232xf32, #tpu.memory_space<vmem>> -> memref<3x7808xf32, #tpu.memory_space<vmem>>
    %dma_wait3A_115 = arith.constant 0 : i32
    %dma_wait3A_116 = tpu.memref_slice %arg2[%dma_wait3A_115, %add3A_39] : memref<3x1000000xf32, #tpu.memory_space<hbm>> -> memref<3x7808xf32, #tpu.memory_space<hbm>>
    %dma_wait3A_117 = arith.constant 0 : i32
    %dma_wait3A_118 = arith.constant 23424 : i32
    %dma_wait3A_119 = tpu.memref_slice %arg10[%dma_wait3A_117, %dma_wait3A_118] : memref<3x31232xf32, #tpu.memory_space<vmem>> -> memref<3x7808xf32, #tpu.memory_space<vmem>>
    %dma_wait3A_120 = arith.constant 0 : i32
    %dma_wait3A_121 = tpu.memref_slice %arg2[%dma_wait3A_120, %add3A_39] : memref<3x1000000xf32, #tpu.memory_space<hbm>> -> memref<3x7808xf32, #tpu.memory_space<hbm>>
    tpu.wait_dma2 semaphore(%arg19 : memref<!tpu.dma_semaphore, #tpu.memory_space<semaphore_mem>>) src(%dma_wait3A_121 : memref<3x7808xf32, #tpu.memory_space<hbm>>) dst(%dma_wait3A_119 : memref<3x7808xf32, #tpu.memory_space<vmem>>)
    %scan3A_122 = arith.constant 183 : i32
    %scan3A_123 = arith.constant 61 : i32
    %scan3A_124 = arith.addi %scan3A_122, %scan3A_123 : i32
    %scan3A_125 = arith.constant 1 : i32
    %scan3A_126:17 = scf.for %scan3A_184 = %scan3A_122 to %scan3A_124 step %scan3A_125 iter_args(%scan3A_185 = %scan3A_110#0, %scan3A_186 = %scan3A_110#1, %scan3A_187 = %scan3A_110#2, %scan3A_188 = %scan3A_110#3, %scan3A_189 = %scan3A_110#4, %scan3A_190 = %scan3A_110#5, %scan3A_191 = %scan3A_110#6, %scan3A_192 = %scan3A_110#7, %scan3A_193 = %scan3A_110#8, %scan3A_194 = %scan3A_110#9, %scan3A_195 = %scan3A_110#10, %scan3A_196 = %scan3A_110#11, %scan3A_197 = %scan3A_110#12, %scan3A_198 = %scan3A_110#13, %scan3A_199 = %scan3A_110#14, %scan3A_200 = %scan3A_110#15, %scan3A_201 = %scan3A_110#16) -> (vector<16xf32>, vector<16xi32>, vector<16xf32>, vector<16xi32>, vector<16xf32>, vector<16xi32>, vector<16xf32>, vector<16xi32>, vector<16xf32>, vector<16xi32>, vector<16xf32>, vector<16xi32>, vector<16xf32>, vector<16xi32>, vector<16xf32>, vector<16xi32>, vector<16xi32>)  : i32 {
      %mul3A_202 = arith.constant 128 : i32
      %mul3A_203 = arith.muli %scan3A_184, %mul3A_202 : i32
      %add3A_204 = arith.constant 0 : i32
      %add3A_205 = arith.addi %mul3A_203, %add3A_204 : i32
      %add3A_206 = arith.constant 0 : i32
      %add3A_207 = vector.broadcast %add3A_206 : i32 to vector<16xi32>
      %add3A_208 = arith.addi %scan3A_201, %add3A_207 : vector<16xi32>
      %get3A_209 = arith.constant 0 : i32
      %get3A_210 = arith.index_cast %get3A_209 : i32 to index
      %get3A_211 = arith.index_cast %add3A_205 : i32 to index
      %get3A_212 = tpu.vector_load %arg10[%get3A_210, %get3A_211] {strides = array<i32>} : memref<3x31232xf32, #tpu.memory_space<vmem>>, vector<16xf32>,
      %get3A_213 = arith.constant 1 : i32
      %get3A_214 = arith.index_cast %get3A_213 : i32 to index
      %get3A_215 = arith.index_cast %add3A_205 : i32 to index
      %get3A_216 = tpu.vector_load %arg10[%get3A_214, %get3A_215] {strides = array<i32>} : memref<3x31232xf32, #tpu.memory_space<vmem>>, vector<16xf32>,
      %get3A_217 = arith.constant 2 : i32
      %get3A_218 = arith.index_cast %get3A_217 : i32 to index
      %get3A_219 = arith.index_cast %add3A_205 : i32 to index
      %get3A_220 = tpu.vector_load %arg10[%get3A_218, %get3A_219] {strides = array<i32>} : memref<3x31232xf32, #tpu.memory_space<vmem>>, vector<16xf32>,
      %sub3A = arith.subf %get3A_212, %get3A_52 : vector<16xf32>
      %sub3A_221 = arith.subf %get3A_216, %get3A_56 : vector<16xf32>
      %sub3A_222 = arith.subf %get3A_220, %get3A_60 : vector<16xf32>
      %mul3A_223 = arith.mulf %sub3A, %sub3A : vector<16xf32>
      %mul3A_224 = arith.mulf %sub3A_221, %sub3A_221 : vector<16xf32>
      %add3A_225 = arith.addf %mul3A_223, %mul3A_224 : vector<16xf32>
      %mul3A_226 = arith.mulf %sub3A_222, %sub3A_222 : vector<16xf32>
      %add3A_227 = arith.addf %add3A_225, %mul3A_226 : vector<16xf32>
      %lt3A_228 = arith.cmpf olt, %add3A_227, %scan3A_185 : vector<16xf32>
      %select_n3A_229 = arith.select %lt3A_228, %add3A_227, %scan3A_185 : vector<16xi1>, vector<16xf32>
      %select_n3A_230 = arith.select %lt3A_228, %add3A_208, %scan3A_186 : vector<16xi1>, vector<16xi32>
      %add3A_231 = arith.constant 16 : i32
      %add3A_232 = arith.addi %mul3A_203, %add3A_231 : i32
      %add3A_233 = arith.constant 16 : i32
      %add3A_234 = vector.broadcast %add3A_233 : i32 to vector<16xi32>
      %add3A_235 = arith.addi %scan3A_201, %add3A_234 : vector<16xi32>
      %get3A_236 = arith.constant 0 : i32
      %get3A_237 = arith.index_cast %get3A_236 : i32 to index
      %get3A_238 = arith.index_cast %add3A_232 : i32 to index
      %get3A_239 = tpu.vector_load %arg10[%get3A_237, %get3A_238] {strides = array<i32>} : memref<3x31232xf32, #tpu.memory_space<vmem>>, vector<16xf32>,
      %get3A_240 = arith.constant 1 : i32
      %get3A_241 = arith.index_cast %get3A_240 : i32 to index
      %get3A_242 = arith.index_cast %add3A_232 : i32 to index
      %get3A_243 = tpu.vector_load %arg10[%get3A_241, %get3A_242] {strides = array<i32>} : memref<3x31232xf32, #tpu.memory_space<vmem>>, vector<16xf32>,
      %get3A_244 = arith.constant 2 : i32
      %get3A_245 = arith.index_cast %get3A_244 : i32 to index
      %get3A_246 = arith.index_cast %add3A_232 : i32 to index
      %get3A_247 = tpu.vector_load %arg10[%get3A_245, %get3A_246] {strides = array<i32>} : memref<3x31232xf32, #tpu.memory_space<vmem>>, vector<16xf32>,
      %sub3A_248 = arith.subf %get3A_239, %get3A_52 : vector<16xf32>
      %sub3A_249 = arith.subf %get3A_243, %get3A_56 : vector<16xf32>
      %sub3A_250 = arith.subf %get3A_247, %get3A_60 : vector<16xf32>
      %mul3A_251 = arith.mulf %sub3A_248, %sub3A_248 : vector<16xf32>
      %mul3A_252 = arith.mulf %sub3A_249, %sub3A_249 : vector<16xf32>
      %add3A_253 = arith.addf %mul3A_251, %mul3A_252 : vector<16xf32>
      %mul3A_254 = arith.mulf %sub3A_250, %sub3A_250 : vector<16xf32>
      %add3A_255 = arith.addf %add3A_253, %mul3A_254 : vector<16xf32>
      %lt3A_256 = arith.cmpf olt, %add3A_255, %scan3A_187 : vector<16xf32>
      %select_n3A_257 = arith.select %lt3A_256, %add3A_255, %scan3A_187 : vector<16xi1>, vector<16xf32>
      %select_n3A_258 = arith.select %lt3A_256, %add3A_235, %scan3A_188 : vector<16xi1>, vector<16xi32>
      %add3A_259 = arith.constant 32 : i32
      %add3A_260 = arith.addi %mul3A_203, %add3A_259 : i32
      %add3A_261 = arith.constant 32 : i32
      %add3A_262 = vector.broadcast %add3A_261 : i32 to vector<16xi32>
      %add3A_263 = arith.addi %scan3A_201, %add3A_262 : vector<16xi32>
      %get3A_264 = arith.constant 0 : i32
      %get3A_265 = arith.index_cast %get3A_264 : i32 to index
      %get3A_266 = arith.index_cast %add3A_260 : i32 to index
      %get3A_267 = tpu.vector_load %arg10[%get3A_265, %get3A_266] {strides = array<i32>} : memref<3x31232xf32, #tpu.memory_space<vmem>>, vector<16xf32>,
      %get3A_268 = arith.constant 1 : i32
      %get3A_269 = arith.index_cast %get3A_268 : i32 to index
      %get3A_270 = arith.index_cast %add3A_260 : i32 to index
      %get3A_271 = tpu.vector_load %arg10[%get3A_269, %get3A_270] {strides = array<i32>} : memref<3x31232xf32, #tpu.memory_space<vmem>>, vector<16xf32>,
      %get3A_272 = arith.constant 2 : i32
      %get3A_273 = arith.index_cast %get3A_272 : i32 to index
      %get3A_274 = arith.index_cast %add3A_260 : i32 to index
      %get3A_275 = tpu.vector_load %arg10[%get3A_273, %get3A_274] {strides = array<i32>} : memref<3x31232xf32, #tpu.memory_space<vmem>>, vector<16xf32>,
      %sub3A_276 = arith.subf %get3A_267, %get3A_52 : vector<16xf32>
      %sub3A_277 = arith.subf %get3A_271, %get3A_56 : vector<16xf32>
      %sub3A_278 = arith.subf %get3A_275, %get3A_60 : vector<16xf32>
      %mul3A_279 = arith.mulf %sub3A_276, %sub3A_276 : vector<16xf32>
      %mul3A_280 = arith.mulf %sub3A_277, %sub3A_277 : vector<16xf32>
      %add3A_281 = arith.addf %mul3A_279, %mul3A_280 : vector<16xf32>
      %mul3A_282 = arith.mulf %sub3A_278, %sub3A_278 : vector<16xf32>
      %add3A_283 = arith.addf %add3A_281, %mul3A_282 : vector<16xf32>
      %lt3A_284 = arith.cmpf olt, %add3A_283, %scan3A_189 : vector<16xf32>
      %select_n3A_285 = arith.select %lt3A_284, %add3A_283, %scan3A_189 : vector<16xi1>, vector<16xf32>
      %select_n3A_286 = arith.select %lt3A_284, %add3A_263, %scan3A_190 : vector<16xi1>, vector<16xi32>
      %add3A_287 = arith.constant 48 : i32
      %add3A_288 = arith.addi %mul3A_203, %add3A_287 : i32
      %add3A_289 = arith.constant 48 : i32
      %add3A_290 = vector.broadcast %add3A_289 : i32 to vector<16xi32>
      %add3A_291 = arith.addi %scan3A_201, %add3A_290 : vector<16xi32>
      %get3A_292 = arith.constant 0 : i32
      %get3A_293 = arith.index_cast %get3A_292 : i32 to index
      %get3A_294 = arith.index_cast %add3A_288 : i32 to index
      %get3A_295 = tpu.vector_load %arg10[%get3A_293, %get3A_294] {strides = array<i32>} : memref<3x31232xf32, #tpu.memory_space<vmem>>, vector<16xf32>,
      %get3A_296 = arith.constant 1 : i32
      %get3A_297 = arith.index_cast %get3A_296 : i32 to index
      %get3A_298 = arith.index_cast %add3A_288 : i32 to index
      %get3A_299 = tpu.vector_load %arg10[%get3A_297, %get3A_298] {strides = array<i32>} : memref<3x31232xf32, #tpu.memory_space<vmem>>, vector<16xf32>,
      %get3A_300 = arith.constant 2 : i32
      %get3A_301 = arith.index_cast %get3A_300 : i32 to index
      %get3A_302 = arith.index_cast %add3A_288 : i32 to index
      %get3A_303 = tpu.vector_load %arg10[%get3A_301, %get3A_302] {strides = array<i32>} : memref<3x31232xf32, #tpu.memory_space<vmem>>, vector<16xf32>,
      %sub3A_304 = arith.subf %get3A_295, %get3A_52 : vector<16xf32>
      %sub3A_305 = arith.subf %get3A_299, %get3A_56 : vector<16xf32>
      %sub3A_306 = arith.subf %get3A_303, %get3A_60 : vector<16xf32>
      %mul3A_307 = arith.mulf %sub3A_304, %sub3A_304 : vector<16xf32>
      %mul3A_308 = arith.mulf %sub3A_305, %sub3A_305 : vector<16xf32>
      %add3A_309 = arith.addf %mul3A_307, %mul3A_308 : vector<16xf32>
      %mul3A_310 = arith.mulf %sub3A_306, %sub3A_306 : vector<16xf32>
      %add3A_311 = arith.addf %add3A_309, %mul3A_310 : vector<16xf32>
      %lt3A_312 = arith.cmpf olt, %add3A_311, %scan3A_191 : vector<16xf32>
      %select_n3A_313 = arith.select %lt3A_312, %add3A_311, %scan3A_191 : vector<16xi1>, vector<16xf32>
      %select_n3A_314 = arith.select %lt3A_312, %add3A_291, %scan3A_192 : vector<16xi1>, vector<16xi32>
      %add3A_315 = arith.constant 64 : i32
      %add3A_316 = arith.addi %mul3A_203, %add3A_315 : i32
      %add3A_317 = arith.constant 64 : i32
      %add3A_318 = vector.broadcast %add3A_317 : i32 to vector<16xi32>
      %add3A_319 = arith.addi %scan3A_201, %add3A_318 : vector<16xi32>
      %get3A_320 = arith.constant 0 : i32
      %get3A_321 = arith.index_cast %get3A_320 : i32 to index
      %get3A_322 = arith.index_cast %add3A_316 : i32 to index
      %get3A_323 = tpu.vector_load %arg10[%get3A_321, %get3A_322] {strides = array<i32>} : memref<3x31232xf32, #tpu.memory_space<vmem>>, vector<16xf32>,
      %get3A_324 = arith.constant 1 : i32
      %get3A_325 = arith.index_cast %get3A_324 : i32 to index
      %get3A_326 = arith.index_cast %add3A_316 : i32 to index
      %get3A_327 = tpu.vector_load %arg10[%get3A_325, %get3A_326] {strides = array<i32>} : memref<3x31232xf32, #tpu.memory_space<vmem>>, vector<16xf32>,
      %get3A_328 = arith.constant 2 : i32
      %get3A_329 = arith.index_cast %get3A_328 : i32 to index
      %get3A_330 = arith.index_cast %add3A_316 : i32 to index
      %get3A_331 = tpu.vector_load %arg10[%get3A_329, %get3A_330] {strides = array<i32>} : memref<3x31232xf32, #tpu.memory_space<vmem>>, vector<16xf32>,
      %sub3A_332 = arith.subf %get3A_323, %get3A_52 : vector<16xf32>
      %sub3A_333 = arith.subf %get3A_327, %get3A_56 : vector<16xf32>
      %sub3A_334 = arith.subf %get3A_331, %get3A_60 : vector<16xf32>
      %mul3A_335 = arith.mulf %sub3A_332, %sub3A_332 : vector<16xf32>
      %mul3A_336 = arith.mulf %sub3A_333, %sub3A_333 : vector<16xf32>
      %add3A_337 = arith.addf %mul3A_335, %mul3A_336 : vector<16xf32>
      %mul3A_338 = arith.mulf %sub3A_334, %sub3A_334 : vector<16xf32>
      %add3A_339 = arith.addf %add3A_337, %mul3A_338 : vector<16xf32>
      %lt3A_340 = arith.cmpf olt, %add3A_339, %scan3A_193 : vector<16xf32>
      %select_n3A_341 = arith.select %lt3A_340, %add3A_339, %scan3A_193 : vector<16xi1>, vector<16xf32>
      %select_n3A_342 = arith.select %lt3A_340, %add3A_319, %scan3A_194 : vector<16xi1>, vector<16xi32>
      %add3A_343 = arith.constant 80 : i32
      %add3A_344 = arith.addi %mul3A_203, %add3A_343 : i32
      %add3A_345 = arith.constant 80 : i32
      %add3A_346 = vector.broadcast %add3A_345 : i32 to vector<16xi32>
      %add3A_347 = arith.addi %scan3A_201, %add3A_346 : vector<16xi32>
      %get3A_348 = arith.constant 0 : i32
      %get3A_349 = arith.index_cast %get3A_348 : i32 to index
      %get3A_350 = arith.index_cast %add3A_344 : i32 to index
      %get3A_351 = tpu.vector_load %arg10[%get3A_349, %get3A_350] {strides = array<i32>} : memref<3x31232xf32, #tpu.memory_space<vmem>>, vector<16xf32>,
      %get3A_352 = arith.constant 1 : i32
      %get3A_353 = arith.index_cast %get3A_352 : i32 to index
      %get3A_354 = arith.index_cast %add3A_344 : i32 to index
      %get3A_355 = tpu.vector_load %arg10[%get3A_353, %get3A_354] {strides = array<i32>} : memref<3x31232xf32, #tpu.memory_space<vmem>>, vector<16xf32>,
      %get3A_356 = arith.constant 2 : i32
      %get3A_357 = arith.index_cast %get3A_356 : i32 to index
      %get3A_358 = arith.index_cast %add3A_344 : i32 to index
      %get3A_359 = tpu.vector_load %arg10[%get3A_357, %get3A_358] {strides = array<i32>} : memref<3x31232xf32, #tpu.memory_space<vmem>>, vector<16xf32>,
      %sub3A_360 = arith.subf %get3A_351, %get3A_52 : vector<16xf32>
      %sub3A_361 = arith.subf %get3A_355, %get3A_56 : vector<16xf32>
      %sub3A_362 = arith.subf %get3A_359, %get3A_60 : vector<16xf32>
      %mul3A_363 = arith.mulf %sub3A_360, %sub3A_360 : vector<16xf32>
      %mul3A_364 = arith.mulf %sub3A_361, %sub3A_361 : vector<16xf32>
      %add3A_365 = arith.addf %mul3A_363, %mul3A_364 : vector<16xf32>
      %mul3A_366 = arith.mulf %sub3A_362, %sub3A_362 : vector<16xf32>
      %add3A_367 = arith.addf %add3A_365, %mul3A_366 : vector<16xf32>
      %lt3A_368 = arith.cmpf olt, %add3A_367, %scan3A_195 : vector<16xf32>
      %select_n3A_369 = arith.select %lt3A_368, %add3A_367, %scan3A_195 : vector<16xi1>, vector<16xf32>
      %select_n3A_370 = arith.select %lt3A_368, %add3A_347, %scan3A_196 : vector<16xi1>, vector<16xi32>
      %add3A_371 = arith.constant 96 : i32
      %add3A_372 = arith.addi %mul3A_203, %add3A_371 : i32
      %add3A_373 = arith.constant 96 : i32
      %add3A_374 = vector.broadcast %add3A_373 : i32 to vector<16xi32>
      %add3A_375 = arith.addi %scan3A_201, %add3A_374 : vector<16xi32>
      %get3A_376 = arith.constant 0 : i32
      %get3A_377 = arith.index_cast %get3A_376 : i32 to index
      %get3A_378 = arith.index_cast %add3A_372 : i32 to index
      %get3A_379 = tpu.vector_load %arg10[%get3A_377, %get3A_378] {strides = array<i32>} : memref<3x31232xf32, #tpu.memory_space<vmem>>, vector<16xf32>,
      %get3A_380 = arith.constant 1 : i32
      %get3A_381 = arith.index_cast %get3A_380 : i32 to index
      %get3A_382 = arith.index_cast %add3A_372 : i32 to index
      %get3A_383 = tpu.vector_load %arg10[%get3A_381, %get3A_382] {strides = array<i32>} : memref<3x31232xf32, #tpu.memory_space<vmem>>, vector<16xf32>,
      %get3A_384 = arith.constant 2 : i32
      %get3A_385 = arith.index_cast %get3A_384 : i32 to index
      %get3A_386 = arith.index_cast %add3A_372 : i32 to index
      %get3A_387 = tpu.vector_load %arg10[%get3A_385, %get3A_386] {strides = array<i32>} : memref<3x31232xf32, #tpu.memory_space<vmem>>, vector<16xf32>,
      %sub3A_388 = arith.subf %get3A_379, %get3A_52 : vector<16xf32>
      %sub3A_389 = arith.subf %get3A_383, %get3A_56 : vector<16xf32>
      %sub3A_390 = arith.subf %get3A_387, %get3A_60 : vector<16xf32>
      %mul3A_391 = arith.mulf %sub3A_388, %sub3A_388 : vector<16xf32>
      %mul3A_392 = arith.mulf %sub3A_389, %sub3A_389 : vector<16xf32>
      %add3A_393 = arith.addf %mul3A_391, %mul3A_392 : vector<16xf32>
      %mul3A_394 = arith.mulf %sub3A_390, %sub3A_390 : vector<16xf32>
      %add3A_395 = arith.addf %add3A_393, %mul3A_394 : vector<16xf32>
      %lt3A_396 = arith.cmpf olt, %add3A_395, %scan3A_197 : vector<16xf32>
      %select_n3A_397 = arith.select %lt3A_396, %add3A_395, %scan3A_197 : vector<16xi1>, vector<16xf32>
      %select_n3A_398 = arith.select %lt3A_396, %add3A_375, %scan3A_198 : vector<16xi1>, vector<16xi32>
      %add3A_399 = arith.constant 112 : i32
      %add3A_400 = arith.addi %mul3A_203, %add3A_399 : i32
      %add3A_401 = arith.constant 112 : i32
      %add3A_402 = vector.broadcast %add3A_401 : i32 to vector<16xi32>
      %add3A_403 = arith.addi %scan3A_201, %add3A_402 : vector<16xi32>
      %get3A_404 = arith.constant 0 : i32
      %get3A_405 = arith.index_cast %get3A_404 : i32 to index
      %get3A_406 = arith.index_cast %add3A_400 : i32 to index
      %get3A_407 = tpu.vector_load %arg10[%get3A_405, %get3A_406] {strides = array<i32>} : memref<3x31232xf32, #tpu.memory_space<vmem>>, vector<16xf32>,
      %get3A_408 = arith.constant 1 : i32
      %get3A_409 = arith.index_cast %get3A_408 : i32 to index
      %get3A_410 = arith.index_cast %add3A_400 : i32 to index
      %get3A_411 = tpu.vector_load %arg10[%get3A_409, %get3A_410] {strides = array<i32>} : memref<3x31232xf32, #tpu.memory_space<vmem>>, vector<16xf32>,
      %get3A_412 = arith.constant 2 : i32
      %get3A_413 = arith.index_cast %get3A_412 : i32 to index
      %get3A_414 = arith.index_cast %add3A_400 : i32 to index
      %get3A_415 = tpu.vector_load %arg10[%get3A_413, %get3A_414] {strides = array<i32>} : memref<3x31232xf32, #tpu.memory_space<vmem>>, vector<16xf32>,
      %sub3A_416 = arith.subf %get3A_407, %get3A_52 : vector<16xf32>
      %sub3A_417 = arith.subf %get3A_411, %get3A_56 : vector<16xf32>
      %sub3A_418 = arith.subf %get3A_415, %get3A_60 : vector<16xf32>
      %mul3A_419 = arith.mulf %sub3A_416, %sub3A_416 : vector<16xf32>
      %mul3A_420 = arith.mulf %sub3A_417, %sub3A_417 : vector<16xf32>
      %add3A_421 = arith.addf %mul3A_419, %mul3A_420 : vector<16xf32>
      %mul3A_422 = arith.mulf %sub3A_418, %sub3A_418 : vector<16xf32>
      %add3A_423 = arith.addf %add3A_421, %mul3A_422 : vector<16xf32>
      %lt3A_424 = arith.cmpf olt, %add3A_423, %scan3A_199 : vector<16xf32>
      %select_n3A_425 = arith.select %lt3A_424, %add3A_423, %scan3A_199 : vector<16xi1>, vector<16xf32>
      %select_n3A_426 = arith.select %lt3A_424, %add3A_403, %scan3A_200 : vector<16xi1>, vector<16xi32>
      %add3A_427 = arith.constant 128 : i32
      %add3A_428 = vector.broadcast %add3A_427 : i32 to vector<16xi32>
      %add3A_429 = arith.addi %scan3A_201, %add3A_428 : vector<16xi32>
      scf.yield %select_n3A_229, %select_n3A_230, %select_n3A_257, %select_n3A_258, %select_n3A_285, %select_n3A_286, %select_n3A_313, %select_n3A_314, %select_n3A_341, %select_n3A_342, %select_n3A_369, %select_n3A_370, %select_n3A_397, %select_n3A_398, %select_n3A_425, %select_n3A_426, %add3A_429 : vector<16xf32>, vector<16xi32>, vector<16xf32>, vector<16xi32>, vector<16xf32>, vector<16xi32>, vector<16xf32>, vector<16xi32>, vector<16xf32>, vector<16xi32>, vector<16xf32>, vector<16xi32>, vector<16xf32>, vector<16xi32>, vector<16xf32>, vector<16xi32>, vector<16xi32>
    }
    %scan3A_127 = arith.constant 61 : i32
    %lt3A = arith.cmpf olt, %scan3A_126#2, %scan3A_126#0 : vector<16xf32>
    %eq3A = arith.cmpf oeq, %scan3A_126#2, %scan3A_126#0 : vector<16xf32>
    %lt3A_128 = arith.cmpi slt, %scan3A_126#3, %scan3A_126#1 : vector<16xi32>
    %and3A = arith.andi %eq3A, %lt3A_128 : vector<16xi1>
    %or3A = arith.ori %lt3A, %and3A : vector<16xi1>
    %select_n3A = arith.select %or3A, %scan3A_126#2, %scan3A_126#0 : vector<16xi1>, vector<16xf32>
    %select_n3A_129 = arith.select %or3A, %scan3A_126#3, %scan3A_126#1 : vector<16xi1>, vector<16xi32>
    %lt3A_130 = arith.cmpf olt, %scan3A_126#4, %select_n3A : vector<16xf32>
    %eq3A_131 = arith.cmpf oeq, %scan3A_126#4, %select_n3A : vector<16xf32>
    %lt3A_132 = arith.cmpi slt, %scan3A_126#5, %select_n3A_129 : vector<16xi32>
    %and3A_133 = arith.andi %eq3A_131, %lt3A_132 : vector<16xi1>
    %or3A_134 = arith.ori %lt3A_130, %and3A_133 : vector<16xi1>
    %select_n3A_135 = arith.select %or3A_134, %scan3A_126#4, %select_n3A : vector<16xi1>, vector<16xf32>
    %select_n3A_136 = arith.select %or3A_134, %scan3A_126#5, %select_n3A_129 : vector<16xi1>, vector<16xi32>
    %lt3A_137 = arith.cmpf olt, %scan3A_126#6, %select_n3A_135 : vector<16xf32>
    %eq3A_138 = arith.cmpf oeq, %scan3A_126#6, %select_n3A_135 : vector<16xf32>
    %lt3A_139 = arith.cmpi slt, %scan3A_126#7, %select_n3A_136 : vector<16xi32>
    %and3A_140 = arith.andi %eq3A_138, %lt3A_139 : vector<16xi1>
    %or3A_141 = arith.ori %lt3A_137, %and3A_140 : vector<16xi1>
    %select_n3A_142 = arith.select %or3A_141, %scan3A_126#6, %select_n3A_135 : vector<16xi1>, vector<16xf32>
    %select_n3A_143 = arith.select %or3A_141, %scan3A_126#7, %select_n3A_136 : vector<16xi1>, vector<16xi32>
    %lt3A_144 = arith.cmpf olt, %scan3A_126#8, %select_n3A_142 : vector<16xf32>
    %eq3A_145 = arith.cmpf oeq, %scan3A_126#8, %select_n3A_142 : vector<16xf32>
    %lt3A_146 = arith.cmpi slt, %scan3A_126#9, %select_n3A_143 : vector<16xi32>
    %and3A_147 = arith.andi %eq3A_145, %lt3A_146 : vector<16xi1>
    %or3A_148 = arith.ori %lt3A_144, %and3A_147 : vector<16xi1>
    %select_n3A_149 = arith.select %or3A_148, %scan3A_126#8, %select_n3A_142 : vector<16xi1>, vector<16xf32>
    %select_n3A_150 = arith.select %or3A_148, %scan3A_126#9, %select_n3A_143 : vector<16xi1>, vector<16xi32>
    %lt3A_151 = arith.cmpf olt, %scan3A_126#10, %select_n3A_149 : vector<16xf32>
    %eq3A_152 = arith.cmpf oeq, %scan3A_126#10, %select_n3A_149 : vector<16xf32>
    %lt3A_153 = arith.cmpi slt, %scan3A_126#11, %select_n3A_150 : vector<16xi32>
    %and3A_154 = arith.andi %eq3A_152, %lt3A_153 : vector<16xi1>
    %or3A_155 = arith.ori %lt3A_151, %and3A_154 : vector<16xi1>
    %select_n3A_156 = arith.select %or3A_155, %scan3A_126#10, %select_n3A_149 : vector<16xi1>, vector<16xf32>
    %select_n3A_157 = arith.select %or3A_155, %scan3A_126#11, %select_n3A_150 : vector<16xi1>, vector<16xi32>
    %lt3A_158 = arith.cmpf olt, %scan3A_126#12, %select_n3A_156 : vector<16xf32>
    %eq3A_159 = arith.cmpf oeq, %scan3A_126#12, %select_n3A_156 : vector<16xf32>
    %lt3A_160 = arith.cmpi slt, %scan3A_126#13, %select_n3A_157 : vector<16xi32>
    %and3A_161 = arith.andi %eq3A_159, %lt3A_160 : vector<16xi1>
    %or3A_162 = arith.ori %lt3A_158, %and3A_161 : vector<16xi1>
    %select_n3A_163 = arith.select %or3A_162, %scan3A_126#12, %select_n3A_156 : vector<16xi1>, vector<16xf32>
    %select_n3A_164 = arith.select %or3A_162, %scan3A_126#13, %select_n3A_157 : vector<16xi1>, vector<16xi32>
    %lt3A_165 = arith.cmpf olt, %scan3A_126#14, %select_n3A_163 : vector<16xf32>
    %eq3A_166 = arith.cmpf oeq, %scan3A_126#14, %select_n3A_163 : vector<16xf32>
    %lt3A_167 = arith.cmpi slt, %scan3A_126#15, %select_n3A_164 : vector<16xi32>
    %and3A_168 = arith.andi %eq3A_166, %lt3A_167 : vector<16xi1>
    %or3A_169 = arith.ori %lt3A_165, %and3A_168 : vector<16xi1>
    %select_n3A_170 = arith.select %or3A_169, %scan3A_126#14, %select_n3A_163 : vector<16xi1>, vector<16xf32>
    %select_n3A_171 = arith.select %or3A_169, %scan3A_126#15, %select_n3A_164 : vector<16xi1>, vector<16xi32>
    %eq3A_172 = arith.constant 31 : i32
    %eq3A_173 = arith.cmpi eq, %add3A, %eq3A_172 : i32
    %convert_element_type3A = arith.extui %eq3A_173 : i1 to i32
    %cond3A = arith.constant 0 : i32
    %cond3A_174 = arith.cmpi ne, %convert_element_type3A, %cond3A : i32
    scf.if %cond3A_174 {
      %dma_start3A_184 = arith.constant 0 : i32
      %dma_start3A_185 = arith.constant 0 : i32
      %dma_start3A_186 = tpu.memref_slice %arg10[%dma_start3A_184, %dma_start3A_185] : memref<3x31232xf32, #tpu.memory_space<vmem>> -> memref<3x640xf32, #tpu.memory_space<vmem>>
      %dma_start3A_187 = arith.constant 0 : i32
      %dma_start3A_188 = arith.constant 0 : i32
      %dma_start3A_189 = tpu.memref_slice %arg10[%dma_start3A_187, %dma_start3A_188] : memref<3x31232xf32, #tpu.memory_space<vmem>> -> memref<3x640xf32, #tpu.memory_space<vmem>>
      tpu.enqueue_dma source(%arg3 : memref<3x640xf32, #tpu.memory_space<hbm>>) target(%dma_start3A_189 : memref<3x640xf32, #tpu.memory_space<vmem>>) target_semaphore(%arg16 : memref<!tpu.dma_semaphore, #tpu.memory_space<semaphore_mem>>)
      %dma_wait3A_190 = arith.constant 0 : i32
      %dma_wait3A_191 = arith.constant 0 : i32
      %dma_wait3A_192 = tpu.memref_slice %arg10[%dma_wait3A_190, %dma_wait3A_191] : memref<3x31232xf32, #tpu.memory_space<vmem>> -> memref<3x640xf32, #tpu.memory_space<vmem>>
      %dma_wait3A_193 = arith.constant 0 : i32
      %dma_wait3A_194 = arith.constant 0 : i32
      %dma_wait3A_195 = tpu.memref_slice %arg10[%dma_wait3A_193, %dma_wait3A_194] : memref<3x31232xf32, #tpu.memory_space<vmem>> -> memref<3x640xf32, #tpu.memory_space<vmem>>
      tpu.wait_dma2 semaphore(%arg16 : memref<!tpu.dma_semaphore, #tpu.memory_space<semaphore_mem>>) src(%arg3 : memref<3x640xf32, #tpu.memory_space<hbm>>) dst(%dma_wait3A_195 : memref<3x640xf32, #tpu.memory_space<vmem>>)
      %add3A_196 = arith.constant 999424 : i32
      %add3A_197 = vector.broadcast %add3A_196 : i32 to vector<16xi32>
      %add3A_198 = arith.addi %add3A_197, %iota3A : vector<16xi32>
      %get3A_199 = arith.constant 0 : i32
      %get3A_200 = arith.index_cast %get3A_199 : i32 to index
      %get3A_201 = arith.constant 0 : index
      %get3A_202 = tpu.vector_load %arg10[%get3A_200, %get3A_201] {strides = array<i32>} : memref<3x31232xf32, #tpu.memory_space<vmem>>, vector<16xf32>,
      %get3A_203 = arith.constant 1 : i32
      %get3A_204 = arith.index_cast %get3A_203 : i32 to index
      %get3A_205 = arith.constant 0 : index
      %get3A_206 = tpu.vector_load %arg10[%get3A_204, %get3A_205] {strides = array<i32>} : memref<3x31232xf32, #tpu.memory_space<vmem>>, vector<16xf32>,
      %get3A_207 = arith.constant 2 : i32
      %get3A_208 = arith.index_cast %get3A_207 : i32 to index
      %get3A_209 = arith.constant 0 : index
      %get3A_210 = tpu.vector_load %arg10[%get3A_208, %get3A_209] {strides = array<i32>} : memref<3x31232xf32, #tpu.memory_space<vmem>>, vector<16xf32>,
      %sub3A = arith.subf %get3A_202, %get3A_52 : vector<16xf32>
      %sub3A_211 = arith.subf %get3A_206, %get3A_56 : vector<16xf32>
      %sub3A_212 = arith.subf %get3A_210, %get3A_60 : vector<16xf32>
      %mul3A_213 = arith.mulf %sub3A, %sub3A : vector<16xf32>
      %mul3A_214 = arith.mulf %sub3A_211, %sub3A_211 : vector<16xf32>
      %add3A_215 = arith.addf %mul3A_213, %mul3A_214 : vector<16xf32>
      %mul3A_216 = arith.mulf %sub3A_212, %sub3A_212 : vector<16xf32>
      %add3A_217 = arith.addf %add3A_215, %mul3A_216 : vector<16xf32>
      %lt3A_218 = arith.cmpf olt, %add3A_217, %select_n3A_170 : vector<16xf32>
      %select_n3A_219 = arith.select %lt3A_218, %add3A_217, %select_n3A_170 : vector<16xi1>, vector<16xf32>
      %select_n3A_220 = arith.select %lt3A_218, %add3A_198, %select_n3A_171 : vector<16xi1>, vector<16xi32>
      %add3A_221 = arith.constant 999440 : i32
      %add3A_222 = vector.broadcast %add3A_221 : i32 to vector<16xi32>
      %add3A_223 = arith.addi %add3A_222, %iota3A : vector<16xi32>
      %get3A_224 = arith.constant 0 : i32
      %get3A_225 = arith.index_cast %get3A_224 : i32 to index
      %get3A_226 = arith.constant 16 : index
      %get3A_227 = tpu.vector_load %arg10[%get3A_225, %get3A_226] {strides = array<i32>} : memref<3x31232xf32, #tpu.memory_space<vmem>>, vector<16xf32>,
      %get3A_228 = arith.constant 1 : i32
      %get3A_229 = arith.index_cast %get3A_228 : i32 to index
      %get3A_230 = arith.constant 16 : index
      %get3A_231 = tpu.vector_load %arg10[%get3A_229, %get3A_230] {strides = array<i32>} : memref<3x31232xf32, #tpu.memory_space<vmem>>, vector<16xf32>,
      %get3A_232 = arith.constant 2 : i32
      %get3A_233 = arith.index_cast %get3A_232 : i32 to index
      %get3A_234 = arith.constant 16 : index
      %get3A_235 = tpu.vector_load %arg10[%get3A_233, %get3A_234] {strides = array<i32>} : memref<3x31232xf32, #tpu.memory_space<vmem>>, vector<16xf32>,
      %sub3A_236 = arith.subf %get3A_227, %get3A_52 : vector<16xf32>
      %sub3A_237 = arith.subf %get3A_231, %get3A_56 : vector<16xf32>
      %sub3A_238 = arith.subf %get3A_235, %get3A_60 : vector<16xf32>
      %mul3A_239 = arith.mulf %sub3A_236, %sub3A_236 : vector<16xf32>
      %mul3A_240 = arith.mulf %sub3A_237, %sub3A_237 : vector<16xf32>
      %add3A_241 = arith.addf %mul3A_239, %mul3A_240 : vector<16xf32>
      %mul3A_242 = arith.mulf %sub3A_238, %sub3A_238 : vector<16xf32>
      %add3A_243 = arith.addf %add3A_241, %mul3A_242 : vector<16xf32>
      %lt3A_244 = arith.cmpf olt, %add3A_243, %select_n3A_219 : vector<16xf32>
      %select_n3A_245 = arith.select %lt3A_244, %add3A_243, %select_n3A_219 : vector<16xi1>, vector<16xf32>
      %select_n3A_246 = arith.select %lt3A_244, %add3A_223, %select_n3A_220 : vector<16xi1>, vector<16xi32>
      %add3A_247 = arith.constant 999456 : i32
      %add3A_248 = vector.broadcast %add3A_247 : i32 to vector<16xi32>
      %add3A_249 = arith.addi %add3A_248, %iota3A : vector<16xi32>
      %get3A_250 = arith.constant 0 : i32
      %get3A_251 = arith.index_cast %get3A_250 : i32 to index
      %get3A_252 = arith.constant 32 : index
      %get3A_253 = tpu.vector_load %arg10[%get3A_251, %get3A_252] {strides = array<i32>} : memref<3x31232xf32, #tpu.memory_space<vmem>>, vector<16xf32>,
      %get3A_254 = arith.constant 1 : i32
      %get3A_255 = arith.index_cast %get3A_254 : i32 to index
      %get3A_256 = arith.constant 32 : index
      %get3A_257 = tpu.vector_load %arg10[%get3A_255, %get3A_256] {strides = array<i32>} : memref<3x31232xf32, #tpu.memory_space<vmem>>, vector<16xf32>,
      %get3A_258 = arith.constant 2 : i32
      %get3A_259 = arith.index_cast %get3A_258 : i32 to index
      %get3A_260 = arith.constant 32 : index
      %get3A_261 = tpu.vector_load %arg10[%get3A_259, %get3A_260] {strides = array<i32>} : memref<3x31232xf32, #tpu.memory_space<vmem>>, vector<16xf32>,
      %sub3A_262 = arith.subf %get3A_253, %get3A_52 : vector<16xf32>
      %sub3A_263 = arith.subf %get3A_257, %get3A_56 : vector<16xf32>
      %sub3A_264 = arith.subf %get3A_261, %get3A_60 : vector<16xf32>
      %mul3A_265 = arith.mulf %sub3A_262, %sub3A_262 : vector<16xf32>
      %mul3A_266 = arith.mulf %sub3A_263, %sub3A_263 : vector<16xf32>
      %add3A_267 = arith.addf %mul3A_265, %mul3A_266 : vector<16xf32>
      %mul3A_268 = arith.mulf %sub3A_264, %sub3A_264 : vector<16xf32>
      %add3A_269 = arith.addf %add3A_267, %mul3A_268 : vector<16xf32>
      %lt3A_270 = arith.cmpf olt, %add3A_269, %select_n3A_245 : vector<16xf32>
      %select_n3A_271 = arith.select %lt3A_270, %add3A_269, %select_n3A_245 : vector<16xi1>, vector<16xf32>
      %select_n3A_272 = arith.select %lt3A_270, %add3A_249, %select_n3A_246 : vector<16xi1>, vector<16xi32>
      %add3A_273 = arith.constant 999472 : i32
      %add3A_274 = vector.broadcast %add3A_273 : i32 to vector<16xi32>
      %add3A_275 = arith.addi %add3A_274, %iota3A : vector<16xi32>
      %get3A_276 = arith.constant 0 : i32
      %get3A_277 = arith.index_cast %get3A_276 : i32 to index
      %get3A_278 = arith.constant 48 : index
      %get3A_279 = tpu.vector_load %arg10[%get3A_277, %get3A_278] {strides = array<i32>} : memref<3x31232xf32, #tpu.memory_space<vmem>>, vector<16xf32>,
      %get3A_280 = arith.constant 1 : i32
      %get3A_281 = arith.index_cast %get3A_280 : i32 to index
      %get3A_282 = arith.constant 48 : index
      %get3A_283 = tpu.vector_load %arg10[%get3A_281, %get3A_282] {strides = array<i32>} : memref<3x31232xf32, #tpu.memory_space<vmem>>, vector<16xf32>,
      %get3A_284 = arith.constant 2 : i32
      %get3A_285 = arith.index_cast %get3A_284 : i32 to index
      %get3A_286 = arith.constant 48 : index
      %get3A_287 = tpu.vector_load %arg10[%get3A_285, %get3A_286] {strides = array<i32>} : memref<3x31232xf32, #tpu.memory_space<vmem>>, vector<16xf32>,
      %sub3A_288 = arith.subf %get3A_279, %get3A_52 : vector<16xf32>
      %sub3A_289 = arith.subf %get3A_283, %get3A_56 : vector<16xf32>
      %sub3A_290 = arith.subf %get3A_287, %get3A_60 : vector<16xf32>
      %mul3A_291 = arith.mulf %sub3A_288, %sub3A_288 : vector<16xf32>
      %mul3A_292 = arith.mulf %sub3A_289, %sub3A_289 : vector<16xf32>
      %add3A_293 = arith.addf %mul3A_291, %mul3A_292 : vector<16xf32>
      %mul3A_294 = arith.mulf %sub3A_290, %sub3A_290 : vector<16xf32>
      %add3A_295 = arith.addf %add3A_293, %mul3A_294 : vector<16xf32>
      %lt3A_296 = arith.cmpf olt, %add3A_295, %select_n3A_271 : vector<16xf32>
      %select_n3A_297 = arith.select %lt3A_296, %add3A_295, %select_n3A_271 : vector<16xi1>, vector<16xf32>
      %select_n3A_298 = arith.select %lt3A_296, %add3A_275, %select_n3A_272 : vector<16xi1>, vector<16xi32>
      %add3A_299 = arith.constant 999488 : i32
      %add3A_300 = vector.broadcast %add3A_299 : i32 to vector<16xi32>
      %add3A_301 = arith.addi %add3A_300, %iota3A : vector<16xi32>
      %get3A_302 = arith.constant 0 : i32
      %get3A_303 = arith.index_cast %get3A_302 : i32 to index
      %get3A_304 = arith.constant 64 : index
      %get3A_305 = tpu.vector_load %arg10[%get3A_303, %get3A_304] {strides = array<i32>} : memref<3x31232xf32, #tpu.memory_space<vmem>>, vector<16xf32>,
      %get3A_306 = arith.constant 1 : i32
      %get3A_307 = arith.index_cast %get3A_306 : i32 to index
      %get3A_308 = arith.constant 64 : index
      %get3A_309 = tpu.vector_load %arg10[%get3A_307, %get3A_308] {strides = array<i32>} : memref<3x31232xf32, #tpu.memory_space<vmem>>, vector<16xf32>,
      %get3A_310 = arith.constant 2 : i32
      %get3A_311 = arith.index_cast %get3A_310 : i32 to index
      %get3A_312 = arith.constant 64 : index
      %get3A_313 = tpu.vector_load %arg10[%get3A_311, %get3A_312] {strides = array<i32>} : memref<3x31232xf32, #tpu.memory_space<vmem>>, vector<16xf32>,
      %sub3A_314 = arith.subf %get3A_305, %get3A_52 : vector<16xf32>
      %sub3A_315 = arith.subf %get3A_309, %get3A_56 : vector<16xf32>
      %sub3A_316 = arith.subf %get3A_313, %get3A_60 : vector<16xf32>
      %mul3A_317 = arith.mulf %sub3A_314, %sub3A_314 : vector<16xf32>
      %mul3A_318 = arith.mulf %sub3A_315, %sub3A_315 : vector<16xf32>
      %add3A_319 = arith.addf %mul3A_317, %mul3A_318 : vector<16xf32>
      %mul3A_320 = arith.mulf %sub3A_316, %sub3A_316 : vector<16xf32>
      %add3A_321 = arith.addf %add3A_319, %mul3A_320 : vector<16xf32>
      %lt3A_322 = arith.cmpf olt, %add3A_321, %select_n3A_297 : vector<16xf32>
      %select_n3A_323 = arith.select %lt3A_322, %add3A_321, %select_n3A_297 : vector<16xi1>, vector<16xf32>
      %select_n3A_324 = arith.select %lt3A_322, %add3A_301, %select_n3A_298 : vector<16xi1>, vector<16xi32>
      %add3A_325 = arith.constant 999504 : i32
      %add3A_326 = vector.broadcast %add3A_325 : i32 to vector<16xi32>
      %add3A_327 = arith.addi %add3A_326, %iota3A : vector<16xi32>
      %get3A_328 = arith.constant 0 : i32
      %get3A_329 = arith.index_cast %get3A_328 : i32 to index
      %get3A_330 = arith.constant 80 : index
      %get3A_331 = tpu.vector_load %arg10[%get3A_329, %get3A_330] {strides = array<i32>} : memref<3x31232xf32, #tpu.memory_space<vmem>>, vector<16xf32>,
      %get3A_332 = arith.constant 1 : i32
      %get3A_333 = arith.index_cast %get3A_332 : i32 to index
      %get3A_334 = arith.constant 80 : index
      %get3A_335 = tpu.vector_load %arg10[%get3A_333, %get3A_334] {strides = array<i32>} : memref<3x31232xf32, #tpu.memory_space<vmem>>, vector<16xf32>,
      %get3A_336 = arith.constant 2 : i32
      %get3A_337 = arith.index_cast %get3A_336 : i32 to index
      %get3A_338 = arith.constant 80 : index
      %get3A_339 = tpu.vector_load %arg10[%get3A_337, %get3A_338] {strides = array<i32>} : memref<3x31232xf32, #tpu.memory_space<vmem>>, vector<16xf32>,
      %sub3A_340 = arith.subf %get3A_331, %get3A_52 : vector<16xf32>
      %sub3A_341 = arith.subf %get3A_335, %get3A_56 : vector<16xf32>
      %sub3A_342 = arith.subf %get3A_339, %get3A_60 : vector<16xf32>
      %mul3A_343 = arith.mulf %sub3A_340, %sub3A_340 : vector<16xf32>
      %mul3A_344 = arith.mulf %sub3A_341, %sub3A_341 : vector<16xf32>
      %add3A_345 = arith.addf %mul3A_343, %mul3A_344 : vector<16xf32>
      %mul3A_346 = arith.mulf %sub3A_342, %sub3A_342 : vector<16xf32>
      %add3A_347 = arith.addf %add3A_345, %mul3A_346 : vector<16xf32>
      %lt3A_348 = arith.cmpf olt, %add3A_347, %select_n3A_323 : vector<16xf32>
      %select_n3A_349 = arith.select %lt3A_348, %add3A_347, %select_n3A_323 : vector<16xi1>, vector<16xf32>
      %select_n3A_350 = arith.select %lt3A_348, %add3A_327, %select_n3A_324 : vector<16xi1>, vector<16xi32>
      %add3A_351 = arith.constant 999520 : i32
      %add3A_352 = vector.broadcast %add3A_351 : i32 to vector<16xi32>
      %add3A_353 = arith.addi %add3A_352, %iota3A : vector<16xi32>
      %get3A_354 = arith.constant 0 : i32
      %get3A_355 = arith.index_cast %get3A_354 : i32 to index
      %get3A_356 = arith.constant 96 : index
      %get3A_357 = tpu.vector_load %arg10[%get3A_355, %get3A_356] {strides = array<i32>} : memref<3x31232xf32, #tpu.memory_space<vmem>>, vector<16xf32>,
      %get3A_358 = arith.constant 1 : i32
      %get3A_359 = arith.index_cast %get3A_358 : i32 to index
      %get3A_360 = arith.constant 96 : index
      %get3A_361 = tpu.vector_load %arg10[%get3A_359, %get3A_360] {strides = array<i32>} : memref<3x31232xf32, #tpu.memory_space<vmem>>, vector<16xf32>,
      %get3A_362 = arith.constant 2 : i32
      %get3A_363 = arith.index_cast %get3A_362 : i32 to index
      %get3A_364 = arith.constant 96 : index
      %get3A_365 = tpu.vector_load %arg10[%get3A_363, %get3A_364] {strides = array<i32>} : memref<3x31232xf32, #tpu.memory_space<vmem>>, vector<16xf32>,
      %sub3A_366 = arith.subf %get3A_357, %get3A_52 : vector<16xf32>
      %sub3A_367 = arith.subf %get3A_361, %get3A_56 : vector<16xf32>
      %sub3A_368 = arith.subf %get3A_365, %get3A_60 : vector<16xf32>
      %mul3A_369 = arith.mulf %sub3A_366, %sub3A_366 : vector<16xf32>
      %mul3A_370 = arith.mulf %sub3A_367, %sub3A_367 : vector<16xf32>
      %add3A_371 = arith.addf %mul3A_369, %mul3A_370 : vector<16xf32>
      %mul3A_372 = arith.mulf %sub3A_368, %sub3A_368 : vector<16xf32>
      %add3A_373 = arith.addf %add3A_371, %mul3A_372 : vector<16xf32>
      %lt3A_374 = arith.cmpf olt, %add3A_373, %select_n3A_349 : vector<16xf32>
      %select_n3A_375 = arith.select %lt3A_374, %add3A_373, %select_n3A_349 : vector<16xi1>, vector<16xf32>
      %select_n3A_376 = arith.select %lt3A_374, %add3A_353, %select_n3A_350 : vector<16xi1>, vector<16xi32>
      %add3A_377 = arith.constant 999536 : i32
      %add3A_378 = vector.broadcast %add3A_377 : i32 to vector<16xi32>
      %add3A_379 = arith.addi %add3A_378, %iota3A : vector<16xi32>
      %get3A_380 = arith.constant 0 : i32
      %get3A_381 = arith.index_cast %get3A_380 : i32 to index
      %get3A_382 = arith.constant 112 : index
      %get3A_383 = tpu.vector_load %arg10[%get3A_381, %get3A_382] {strides = array<i32>} : memref<3x31232xf32, #tpu.memory_space<vmem>>, vector<16xf32>,
      %get3A_384 = arith.constant 1 : i32
      %get3A_385 = arith.index_cast %get3A_384 : i32 to index
      %get3A_386 = arith.constant 112 : index
      %get3A_387 = tpu.vector_load %arg10[%get3A_385, %get3A_386] {strides = array<i32>} : memref<3x31232xf32, #tpu.memory_space<vmem>>, vector<16xf32>,
      %get3A_388 = arith.constant 2 : i32
      %get3A_389 = arith.index_cast %get3A_388 : i32 to index
      %get3A_390 = arith.constant 112 : index
      %get3A_391 = tpu.vector_load %arg10[%get3A_389, %get3A_390] {strides = array<i32>} : memref<3x31232xf32, #tpu.memory_space<vmem>>, vector<16xf32>,
      %sub3A_392 = arith.subf %get3A_383, %get3A_52 : vector<16xf32>
      %sub3A_393 = arith.subf %get3A_387, %get3A_56 : vector<16xf32>
      %sub3A_394 = arith.subf %get3A_391, %get3A_60 : vector<16xf32>
      %mul3A_395 = arith.mulf %sub3A_392, %sub3A_392 : vector<16xf32>
      %mul3A_396 = arith.mulf %sub3A_393, %sub3A_393 : vector<16xf32>
      %add3A_397 = arith.addf %mul3A_395, %mul3A_396 : vector<16xf32>
      %mul3A_398 = arith.mulf %sub3A_394, %sub3A_394 : vector<16xf32>
      %add3A_399 = arith.addf %add3A_397, %mul3A_398 : vector<16xf32>
      %lt3A_400 = arith.cmpf olt, %add3A_399, %select_n3A_375 : vector<16xf32>
      %select_n3A_401 = arith.select %lt3A_400, %add3A_399, %select_n3A_375 : vector<16xi1>, vector<16xf32>
      %select_n3A_402 = arith.select %lt3A_400, %add3A_379, %select_n3A_376 : vector<16xi1>, vector<16xi32>
      %add3A_403 = arith.constant 999552 : i32
      %add3A_404 = vector.broadcast %add3A_403 : i32 to vector<16xi32>
      %add3A_405 = arith.addi %add3A_404, %iota3A : vector<16xi32>
      %get3A_406 = arith.constant 0 : i32
      %get3A_407 = arith.index_cast %get3A_406 : i32 to index
      %get3A_408 = arith.constant 128 : index
      %get3A_409 = tpu.vector_load %arg10[%get3A_407, %get3A_408] {strides = array<i32>} : memref<3x31232xf32, #tpu.memory_space<vmem>>, vector<16xf32>,
      %get3A_410 = arith.constant 1 : i32
      %get3A_411 = arith.index_cast %get3A_410 : i32 to index
      %get3A_412 = arith.constant 128 : index
      %get3A_413 = tpu.vector_load %arg10[%get3A_411, %get3A_412] {strides = array<i32>} : memref<3x31232xf32, #tpu.memory_space<vmem>>, vector<16xf32>,
      %get3A_414 = arith.constant 2 : i32
      %get3A_415 = arith.index_cast %get3A_414 : i32 to index
      %get3A_416 = arith.constant 128 : index
      %get3A_417 = tpu.vector_load %arg10[%get3A_415, %get3A_416] {strides = array<i32>} : memref<3x31232xf32, #tpu.memory_space<vmem>>, vector<16xf32>,
      %sub3A_418 = arith.subf %get3A_409, %get3A_52 : vector<16xf32>
      %sub3A_419 = arith.subf %get3A_413, %get3A_56 : vector<16xf32>
      %sub3A_420 = arith.subf %get3A_417, %get3A_60 : vector<16xf32>
      %mul3A_421 = arith.mulf %sub3A_418, %sub3A_418 : vector<16xf32>
      %mul3A_422 = arith.mulf %sub3A_419, %sub3A_419 : vector<16xf32>
      %add3A_423 = arith.addf %mul3A_421, %mul3A_422 : vector<16xf32>
      %mul3A_424 = arith.mulf %sub3A_420, %sub3A_420 : vector<16xf32>
      %add3A_425 = arith.addf %add3A_423, %mul3A_424 : vector<16xf32>
      %lt3A_426 = arith.cmpf olt, %add3A_425, %select_n3A_401 : vector<16xf32>
      %select_n3A_427 = arith.select %lt3A_426, %add3A_425, %select_n3A_401 : vector<16xi1>, vector<16xf32>
      %select_n3A_428 = arith.select %lt3A_426, %add3A_405, %select_n3A_402 : vector<16xi1>, vector<16xi32>
      %add3A_429 = arith.constant 999568 : i32
      %add3A_430 = vector.broadcast %add3A_429 : i32 to vector<16xi32>
      %add3A_431 = arith.addi %add3A_430, %iota3A : vector<16xi32>
      %get3A_432 = arith.constant 0 : i32
      %get3A_433 = arith.index_cast %get3A_432 : i32 to index
      %get3A_434 = arith.constant 144 : index
      %get3A_435 = tpu.vector_load %arg10[%get3A_433, %get3A_434] {strides = array<i32>} : memref<3x31232xf32, #tpu.memory_space<vmem>>, vector<16xf32>,
      %get3A_436 = arith.constant 1 : i32
      %get3A_437 = arith.index_cast %get3A_436 : i32 to index
      %get3A_438 = arith.constant 144 : index
      %get3A_439 = tpu.vector_load %arg10[%get3A_437, %get3A_438] {strides = array<i32>} : memref<3x31232xf32, #tpu.memory_space<vmem>>, vector<16xf32>,
      %get3A_440 = arith.constant 2 : i32
      %get3A_441 = arith.index_cast %get3A_440 : i32 to index
      %get3A_442 = arith.constant 144 : index
      %get3A_443 = tpu.vector_load %arg10[%get3A_441, %get3A_442] {strides = array<i32>} : memref<3x31232xf32, #tpu.memory_space<vmem>>, vector<16xf32>,
      %sub3A_444 = arith.subf %get3A_435, %get3A_52 : vector<16xf32>
      %sub3A_445 = arith.subf %get3A_439, %get3A_56 : vector<16xf32>
      %sub3A_446 = arith.subf %get3A_443, %get3A_60 : vector<16xf32>
      %mul3A_447 = arith.mulf %sub3A_444, %sub3A_444 : vector<16xf32>
      %mul3A_448 = arith.mulf %sub3A_445, %sub3A_445 : vector<16xf32>
      %add3A_449 = arith.addf %mul3A_447, %mul3A_448 : vector<16xf32>
      %mul3A_450 = arith.mulf %sub3A_446, %sub3A_446 : vector<16xf32>
      %add3A_451 = arith.addf %add3A_449, %mul3A_450 : vector<16xf32>
      %lt3A_452 = arith.cmpf olt, %add3A_451, %select_n3A_427 : vector<16xf32>
      %select_n3A_453 = arith.select %lt3A_452, %add3A_451, %select_n3A_427 : vector<16xi1>, vector<16xf32>
      %select_n3A_454 = arith.select %lt3A_452, %add3A_431, %select_n3A_428 : vector<16xi1>, vector<16xi32>
      %add3A_455 = arith.constant 999584 : i32
      %add3A_456 = vector.broadcast %add3A_455 : i32 to vector<16xi32>
      %add3A_457 = arith.addi %add3A_456, %iota3A : vector<16xi32>
      %get3A_458 = arith.constant 0 : i32
      %get3A_459 = arith.index_cast %get3A_458 : i32 to index
      %get3A_460 = arith.constant 160 : index
      %get3A_461 = tpu.vector_load %arg10[%get3A_459, %get3A_460] {strides = array<i32>} : memref<3x31232xf32, #tpu.memory_space<vmem>>, vector<16xf32>,
      %get3A_462 = arith.constant 1 : i32
      %get3A_463 = arith.index_cast %get3A_462 : i32 to index
      %get3A_464 = arith.constant 160 : index
      %get3A_465 = tpu.vector_load %arg10[%get3A_463, %get3A_464] {strides = array<i32>} : memref<3x31232xf32, #tpu.memory_space<vmem>>, vector<16xf32>,
      %get3A_466 = arith.constant 2 : i32
      %get3A_467 = arith.index_cast %get3A_466 : i32 to index
      %get3A_468 = arith.constant 160 : index
      %get3A_469 = tpu.vector_load %arg10[%get3A_467, %get3A_468] {strides = array<i32>} : memref<3x31232xf32, #tpu.memory_space<vmem>>, vector<16xf32>,
      %sub3A_470 = arith.subf %get3A_461, %get3A_52 : vector<16xf32>
      %sub3A_471 = arith.subf %get3A_465, %get3A_56 : vector<16xf32>
      %sub3A_472 = arith.subf %get3A_469, %get3A_60 : vector<16xf32>
      %mul3A_473 = arith.mulf %sub3A_470, %sub3A_470 : vector<16xf32>
      %mul3A_474 = arith.mulf %sub3A_471, %sub3A_471 : vector<16xf32>
      %add3A_475 = arith.addf %mul3A_473, %mul3A_474 : vector<16xf32>
      %mul3A_476 = arith.mulf %sub3A_472, %sub3A_472 : vector<16xf32>
      %add3A_477 = arith.addf %add3A_475, %mul3A_476 : vector<16xf32>
      %lt3A_478 = arith.cmpf olt, %add3A_477, %select_n3A_453 : vector<16xf32>
      %select_n3A_479 = arith.select %lt3A_478, %add3A_477, %select_n3A_453 : vector<16xi1>, vector<16xf32>
      %select_n3A_480 = arith.select %lt3A_478, %add3A_457, %select_n3A_454 : vector<16xi1>, vector<16xi32>
      %add3A_481 = arith.constant 999600 : i32
      %add3A_482 = vector.broadcast %add3A_481 : i32 to vector<16xi32>
      %add3A_483 = arith.addi %add3A_482, %iota3A : vector<16xi32>
      %get3A_484 = arith.constant 0 : i32
      %get3A_485 = arith.index_cast %get3A_484 : i32 to index
      %get3A_486 = arith.constant 176 : index
      %get3A_487 = tpu.vector_load %arg10[%get3A_485, %get3A_486] {strides = array<i32>} : memref<3x31232xf32, #tpu.memory_space<vmem>>, vector<16xf32>,
      %get3A_488 = arith.constant 1 : i32
      %get3A_489 = arith.index_cast %get3A_488 : i32 to index
      %get3A_490 = arith.constant 176 : index
      %get3A_491 = tpu.vector_load %arg10[%get3A_489, %get3A_490] {strides = array<i32>} : memref<3x31232xf32, #tpu.memory_space<vmem>>, vector<16xf32>,
      %get3A_492 = arith.constant 2 : i32
      %get3A_493 = arith.index_cast %get3A_492 : i32 to index
      %get3A_494 = arith.constant 176 : index
      %get3A_495 = tpu.vector_load %arg10[%get3A_493, %get3A_494] {strides = array<i32>} : memref<3x31232xf32, #tpu.memory_space<vmem>>, vector<16xf32>,
      %sub3A_496 = arith.subf %get3A_487, %get3A_52 : vector<16xf32>
      %sub3A_497 = arith.subf %get3A_491, %get3A_56 : vector<16xf32>
      %sub3A_498 = arith.subf %get3A_495, %get3A_60 : vector<16xf32>
      %mul3A_499 = arith.mulf %sub3A_496, %sub3A_496 : vector<16xf32>
      %mul3A_500 = arith.mulf %sub3A_497, %sub3A_497 : vector<16xf32>
      %add3A_501 = arith.addf %mul3A_499, %mul3A_500 : vector<16xf32>
      %mul3A_502 = arith.mulf %sub3A_498, %sub3A_498 : vector<16xf32>
      %add3A_503 = arith.addf %add3A_501, %mul3A_502 : vector<16xf32>
      %lt3A_504 = arith.cmpf olt, %add3A_503, %select_n3A_479 : vector<16xf32>
      %select_n3A_505 = arith.select %lt3A_504, %add3A_503, %select_n3A_479 : vector<16xi1>, vector<16xf32>
      %select_n3A_506 = arith.select %lt3A_504, %add3A_483, %select_n3A_480 : vector<16xi1>, vector<16xi32>
      %add3A_507 = arith.constant 999616 : i32
      %add3A_508 = vector.broadcast %add3A_507 : i32 to vector<16xi32>
      %add3A_509 = arith.addi %add3A_508, %iota3A : vector<16xi32>
      %get3A_510 = arith.constant 0 : i32
      %get3A_511 = arith.index_cast %get3A_510 : i32 to index
      %get3A_512 = arith.constant 192 : index
      %get3A_513 = tpu.vector_load %arg10[%get3A_511, %get3A_512] {strides = array<i32>} : memref<3x31232xf32, #tpu.memory_space<vmem>>, vector<16xf32>,
      %get3A_514 = arith.constant 1 : i32
      %get3A_515 = arith.index_cast %get3A_514 : i32 to index
      %get3A_516 = arith.constant 192 : index
      %get3A_517 = tpu.vector_load %arg10[%get3A_515, %get3A_516] {strides = array<i32>} : memref<3x31232xf32, #tpu.memory_space<vmem>>, vector<16xf32>,
      %get3A_518 = arith.constant 2 : i32
      %get3A_519 = arith.index_cast %get3A_518 : i32 to index
      %get3A_520 = arith.constant 192 : index
      %get3A_521 = tpu.vector_load %arg10[%get3A_519, %get3A_520] {strides = array<i32>} : memref<3x31232xf32, #tpu.memory_space<vmem>>, vector<16xf32>,
      %sub3A_522 = arith.subf %get3A_513, %get3A_52 : vector<16xf32>
      %sub3A_523 = arith.subf %get3A_517, %get3A_56 : vector<16xf32>
      %sub3A_524 = arith.subf %get3A_521, %get3A_60 : vector<16xf32>
      %mul3A_525 = arith.mulf %sub3A_522, %sub3A_522 : vector<16xf32>
      %mul3A_526 = arith.mulf %sub3A_523, %sub3A_523 : vector<16xf32>
      %add3A_527 = arith.addf %mul3A_525, %mul3A_526 : vector<16xf32>
      %mul3A_528 = arith.mulf %sub3A_524, %sub3A_524 : vector<16xf32>
      %add3A_529 = arith.addf %add3A_527, %mul3A_528 : vector<16xf32>
      %lt3A_530 = arith.cmpf olt, %add3A_529, %select_n3A_505 : vector<16xf32>
      %select_n3A_531 = arith.select %lt3A_530, %add3A_529, %select_n3A_505 : vector<16xi1>, vector<16xf32>
      %select_n3A_532 = arith.select %lt3A_530, %add3A_509, %select_n3A_506 : vector<16xi1>, vector<16xi32>
      %add3A_533 = arith.constant 999632 : i32
      %add3A_534 = vector.broadcast %add3A_533 : i32 to vector<16xi32>
      %add3A_535 = arith.addi %add3A_534, %iota3A : vector<16xi32>
      %get3A_536 = arith.constant 0 : i32
      %get3A_537 = arith.index_cast %get3A_536 : i32 to index
      %get3A_538 = arith.constant 208 : index
      %get3A_539 = tpu.vector_load %arg10[%get3A_537, %get3A_538] {strides = array<i32>} : memref<3x31232xf32, #tpu.memory_space<vmem>>, vector<16xf32>,
      %get3A_540 = arith.constant 1 : i32
      %get3A_541 = arith.index_cast %get3A_540 : i32 to index
      %get3A_542 = arith.constant 208 : index
      %get3A_543 = tpu.vector_load %arg10[%get3A_541, %get3A_542] {strides = array<i32>} : memref<3x31232xf32, #tpu.memory_space<vmem>>, vector<16xf32>,
      %get3A_544 = arith.constant 2 : i32
      %get3A_545 = arith.index_cast %get3A_544 : i32 to index
      %get3A_546 = arith.constant 208 : index
      %get3A_547 = tpu.vector_load %arg10[%get3A_545, %get3A_546] {strides = array<i32>} : memref<3x31232xf32, #tpu.memory_space<vmem>>, vector<16xf32>,
      %sub3A_548 = arith.subf %get3A_539, %get3A_52 : vector<16xf32>
      %sub3A_549 = arith.subf %get3A_543, %get3A_56 : vector<16xf32>
      %sub3A_550 = arith.subf %get3A_547, %get3A_60 : vector<16xf32>
      %mul3A_551 = arith.mulf %sub3A_548, %sub3A_548 : vector<16xf32>
      %mul3A_552 = arith.mulf %sub3A_549, %sub3A_549 : vector<16xf32>
      %add3A_553 = arith.addf %mul3A_551, %mul3A_552 : vector<16xf32>
      %mul3A_554 = arith.mulf %sub3A_550, %sub3A_550 : vector<16xf32>
      %add3A_555 = arith.addf %add3A_553, %mul3A_554 : vector<16xf32>
      %lt3A_556 = arith.cmpf olt, %add3A_555, %select_n3A_531 : vector<16xf32>
      %select_n3A_557 = arith.select %lt3A_556, %add3A_555, %select_n3A_531 : vector<16xi1>, vector<16xf32>
      %select_n3A_558 = arith.select %lt3A_556, %add3A_535, %select_n3A_532 : vector<16xi1>, vector<16xi32>
      %add3A_559 = arith.constant 999648 : i32
      %add3A_560 = vector.broadcast %add3A_559 : i32 to vector<16xi32>
      %add3A_561 = arith.addi %add3A_560, %iota3A : vector<16xi32>
      %get3A_562 = arith.constant 0 : i32
      %get3A_563 = arith.index_cast %get3A_562 : i32 to index
      %get3A_564 = arith.constant 224 : index
      %get3A_565 = tpu.vector_load %arg10[%get3A_563, %get3A_564] {strides = array<i32>} : memref<3x31232xf32, #tpu.memory_space<vmem>>, vector<16xf32>,
      %get3A_566 = arith.constant 1 : i32
      %get3A_567 = arith.index_cast %get3A_566 : i32 to index
      %get3A_568 = arith.constant 224 : index
      %get3A_569 = tpu.vector_load %arg10[%get3A_567, %get3A_568] {strides = array<i32>} : memref<3x31232xf32, #tpu.memory_space<vmem>>, vector<16xf32>,
      %get3A_570 = arith.constant 2 : i32
      %get3A_571 = arith.index_cast %get3A_570 : i32 to index
      %get3A_572 = arith.constant 224 : index
      %get3A_573 = tpu.vector_load %arg10[%get3A_571, %get3A_572] {strides = array<i32>} : memref<3x31232xf32, #tpu.memory_space<vmem>>, vector<16xf32>,
      %sub3A_574 = arith.subf %get3A_565, %get3A_52 : vector<16xf32>
      %sub3A_575 = arith.subf %get3A_569, %get3A_56 : vector<16xf32>
      %sub3A_576 = arith.subf %get3A_573, %get3A_60 : vector<16xf32>
      %mul3A_577 = arith.mulf %sub3A_574, %sub3A_574 : vector<16xf32>
      %mul3A_578 = arith.mulf %sub3A_575, %sub3A_575 : vector<16xf32>
      %add3A_579 = arith.addf %mul3A_577, %mul3A_578 : vector<16xf32>
      %mul3A_580 = arith.mulf %sub3A_576, %sub3A_576 : vector<16xf32>
      %add3A_581 = arith.addf %add3A_579, %mul3A_580 : vector<16xf32>
      %lt3A_582 = arith.cmpf olt, %add3A_581, %select_n3A_557 : vector<16xf32>
      %select_n3A_583 = arith.select %lt3A_582, %add3A_581, %select_n3A_557 : vector<16xi1>, vector<16xf32>
      %select_n3A_584 = arith.select %lt3A_582, %add3A_561, %select_n3A_558 : vector<16xi1>, vector<16xi32>
      %add3A_585 = arith.constant 999664 : i32
      %add3A_586 = vector.broadcast %add3A_585 : i32 to vector<16xi32>
      %add3A_587 = arith.addi %add3A_586, %iota3A : vector<16xi32>
      %get3A_588 = arith.constant 0 : i32
      %get3A_589 = arith.index_cast %get3A_588 : i32 to index
      %get3A_590 = arith.constant 240 : index
      %get3A_591 = tpu.vector_load %arg10[%get3A_589, %get3A_590] {strides = array<i32>} : memref<3x31232xf32, #tpu.memory_space<vmem>>, vector<16xf32>,
      %get3A_592 = arith.constant 1 : i32
      %get3A_593 = arith.index_cast %get3A_592 : i32 to index
      %get3A_594 = arith.constant 240 : index
      %get3A_595 = tpu.vector_load %arg10[%get3A_593, %get3A_594] {strides = array<i32>} : memref<3x31232xf32, #tpu.memory_space<vmem>>, vector<16xf32>,
      %get3A_596 = arith.constant 2 : i32
      %get3A_597 = arith.index_cast %get3A_596 : i32 to index
      %get3A_598 = arith.constant 240 : index
      %get3A_599 = tpu.vector_load %arg10[%get3A_597, %get3A_598] {strides = array<i32>} : memref<3x31232xf32, #tpu.memory_space<vmem>>, vector<16xf32>,
      %sub3A_600 = arith.subf %get3A_591, %get3A_52 : vector<16xf32>
      %sub3A_601 = arith.subf %get3A_595, %get3A_56 : vector<16xf32>
      %sub3A_602 = arith.subf %get3A_599, %get3A_60 : vector<16xf32>
      %mul3A_603 = arith.mulf %sub3A_600, %sub3A_600 : vector<16xf32>
      %mul3A_604 = arith.mulf %sub3A_601, %sub3A_601 : vector<16xf32>
      %add3A_605 = arith.addf %mul3A_603, %mul3A_604 : vector<16xf32>
      %mul3A_606 = arith.mulf %sub3A_602, %sub3A_602 : vector<16xf32>
      %add3A_607 = arith.addf %add3A_605, %mul3A_606 : vector<16xf32>
      %lt3A_608 = arith.cmpf olt, %add3A_607, %select_n3A_583 : vector<16xf32>
      %select_n3A_609 = arith.select %lt3A_608, %add3A_607, %select_n3A_583 : vector<16xi1>, vector<16xf32>
      %select_n3A_610 = arith.select %lt3A_608, %add3A_587, %select_n3A_584 : vector<16xi1>, vector<16xi32>
      %add3A_611 = arith.constant 999680 : i32
      %add3A_612 = vector.broadcast %add3A_611 : i32 to vector<16xi32>
      %add3A_613 = arith.addi %add3A_612, %iota3A : vector<16xi32>
      %get3A_614 = arith.constant 0 : i32
      %get3A_615 = arith.index_cast %get3A_614 : i32 to index
      %get3A_616 = arith.constant 256 : index
      %get3A_617 = tpu.vector_load %arg10[%get3A_615, %get3A_616] {strides = array<i32>} : memref<3x31232xf32, #tpu.memory_space<vmem>>, vector<16xf32>,
      %get3A_618 = arith.constant 1 : i32
      %get3A_619 = arith.index_cast %get3A_618 : i32 to index
      %get3A_620 = arith.constant 256 : index
      %get3A_621 = tpu.vector_load %arg10[%get3A_619, %get3A_620] {strides = array<i32>} : memref<3x31232xf32, #tpu.memory_space<vmem>>, vector<16xf32>,
      %get3A_622 = arith.constant 2 : i32
      %get3A_623 = arith.index_cast %get3A_622 : i32 to index
      %get3A_624 = arith.constant 256 : index
      %get3A_625 = tpu.vector_load %arg10[%get3A_623, %get3A_624] {strides = array<i32>} : memref<3x31232xf32, #tpu.memory_space<vmem>>, vector<16xf32>,
      %sub3A_626 = arith.subf %get3A_617, %get3A_52 : vector<16xf32>
      %sub3A_627 = arith.subf %get3A_621, %get3A_56 : vector<16xf32>
      %sub3A_628 = arith.subf %get3A_625, %get3A_60 : vector<16xf32>
      %mul3A_629 = arith.mulf %sub3A_626, %sub3A_626 : vector<16xf32>
      %mul3A_630 = arith.mulf %sub3A_627, %sub3A_627 : vector<16xf32>
      %add3A_631 = arith.addf %mul3A_629, %mul3A_630 : vector<16xf32>
      %mul3A_632 = arith.mulf %sub3A_628, %sub3A_628 : vector<16xf32>
      %add3A_633 = arith.addf %add3A_631, %mul3A_632 : vector<16xf32>
      %lt3A_634 = arith.cmpf olt, %add3A_633, %select_n3A_609 : vector<16xf32>
      %select_n3A_635 = arith.select %lt3A_634, %add3A_633, %select_n3A_609 : vector<16xi1>, vector<16xf32>
      %select_n3A_636 = arith.select %lt3A_634, %add3A_613, %select_n3A_610 : vector<16xi1>, vector<16xi32>
      %add3A_637 = arith.constant 999696 : i32
      %add3A_638 = vector.broadcast %add3A_637 : i32 to vector<16xi32>
      %add3A_639 = arith.addi %add3A_638, %iota3A : vector<16xi32>
      %get3A_640 = arith.constant 0 : i32
      %get3A_641 = arith.index_cast %get3A_640 : i32 to index
      %get3A_642 = arith.constant 272 : index
      %get3A_643 = tpu.vector_load %arg10[%get3A_641, %get3A_642] {strides = array<i32>} : memref<3x31232xf32, #tpu.memory_space<vmem>>, vector<16xf32>,
      %get3A_644 = arith.constant 1 : i32
      %get3A_645 = arith.index_cast %get3A_644 : i32 to index
      %get3A_646 = arith.constant 272 : index
      %get3A_647 = tpu.vector_load %arg10[%get3A_645, %get3A_646] {strides = array<i32>} : memref<3x31232xf32, #tpu.memory_space<vmem>>, vector<16xf32>,
      %get3A_648 = arith.constant 2 : i32
      %get3A_649 = arith.index_cast %get3A_648 : i32 to index
      %get3A_650 = arith.constant 272 : index
      %get3A_651 = tpu.vector_load %arg10[%get3A_649, %get3A_650] {strides = array<i32>} : memref<3x31232xf32, #tpu.memory_space<vmem>>, vector<16xf32>,
      %sub3A_652 = arith.subf %get3A_643, %get3A_52 : vector<16xf32>
      %sub3A_653 = arith.subf %get3A_647, %get3A_56 : vector<16xf32>
      %sub3A_654 = arith.subf %get3A_651, %get3A_60 : vector<16xf32>
      %mul3A_655 = arith.mulf %sub3A_652, %sub3A_652 : vector<16xf32>
      %mul3A_656 = arith.mulf %sub3A_653, %sub3A_653 : vector<16xf32>
      %add3A_657 = arith.addf %mul3A_655, %mul3A_656 : vector<16xf32>
      %mul3A_658 = arith.mulf %sub3A_654, %sub3A_654 : vector<16xf32>
      %add3A_659 = arith.addf %add3A_657, %mul3A_658 : vector<16xf32>
      %lt3A_660 = arith.cmpf olt, %add3A_659, %select_n3A_635 : vector<16xf32>
      %select_n3A_661 = arith.select %lt3A_660, %add3A_659, %select_n3A_635 : vector<16xi1>, vector<16xf32>
      %select_n3A_662 = arith.select %lt3A_660, %add3A_639, %select_n3A_636 : vector<16xi1>, vector<16xi32>
      %add3A_663 = arith.constant 999712 : i32
      %add3A_664 = vector.broadcast %add3A_663 : i32 to vector<16xi32>
      %add3A_665 = arith.addi %add3A_664, %iota3A : vector<16xi32>
      %get3A_666 = arith.constant 0 : i32
      %get3A_667 = arith.index_cast %get3A_666 : i32 to index
      %get3A_668 = arith.constant 288 : index
      %get3A_669 = tpu.vector_load %arg10[%get3A_667, %get3A_668] {strides = array<i32>} : memref<3x31232xf32, #tpu.memory_space<vmem>>, vector<16xf32>,
      %get3A_670 = arith.constant 1 : i32
      %get3A_671 = arith.index_cast %get3A_670 : i32 to index
      %get3A_672 = arith.constant 288 : index
      %get3A_673 = tpu.vector_load %arg10[%get3A_671, %get3A_672] {strides = array<i32>} : memref<3x31232xf32, #tpu.memory_space<vmem>>, vector<16xf32>,
      %get3A_674 = arith.constant 2 : i32
      %get3A_675 = arith.index_cast %get3A_674 : i32 to index
      %get3A_676 = arith.constant 288 : index
      %get3A_677 = tpu.vector_load %arg10[%get3A_675, %get3A_676] {strides = array<i32>} : memref<3x31232xf32, #tpu.memory_space<vmem>>, vector<16xf32>,
      %sub3A_678 = arith.subf %get3A_669, %get3A_52 : vector<16xf32>
      %sub3A_679 = arith.subf %get3A_673, %get3A_56 : vector<16xf32>
      %sub3A_680 = arith.subf %get3A_677, %get3A_60 : vector<16xf32>
      %mul3A_681 = arith.mulf %sub3A_678, %sub3A_678 : vector<16xf32>
      %mul3A_682 = arith.mulf %sub3A_679, %sub3A_679 : vector<16xf32>
      %add3A_683 = arith.addf %mul3A_681, %mul3A_682 : vector<16xf32>
      %mul3A_684 = arith.mulf %sub3A_680, %sub3A_680 : vector<16xf32>
      %add3A_685 = arith.addf %add3A_683, %mul3A_684 : vector<16xf32>
      %lt3A_686 = arith.cmpf olt, %add3A_685, %select_n3A_661 : vector<16xf32>
      %select_n3A_687 = arith.select %lt3A_686, %add3A_685, %select_n3A_661 : vector<16xi1>, vector<16xf32>
      %select_n3A_688 = arith.select %lt3A_686, %add3A_665, %select_n3A_662 : vector<16xi1>, vector<16xi32>
      %add3A_689 = arith.constant 999728 : i32
      %add3A_690 = vector.broadcast %add3A_689 : i32 to vector<16xi32>
      %add3A_691 = arith.addi %add3A_690, %iota3A : vector<16xi32>
      %get3A_692 = arith.constant 0 : i32
      %get3A_693 = arith.index_cast %get3A_692 : i32 to index
      %get3A_694 = arith.constant 304 : index
      %get3A_695 = tpu.vector_load %arg10[%get3A_693, %get3A_694] {strides = array<i32>} : memref<3x31232xf32, #tpu.memory_space<vmem>>, vector<16xf32>,
      %get3A_696 = arith.constant 1 : i32
      %get3A_697 = arith.index_cast %get3A_696 : i32 to index
      %get3A_698 = arith.constant 304 : index
      %get3A_699 = tpu.vector_load %arg10[%get3A_697, %get3A_698] {strides = array<i32>} : memref<3x31232xf32, #tpu.memory_space<vmem>>, vector<16xf32>,
      %get3A_700 = arith.constant 2 : i32
      %get3A_701 = arith.index_cast %get3A_700 : i32 to index
      %get3A_702 = arith.constant 304 : index
      %get3A_703 = tpu.vector_load %arg10[%get3A_701, %get3A_702] {strides = array<i32>} : memref<3x31232xf32, #tpu.memory_space<vmem>>, vector<16xf32>,
      %sub3A_704 = arith.subf %get3A_695, %get3A_52 : vector<16xf32>
      %sub3A_705 = arith.subf %get3A_699, %get3A_56 : vector<16xf32>
      %sub3A_706 = arith.subf %get3A_703, %get3A_60 : vector<16xf32>
      %mul3A_707 = arith.mulf %sub3A_704, %sub3A_704 : vector<16xf32>
      %mul3A_708 = arith.mulf %sub3A_705, %sub3A_705 : vector<16xf32>
      %add3A_709 = arith.addf %mul3A_707, %mul3A_708 : vector<16xf32>
      %mul3A_710 = arith.mulf %sub3A_706, %sub3A_706 : vector<16xf32>
      %add3A_711 = arith.addf %add3A_709, %mul3A_710 : vector<16xf32>
      %lt3A_712 = arith.cmpf olt, %add3A_711, %select_n3A_687 : vector<16xf32>
      %select_n3A_713 = arith.select %lt3A_712, %add3A_711, %select_n3A_687 : vector<16xi1>, vector<16xf32>
      %select_n3A_714 = arith.select %lt3A_712, %add3A_691, %select_n3A_688 : vector<16xi1>, vector<16xi32>
      %add3A_715 = arith.constant 999744 : i32
      %add3A_716 = vector.broadcast %add3A_715 : i32 to vector<16xi32>
      %add3A_717 = arith.addi %add3A_716, %iota3A : vector<16xi32>
      %get3A_718 = arith.constant 0 : i32
      %get3A_719 = arith.index_cast %get3A_718 : i32 to index
      %get3A_720 = arith.constant 320 : index
      %get3A_721 = tpu.vector_load %arg10[%get3A_719, %get3A_720] {strides = array<i32>} : memref<3x31232xf32, #tpu.memory_space<vmem>>, vector<16xf32>,
      %get3A_722 = arith.constant 1 : i32
      %get3A_723 = arith.index_cast %get3A_722 : i32 to index
      %get3A_724 = arith.constant 320 : index
      %get3A_725 = tpu.vector_load %arg10[%get3A_723, %get3A_724] {strides = array<i32>} : memref<3x31232xf32, #tpu.memory_space<vmem>>, vector<16xf32>,
      %get3A_726 = arith.constant 2 : i32
      %get3A_727 = arith.index_cast %get3A_726 : i32 to index
      %get3A_728 = arith.constant 320 : index
      %get3A_729 = tpu.vector_load %arg10[%get3A_727, %get3A_728] {strides = array<i32>} : memref<3x31232xf32, #tpu.memory_space<vmem>>, vector<16xf32>,
      %sub3A_730 = arith.subf %get3A_721, %get3A_52 : vector<16xf32>
      %sub3A_731 = arith.subf %get3A_725, %get3A_56 : vector<16xf32>
      %sub3A_732 = arith.subf %get3A_729, %get3A_60 : vector<16xf32>
      %mul3A_733 = arith.mulf %sub3A_730, %sub3A_730 : vector<16xf32>
      %mul3A_734 = arith.mulf %sub3A_731, %sub3A_731 : vector<16xf32>
      %add3A_735 = arith.addf %mul3A_733, %mul3A_734 : vector<16xf32>
      %mul3A_736 = arith.mulf %sub3A_732, %sub3A_732 : vector<16xf32>
      %add3A_737 = arith.addf %add3A_735, %mul3A_736 : vector<16xf32>
      %lt3A_738 = arith.cmpf olt, %add3A_737, %select_n3A_713 : vector<16xf32>
      %select_n3A_739 = arith.select %lt3A_738, %add3A_737, %select_n3A_713 : vector<16xi1>, vector<16xf32>
      %select_n3A_740 = arith.select %lt3A_738, %add3A_717, %select_n3A_714 : vector<16xi1>, vector<16xi32>
      %add3A_741 = arith.constant 999760 : i32
      %add3A_742 = vector.broadcast %add3A_741 : i32 to vector<16xi32>
      %add3A_743 = arith.addi %add3A_742, %iota3A : vector<16xi32>
      %get3A_744 = arith.constant 0 : i32
      %get3A_745 = arith.index_cast %get3A_744 : i32 to index
      %get3A_746 = arith.constant 336 : index
      %get3A_747 = tpu.vector_load %arg10[%get3A_745, %get3A_746] {strides = array<i32>} : memref<3x31232xf32, #tpu.memory_space<vmem>>, vector<16xf32>,
      %get3A_748 = arith.constant 1 : i32
      %get3A_749 = arith.index_cast %get3A_748 : i32 to index
      %get3A_750 = arith.constant 336 : index
      %get3A_751 = tpu.vector_load %arg10[%get3A_749, %get3A_750] {strides = array<i32>} : memref<3x31232xf32, #tpu.memory_space<vmem>>, vector<16xf32>,
      %get3A_752 = arith.constant 2 : i32
      %get3A_753 = arith.index_cast %get3A_752 : i32 to index
      %get3A_754 = arith.constant 336 : index
      %get3A_755 = tpu.vector_load %arg10[%get3A_753, %get3A_754] {strides = array<i32>} : memref<3x31232xf32, #tpu.memory_space<vmem>>, vector<16xf32>,
      %sub3A_756 = arith.subf %get3A_747, %get3A_52 : vector<16xf32>
      %sub3A_757 = arith.subf %get3A_751, %get3A_56 : vector<16xf32>
      %sub3A_758 = arith.subf %get3A_755, %get3A_60 : vector<16xf32>
      %mul3A_759 = arith.mulf %sub3A_756, %sub3A_756 : vector<16xf32>
      %mul3A_760 = arith.mulf %sub3A_757, %sub3A_757 : vector<16xf32>
      %add3A_761 = arith.addf %mul3A_759, %mul3A_760 : vector<16xf32>
      %mul3A_762 = arith.mulf %sub3A_758, %sub3A_758 : vector<16xf32>
      %add3A_763 = arith.addf %add3A_761, %mul3A_762 : vector<16xf32>
      %lt3A_764 = arith.cmpf olt, %add3A_763, %select_n3A_739 : vector<16xf32>
      %select_n3A_765 = arith.select %lt3A_764, %add3A_763, %select_n3A_739 : vector<16xi1>, vector<16xf32>
      %select_n3A_766 = arith.select %lt3A_764, %add3A_743, %select_n3A_740 : vector<16xi1>, vector<16xi32>
      %add3A_767 = arith.constant 999776 : i32
      %add3A_768 = vector.broadcast %add3A_767 : i32 to vector<16xi32>
      %add3A_769 = arith.addi %add3A_768, %iota3A : vector<16xi32>
      %get3A_770 = arith.constant 0 : i32
      %get3A_771 = arith.index_cast %get3A_770 : i32 to index
      %get3A_772 = arith.constant 352 : index
      %get3A_773 = tpu.vector_load %arg10[%get3A_771, %get3A_772] {strides = array<i32>} : memref<3x31232xf32, #tpu.memory_space<vmem>>, vector<16xf32>,
      %get3A_774 = arith.constant 1 : i32
      %get3A_775 = arith.index_cast %get3A_774 : i32 to index
      %get3A_776 = arith.constant 352 : index
      %get3A_777 = tpu.vector_load %arg10[%get3A_775, %get3A_776] {strides = array<i32>} : memref<3x31232xf32, #tpu.memory_space<vmem>>, vector<16xf32>,
      %get3A_778 = arith.constant 2 : i32
      %get3A_779 = arith.index_cast %get3A_778 : i32 to index
      %get3A_780 = arith.constant 352 : index
      %get3A_781 = tpu.vector_load %arg10[%get3A_779, %get3A_780] {strides = array<i32>} : memref<3x31232xf32, #tpu.memory_space<vmem>>, vector<16xf32>,
      %sub3A_782 = arith.subf %get3A_773, %get3A_52 : vector<16xf32>
      %sub3A_783 = arith.subf %get3A_777, %get3A_56 : vector<16xf32>
      %sub3A_784 = arith.subf %get3A_781, %get3A_60 : vector<16xf32>
      %mul3A_785 = arith.mulf %sub3A_782, %sub3A_782 : vector<16xf32>
      %mul3A_786 = arith.mulf %sub3A_783, %sub3A_783 : vector<16xf32>
      %add3A_787 = arith.addf %mul3A_785, %mul3A_786 : vector<16xf32>
      %mul3A_788 = arith.mulf %sub3A_784, %sub3A_784 : vector<16xf32>
      %add3A_789 = arith.addf %add3A_787, %mul3A_788 : vector<16xf32>
      %lt3A_790 = arith.cmpf olt, %add3A_789, %select_n3A_765 : vector<16xf32>
      %select_n3A_791 = arith.select %lt3A_790, %add3A_789, %select_n3A_765 : vector<16xi1>, vector<16xf32>
      %select_n3A_792 = arith.select %lt3A_790, %add3A_769, %select_n3A_766 : vector<16xi1>, vector<16xi32>
      %add3A_793 = arith.constant 999792 : i32
      %add3A_794 = vector.broadcast %add3A_793 : i32 to vector<16xi32>
      %add3A_795 = arith.addi %add3A_794, %iota3A : vector<16xi32>
      %get3A_796 = arith.constant 0 : i32
      %get3A_797 = arith.index_cast %get3A_796 : i32 to index
      %get3A_798 = arith.constant 368 : index
      %get3A_799 = tpu.vector_load %arg10[%get3A_797, %get3A_798] {strides = array<i32>} : memref<3x31232xf32, #tpu.memory_space<vmem>>, vector<16xf32>,
      %get3A_800 = arith.constant 1 : i32
      %get3A_801 = arith.index_cast %get3A_800 : i32 to index
      %get3A_802 = arith.constant 368 : index
      %get3A_803 = tpu.vector_load %arg10[%get3A_801, %get3A_802] {strides = array<i32>} : memref<3x31232xf32, #tpu.memory_space<vmem>>, vector<16xf32>,
      %get3A_804 = arith.constant 2 : i32
      %get3A_805 = arith.index_cast %get3A_804 : i32 to index
      %get3A_806 = arith.constant 368 : index
      %get3A_807 = tpu.vector_load %arg10[%get3A_805, %get3A_806] {strides = array<i32>} : memref<3x31232xf32, #tpu.memory_space<vmem>>, vector<16xf32>,
      %sub3A_808 = arith.subf %get3A_799, %get3A_52 : vector<16xf32>
      %sub3A_809 = arith.subf %get3A_803, %get3A_56 : vector<16xf32>
      %sub3A_810 = arith.subf %get3A_807, %get3A_60 : vector<16xf32>
      %mul3A_811 = arith.mulf %sub3A_808, %sub3A_808 : vector<16xf32>
      %mul3A_812 = arith.mulf %sub3A_809, %sub3A_809 : vector<16xf32>
      %add3A_813 = arith.addf %mul3A_811, %mul3A_812 : vector<16xf32>
      %mul3A_814 = arith.mulf %sub3A_810, %sub3A_810 : vector<16xf32>
      %add3A_815 = arith.addf %add3A_813, %mul3A_814 : vector<16xf32>
      %lt3A_816 = arith.cmpf olt, %add3A_815, %select_n3A_791 : vector<16xf32>
      %select_n3A_817 = arith.select %lt3A_816, %add3A_815, %select_n3A_791 : vector<16xi1>, vector<16xf32>
      %select_n3A_818 = arith.select %lt3A_816, %add3A_795, %select_n3A_792 : vector<16xi1>, vector<16xi32>
      %add3A_819 = arith.constant 999808 : i32
      %add3A_820 = vector.broadcast %add3A_819 : i32 to vector<16xi32>
      %add3A_821 = arith.addi %add3A_820, %iota3A : vector<16xi32>
      %get3A_822 = arith.constant 0 : i32
      %get3A_823 = arith.index_cast %get3A_822 : i32 to index
      %get3A_824 = arith.constant 384 : index
      %get3A_825 = tpu.vector_load %arg10[%get3A_823, %get3A_824] {strides = array<i32>} : memref<3x31232xf32, #tpu.memory_space<vmem>>, vector<16xf32>,
      %get3A_826 = arith.constant 1 : i32
      %get3A_827 = arith.index_cast %get3A_826 : i32 to index
      %get3A_828 = arith.constant 384 : index
      %get3A_829 = tpu.vector_load %arg10[%get3A_827, %get3A_828] {strides = array<i32>} : memref<3x31232xf32, #tpu.memory_space<vmem>>, vector<16xf32>,
      %get3A_830 = arith.constant 2 : i32
      %get3A_831 = arith.index_cast %get3A_830 : i32 to index
      %get3A_832 = arith.constant 384 : index
      %get3A_833 = tpu.vector_load %arg10[%get3A_831, %get3A_832] {strides = array<i32>} : memref<3x31232xf32, #tpu.memory_space<vmem>>, vector<16xf32>,
      %sub3A_834 = arith.subf %get3A_825, %get3A_52 : vector<16xf32>
      %sub3A_835 = arith.subf %get3A_829, %get3A_56 : vector<16xf32>
      %sub3A_836 = arith.subf %get3A_833, %get3A_60 : vector<16xf32>
      %mul3A_837 = arith.mulf %sub3A_834, %sub3A_834 : vector<16xf32>
      %mul3A_838 = arith.mulf %sub3A_835, %sub3A_835 : vector<16xf32>
      %add3A_839 = arith.addf %mul3A_837, %mul3A_838 : vector<16xf32>
      %mul3A_840 = arith.mulf %sub3A_836, %sub3A_836 : vector<16xf32>
      %add3A_841 = arith.addf %add3A_839, %mul3A_840 : vector<16xf32>
      %lt3A_842 = arith.cmpf olt, %add3A_841, %select_n3A_817 : vector<16xf32>
      %select_n3A_843 = arith.select %lt3A_842, %add3A_841, %select_n3A_817 : vector<16xi1>, vector<16xf32>
      %select_n3A_844 = arith.select %lt3A_842, %add3A_821, %select_n3A_818 : vector<16xi1>, vector<16xi32>
      %add3A_845 = arith.constant 999824 : i32
      %add3A_846 = vector.broadcast %add3A_845 : i32 to vector<16xi32>
      %add3A_847 = arith.addi %add3A_846, %iota3A : vector<16xi32>
      %get3A_848 = arith.constant 0 : i32
      %get3A_849 = arith.index_cast %get3A_848 : i32 to index
      %get3A_850 = arith.constant 400 : index
      %get3A_851 = tpu.vector_load %arg10[%get3A_849, %get3A_850] {strides = array<i32>} : memref<3x31232xf32, #tpu.memory_space<vmem>>, vector<16xf32>,
      %get3A_852 = arith.constant 1 : i32
      %get3A_853 = arith.index_cast %get3A_852 : i32 to index
      %get3A_854 = arith.constant 400 : index
      %get3A_855 = tpu.vector_load %arg10[%get3A_853, %get3A_854] {strides = array<i32>} : memref<3x31232xf32, #tpu.memory_space<vmem>>, vector<16xf32>,
      %get3A_856 = arith.constant 2 : i32
      %get3A_857 = arith.index_cast %get3A_856 : i32 to index
      %get3A_858 = arith.constant 400 : index
      %get3A_859 = tpu.vector_load %arg10[%get3A_857, %get3A_858] {strides = array<i32>} : memref<3x31232xf32, #tpu.memory_space<vmem>>, vector<16xf32>,
      %sub3A_860 = arith.subf %get3A_851, %get3A_52 : vector<16xf32>
      %sub3A_861 = arith.subf %get3A_855, %get3A_56 : vector<16xf32>
      %sub3A_862 = arith.subf %get3A_859, %get3A_60 : vector<16xf32>
      %mul3A_863 = arith.mulf %sub3A_860, %sub3A_860 : vector<16xf32>
      %mul3A_864 = arith.mulf %sub3A_861, %sub3A_861 : vector<16xf32>
      %add3A_865 = arith.addf %mul3A_863, %mul3A_864 : vector<16xf32>
      %mul3A_866 = arith.mulf %sub3A_862, %sub3A_862 : vector<16xf32>
      %add3A_867 = arith.addf %add3A_865, %mul3A_866 : vector<16xf32>
      %lt3A_868 = arith.cmpf olt, %add3A_867, %select_n3A_843 : vector<16xf32>
      %select_n3A_869 = arith.select %lt3A_868, %add3A_867, %select_n3A_843 : vector<16xi1>, vector<16xf32>
      %select_n3A_870 = arith.select %lt3A_868, %add3A_847, %select_n3A_844 : vector<16xi1>, vector<16xi32>
      %add3A_871 = arith.constant 999840 : i32
      %add3A_872 = vector.broadcast %add3A_871 : i32 to vector<16xi32>
      %add3A_873 = arith.addi %add3A_872, %iota3A : vector<16xi32>
      %get3A_874 = arith.constant 0 : i32
      %get3A_875 = arith.index_cast %get3A_874 : i32 to index
      %get3A_876 = arith.constant 416 : index
      %get3A_877 = tpu.vector_load %arg10[%get3A_875, %get3A_876] {strides = array<i32>} : memref<3x31232xf32, #tpu.memory_space<vmem>>, vector<16xf32>,
      %get3A_878 = arith.constant 1 : i32
      %get3A_879 = arith.index_cast %get3A_878 : i32 to index
      %get3A_880 = arith.constant 416 : index
      %get3A_881 = tpu.vector_load %arg10[%get3A_879, %get3A_880] {strides = array<i32>} : memref<3x31232xf32, #tpu.memory_space<vmem>>, vector<16xf32>,
      %get3A_882 = arith.constant 2 : i32
      %get3A_883 = arith.index_cast %get3A_882 : i32 to index
      %get3A_884 = arith.constant 416 : index
      %get3A_885 = tpu.vector_load %arg10[%get3A_883, %get3A_884] {strides = array<i32>} : memref<3x31232xf32, #tpu.memory_space<vmem>>, vector<16xf32>,
      %sub3A_886 = arith.subf %get3A_877, %get3A_52 : vector<16xf32>
      %sub3A_887 = arith.subf %get3A_881, %get3A_56 : vector<16xf32>
      %sub3A_888 = arith.subf %get3A_885, %get3A_60 : vector<16xf32>
      %mul3A_889 = arith.mulf %sub3A_886, %sub3A_886 : vector<16xf32>
      %mul3A_890 = arith.mulf %sub3A_887, %sub3A_887 : vector<16xf32>
      %add3A_891 = arith.addf %mul3A_889, %mul3A_890 : vector<16xf32>
      %mul3A_892 = arith.mulf %sub3A_888, %sub3A_888 : vector<16xf32>
      %add3A_893 = arith.addf %add3A_891, %mul3A_892 : vector<16xf32>
      %lt3A_894 = arith.cmpf olt, %add3A_893, %select_n3A_869 : vector<16xf32>
      %select_n3A_895 = arith.select %lt3A_894, %add3A_893, %select_n3A_869 : vector<16xi1>, vector<16xf32>
      %select_n3A_896 = arith.select %lt3A_894, %add3A_873, %select_n3A_870 : vector<16xi1>, vector<16xi32>
      %add3A_897 = arith.constant 999856 : i32
      %add3A_898 = vector.broadcast %add3A_897 : i32 to vector<16xi32>
      %add3A_899 = arith.addi %add3A_898, %iota3A : vector<16xi32>
      %get3A_900 = arith.constant 0 : i32
      %get3A_901 = arith.index_cast %get3A_900 : i32 to index
      %get3A_902 = arith.constant 432 : index
      %get3A_903 = tpu.vector_load %arg10[%get3A_901, %get3A_902] {strides = array<i32>} : memref<3x31232xf32, #tpu.memory_space<vmem>>, vector<16xf32>,
      %get3A_904 = arith.constant 1 : i32
      %get3A_905 = arith.index_cast %get3A_904 : i32 to index
      %get3A_906 = arith.constant 432 : index
      %get3A_907 = tpu.vector_load %arg10[%get3A_905, %get3A_906] {strides = array<i32>} : memref<3x31232xf32, #tpu.memory_space<vmem>>, vector<16xf32>,
      %get3A_908 = arith.constant 2 : i32
      %get3A_909 = arith.index_cast %get3A_908 : i32 to index
      %get3A_910 = arith.constant 432 : index
      %get3A_911 = tpu.vector_load %arg10[%get3A_909, %get3A_910] {strides = array<i32>} : memref<3x31232xf32, #tpu.memory_space<vmem>>, vector<16xf32>,
      %sub3A_912 = arith.subf %get3A_903, %get3A_52 : vector<16xf32>
      %sub3A_913 = arith.subf %get3A_907, %get3A_56 : vector<16xf32>
      %sub3A_914 = arith.subf %get3A_911, %get3A_60 : vector<16xf32>
      %mul3A_915 = arith.mulf %sub3A_912, %sub3A_912 : vector<16xf32>
      %mul3A_916 = arith.mulf %sub3A_913, %sub3A_913 : vector<16xf32>
      %add3A_917 = arith.addf %mul3A_915, %mul3A_916 : vector<16xf32>
      %mul3A_918 = arith.mulf %sub3A_914, %sub3A_914 : vector<16xf32>
      %add3A_919 = arith.addf %add3A_917, %mul3A_918 : vector<16xf32>
      %lt3A_920 = arith.cmpf olt, %add3A_919, %select_n3A_895 : vector<16xf32>
      %select_n3A_921 = arith.select %lt3A_920, %add3A_919, %select_n3A_895 : vector<16xi1>, vector<16xf32>
      %select_n3A_922 = arith.select %lt3A_920, %add3A_899, %select_n3A_896 : vector<16xi1>, vector<16xi32>
      %add3A_923 = arith.constant 999872 : i32
      %add3A_924 = vector.broadcast %add3A_923 : i32 to vector<16xi32>
      %add3A_925 = arith.addi %add3A_924, %iota3A : vector<16xi32>
      %get3A_926 = arith.constant 0 : i32
      %get3A_927 = arith.index_cast %get3A_926 : i32 to index
      %get3A_928 = arith.constant 448 : index
      %get3A_929 = tpu.vector_load %arg10[%get3A_927, %get3A_928] {strides = array<i32>} : memref<3x31232xf32, #tpu.memory_space<vmem>>, vector<16xf32>,
      %get3A_930 = arith.constant 1 : i32
      %get3A_931 = arith.index_cast %get3A_930 : i32 to index
      %get3A_932 = arith.constant 448 : index
      %get3A_933 = tpu.vector_load %arg10[%get3A_931, %get3A_932] {strides = array<i32>} : memref<3x31232xf32, #tpu.memory_space<vmem>>, vector<16xf32>,
      %get3A_934 = arith.constant 2 : i32
      %get3A_935 = arith.index_cast %get3A_934 : i32 to index
      %get3A_936 = arith.constant 448 : index
      %get3A_937 = tpu.vector_load %arg10[%get3A_935, %get3A_936] {strides = array<i32>} : memref<3x31232xf32, #tpu.memory_space<vmem>>, vector<16xf32>,
      %sub3A_938 = arith.subf %get3A_929, %get3A_52 : vector<16xf32>
      %sub3A_939 = arith.subf %get3A_933, %get3A_56 : vector<16xf32>
      %sub3A_940 = arith.subf %get3A_937, %get3A_60 : vector<16xf32>
      %mul3A_941 = arith.mulf %sub3A_938, %sub3A_938 : vector<16xf32>
      %mul3A_942 = arith.mulf %sub3A_939, %sub3A_939 : vector<16xf32>
      %add3A_943 = arith.addf %mul3A_941, %mul3A_942 : vector<16xf32>
      %mul3A_944 = arith.mulf %sub3A_940, %sub3A_940 : vector<16xf32>
      %add3A_945 = arith.addf %add3A_943, %mul3A_944 : vector<16xf32>
      %lt3A_946 = arith.cmpf olt, %add3A_945, %select_n3A_921 : vector<16xf32>
      %select_n3A_947 = arith.select %lt3A_946, %add3A_945, %select_n3A_921 : vector<16xi1>, vector<16xf32>
      %select_n3A_948 = arith.select %lt3A_946, %add3A_925, %select_n3A_922 : vector<16xi1>, vector<16xi32>
      %add3A_949 = arith.constant 999888 : i32
      %add3A_950 = vector.broadcast %add3A_949 : i32 to vector<16xi32>
      %add3A_951 = arith.addi %add3A_950, %iota3A : vector<16xi32>
      %get3A_952 = arith.constant 0 : i32
      %get3A_953 = arith.index_cast %get3A_952 : i32 to index
      %get3A_954 = arith.constant 464 : index
      %get3A_955 = tpu.vector_load %arg10[%get3A_953, %get3A_954] {strides = array<i32>} : memref<3x31232xf32, #tpu.memory_space<vmem>>, vector<16xf32>,
      %get3A_956 = arith.constant 1 : i32
      %get3A_957 = arith.index_cast %get3A_956 : i32 to index
      %get3A_958 = arith.constant 464 : index
      %get3A_959 = tpu.vector_load %arg10[%get3A_957, %get3A_958] {strides = array<i32>} : memref<3x31232xf32, #tpu.memory_space<vmem>>, vector<16xf32>,
      %get3A_960 = arith.constant 2 : i32
      %get3A_961 = arith.index_cast %get3A_960 : i32 to index
      %get3A_962 = arith.constant 464 : index
      %get3A_963 = tpu.vector_load %arg10[%get3A_961, %get3A_962] {strides = array<i32>} : memref<3x31232xf32, #tpu.memory_space<vmem>>, vector<16xf32>,
      %sub3A_964 = arith.subf %get3A_955, %get3A_52 : vector<16xf32>
      %sub3A_965 = arith.subf %get3A_959, %get3A_56 : vector<16xf32>
      %sub3A_966 = arith.subf %get3A_963, %get3A_60 : vector<16xf32>
      %mul3A_967 = arith.mulf %sub3A_964, %sub3A_964 : vector<16xf32>
      %mul3A_968 = arith.mulf %sub3A_965, %sub3A_965 : vector<16xf32>
      %add3A_969 = arith.addf %mul3A_967, %mul3A_968 : vector<16xf32>
      %mul3A_970 = arith.mulf %sub3A_966, %sub3A_966 : vector<16xf32>
      %add3A_971 = arith.addf %add3A_969, %mul3A_970 : vector<16xf32>
      %lt3A_972 = arith.cmpf olt, %add3A_971, %select_n3A_947 : vector<16xf32>
      %select_n3A_973 = arith.select %lt3A_972, %add3A_971, %select_n3A_947 : vector<16xi1>, vector<16xf32>
      %select_n3A_974 = arith.select %lt3A_972, %add3A_951, %select_n3A_948 : vector<16xi1>, vector<16xi32>
      %add3A_975 = arith.constant 999904 : i32
      %add3A_976 = vector.broadcast %add3A_975 : i32 to vector<16xi32>
      %add3A_977 = arith.addi %add3A_976, %iota3A : vector<16xi32>
      %get3A_978 = arith.constant 0 : i32
      %get3A_979 = arith.index_cast %get3A_978 : i32 to index
      %get3A_980 = arith.constant 480 : index
      %get3A_981 = tpu.vector_load %arg10[%get3A_979, %get3A_980] {strides = array<i32>} : memref<3x31232xf32, #tpu.memory_space<vmem>>, vector<16xf32>,
      %get3A_982 = arith.constant 1 : i32
      %get3A_983 = arith.index_cast %get3A_982 : i32 to index
      %get3A_984 = arith.constant 480 : index
      %get3A_985 = tpu.vector_load %arg10[%get3A_983, %get3A_984] {strides = array<i32>} : memref<3x31232xf32, #tpu.memory_space<vmem>>, vector<16xf32>,
      %get3A_986 = arith.constant 2 : i32
      %get3A_987 = arith.index_cast %get3A_986 : i32 to index
      %get3A_988 = arith.constant 480 : index
      %get3A_989 = tpu.vector_load %arg10[%get3A_987, %get3A_988] {strides = array<i32>} : memref<3x31232xf32, #tpu.memory_space<vmem>>, vector<16xf32>,
      %sub3A_990 = arith.subf %get3A_981, %get3A_52 : vector<16xf32>
      %sub3A_991 = arith.subf %get3A_985, %get3A_56 : vector<16xf32>
      %sub3A_992 = arith.subf %get3A_989, %get3A_60 : vector<16xf32>
      %mul3A_993 = arith.mulf %sub3A_990, %sub3A_990 : vector<16xf32>
      %mul3A_994 = arith.mulf %sub3A_991, %sub3A_991 : vector<16xf32>
      %add3A_995 = arith.addf %mul3A_993, %mul3A_994 : vector<16xf32>
      %mul3A_996 = arith.mulf %sub3A_992, %sub3A_992 : vector<16xf32>
      %add3A_997 = arith.addf %add3A_995, %mul3A_996 : vector<16xf32>
      %lt3A_998 = arith.cmpf olt, %add3A_997, %select_n3A_973 : vector<16xf32>
      %select_n3A_999 = arith.select %lt3A_998, %add3A_997, %select_n3A_973 : vector<16xi1>, vector<16xf32>
      %select_n3A_1000 = arith.select %lt3A_998, %add3A_977, %select_n3A_974 : vector<16xi1>, vector<16xi32>
      %add3A_1001 = arith.constant 999920 : i32
      %add3A_1002 = vector.broadcast %add3A_1001 : i32 to vector<16xi32>
      %add3A_1003 = arith.addi %add3A_1002, %iota3A : vector<16xi32>
      %get3A_1004 = arith.constant 0 : i32
      %get3A_1005 = arith.index_cast %get3A_1004 : i32 to index
      %get3A_1006 = arith.constant 496 : index
      %get3A_1007 = tpu.vector_load %arg10[%get3A_1005, %get3A_1006] {strides = array<i32>} : memref<3x31232xf32, #tpu.memory_space<vmem>>, vector<16xf32>,
      %get3A_1008 = arith.constant 1 : i32
      %get3A_1009 = arith.index_cast %get3A_1008 : i32 to index
      %get3A_1010 = arith.constant 496 : index
      %get3A_1011 = tpu.vector_load %arg10[%get3A_1009, %get3A_1010] {strides = array<i32>} : memref<3x31232xf32, #tpu.memory_space<vmem>>, vector<16xf32>,
      %get3A_1012 = arith.constant 2 : i32
      %get3A_1013 = arith.index_cast %get3A_1012 : i32 to index
      %get3A_1014 = arith.constant 496 : index
      %get3A_1015 = tpu.vector_load %arg10[%get3A_1013, %get3A_1014] {strides = array<i32>} : memref<3x31232xf32, #tpu.memory_space<vmem>>, vector<16xf32>,
      %sub3A_1016 = arith.subf %get3A_1007, %get3A_52 : vector<16xf32>
      %sub3A_1017 = arith.subf %get3A_1011, %get3A_56 : vector<16xf32>
      %sub3A_1018 = arith.subf %get3A_1015, %get3A_60 : vector<16xf32>
      %mul3A_1019 = arith.mulf %sub3A_1016, %sub3A_1016 : vector<16xf32>
      %mul3A_1020 = arith.mulf %sub3A_1017, %sub3A_1017 : vector<16xf32>
      %add3A_1021 = arith.addf %mul3A_1019, %mul3A_1020 : vector<16xf32>
      %mul3A_1022 = arith.mulf %sub3A_1018, %sub3A_1018 : vector<16xf32>
      %add3A_1023 = arith.addf %add3A_1021, %mul3A_1022 : vector<16xf32>
      %lt3A_1024 = arith.cmpf olt, %add3A_1023, %select_n3A_999 : vector<16xf32>
      %select_n3A_1025 = arith.select %lt3A_1024, %add3A_1023, %select_n3A_999 : vector<16xi1>, vector<16xf32>
      %select_n3A_1026 = arith.select %lt3A_1024, %add3A_1003, %select_n3A_1000 : vector<16xi1>, vector<16xi32>
      %add3A_1027 = arith.constant 999936 : i32
      %add3A_1028 = vector.broadcast %add3A_1027 : i32 to vector<16xi32>
      %add3A_1029 = arith.addi %add3A_1028, %iota3A : vector<16xi32>
      %get3A_1030 = arith.constant 0 : i32
      %get3A_1031 = arith.index_cast %get3A_1030 : i32 to index
      %get3A_1032 = arith.constant 512 : index
      %get3A_1033 = tpu.vector_load %arg10[%get3A_1031, %get3A_1032] {strides = array<i32>} : memref<3x31232xf32, #tpu.memory_space<vmem>>, vector<16xf32>,
      %get3A_1034 = arith.constant 1 : i32
      %get3A_1035 = arith.index_cast %get3A_1034 : i32 to index
      %get3A_1036 = arith.constant 512 : index
      %get3A_1037 = tpu.vector_load %arg10[%get3A_1035, %get3A_1036] {strides = array<i32>} : memref<3x31232xf32, #tpu.memory_space<vmem>>, vector<16xf32>,
      %get3A_1038 = arith.constant 2 : i32
      %get3A_1039 = arith.index_cast %get3A_1038 : i32 to index
      %get3A_1040 = arith.constant 512 : index
      %get3A_1041 = tpu.vector_load %arg10[%get3A_1039, %get3A_1040] {strides = array<i32>} : memref<3x31232xf32, #tpu.memory_space<vmem>>, vector<16xf32>,
      %sub3A_1042 = arith.subf %get3A_1033, %get3A_52 : vector<16xf32>
      %sub3A_1043 = arith.subf %get3A_1037, %get3A_56 : vector<16xf32>
      %sub3A_1044 = arith.subf %get3A_1041, %get3A_60 : vector<16xf32>
      %mul3A_1045 = arith.mulf %sub3A_1042, %sub3A_1042 : vector<16xf32>
      %mul3A_1046 = arith.mulf %sub3A_1043, %sub3A_1043 : vector<16xf32>
      %add3A_1047 = arith.addf %mul3A_1045, %mul3A_1046 : vector<16xf32>
      %mul3A_1048 = arith.mulf %sub3A_1044, %sub3A_1044 : vector<16xf32>
      %add3A_1049 = arith.addf %add3A_1047, %mul3A_1048 : vector<16xf32>
      %lt3A_1050 = arith.cmpf olt, %add3A_1049, %select_n3A_1025 : vector<16xf32>
      %select_n3A_1051 = arith.select %lt3A_1050, %add3A_1049, %select_n3A_1025 : vector<16xi1>, vector<16xf32>
      %select_n3A_1052 = arith.select %lt3A_1050, %add3A_1029, %select_n3A_1026 : vector<16xi1>, vector<16xi32>
      %add3A_1053 = arith.constant 999952 : i32
      %add3A_1054 = vector.broadcast %add3A_1053 : i32 to vector<16xi32>
      %add3A_1055 = arith.addi %add3A_1054, %iota3A : vector<16xi32>
      %get3A_1056 = arith.constant 0 : i32
      %get3A_1057 = arith.index_cast %get3A_1056 : i32 to index
      %get3A_1058 = arith.constant 528 : index
      %get3A_1059 = tpu.vector_load %arg10[%get3A_1057, %get3A_1058] {strides = array<i32>} : memref<3x31232xf32, #tpu.memory_space<vmem>>, vector<16xf32>,
      %get3A_1060 = arith.constant 1 : i32
      %get3A_1061 = arith.index_cast %get3A_1060 : i32 to index
      %get3A_1062 = arith.constant 528 : index
      %get3A_1063 = tpu.vector_load %arg10[%get3A_1061, %get3A_1062] {strides = array<i32>} : memref<3x31232xf32, #tpu.memory_space<vmem>>, vector<16xf32>,
      %get3A_1064 = arith.constant 2 : i32
      %get3A_1065 = arith.index_cast %get3A_1064 : i32 to index
      %get3A_1066 = arith.constant 528 : index
      %get3A_1067 = tpu.vector_load %arg10[%get3A_1065, %get3A_1066] {strides = array<i32>} : memref<3x31232xf32, #tpu.memory_space<vmem>>, vector<16xf32>,
      %sub3A_1068 = arith.subf %get3A_1059, %get3A_52 : vector<16xf32>
      %sub3A_1069 = arith.subf %get3A_1063, %get3A_56 : vector<16xf32>
      %sub3A_1070 = arith.subf %get3A_1067, %get3A_60 : vector<16xf32>
      %mul3A_1071 = arith.mulf %sub3A_1068, %sub3A_1068 : vector<16xf32>
      %mul3A_1072 = arith.mulf %sub3A_1069, %sub3A_1069 : vector<16xf32>
      %add3A_1073 = arith.addf %mul3A_1071, %mul3A_1072 : vector<16xf32>
      %mul3A_1074 = arith.mulf %sub3A_1070, %sub3A_1070 : vector<16xf32>
      %add3A_1075 = arith.addf %add3A_1073, %mul3A_1074 : vector<16xf32>
      %lt3A_1076 = arith.cmpf olt, %add3A_1075, %select_n3A_1051 : vector<16xf32>
      %select_n3A_1077 = arith.select %lt3A_1076, %add3A_1075, %select_n3A_1051 : vector<16xi1>, vector<16xf32>
      %select_n3A_1078 = arith.select %lt3A_1076, %add3A_1055, %select_n3A_1052 : vector<16xi1>, vector<16xi32>
      %add3A_1079 = arith.constant 999968 : i32
      %add3A_1080 = vector.broadcast %add3A_1079 : i32 to vector<16xi32>
      %add3A_1081 = arith.addi %add3A_1080, %iota3A : vector<16xi32>
      %get3A_1082 = arith.constant 0 : i32
      %get3A_1083 = arith.index_cast %get3A_1082 : i32 to index
      %get3A_1084 = arith.constant 544 : index
      %get3A_1085 = tpu.vector_load %arg10[%get3A_1083, %get3A_1084] {strides = array<i32>} : memref<3x31232xf32, #tpu.memory_space<vmem>>, vector<16xf32>,
      %get3A_1086 = arith.constant 1 : i32
      %get3A_1087 = arith.index_cast %get3A_1086 : i32 to index
      %get3A_1088 = arith.constant 544 : index
      %get3A_1089 = tpu.vector_load %arg10[%get3A_1087, %get3A_1088] {strides = array<i32>} : memref<3x31232xf32, #tpu.memory_space<vmem>>, vector<16xf32>,
      %get3A_1090 = arith.constant 2 : i32
      %get3A_1091 = arith.index_cast %get3A_1090 : i32 to index
      %get3A_1092 = arith.constant 544 : index
      %get3A_1093 = tpu.vector_load %arg10[%get3A_1091, %get3A_1092] {strides = array<i32>} : memref<3x31232xf32, #tpu.memory_space<vmem>>, vector<16xf32>,
      %sub3A_1094 = arith.subf %get3A_1085, %get3A_52 : vector<16xf32>
      %sub3A_1095 = arith.subf %get3A_1089, %get3A_56 : vector<16xf32>
      %sub3A_1096 = arith.subf %get3A_1093, %get3A_60 : vector<16xf32>
      %mul3A_1097 = arith.mulf %sub3A_1094, %sub3A_1094 : vector<16xf32>
      %mul3A_1098 = arith.mulf %sub3A_1095, %sub3A_1095 : vector<16xf32>
      %add3A_1099 = arith.addf %mul3A_1097, %mul3A_1098 : vector<16xf32>
      %mul3A_1100 = arith.mulf %sub3A_1096, %sub3A_1096 : vector<16xf32>
      %add3A_1101 = arith.addf %add3A_1099, %mul3A_1100 : vector<16xf32>
      %lt3A_1102 = arith.cmpf olt, %add3A_1101, %select_n3A_1077 : vector<16xf32>
      %select_n3A_1103 = arith.select %lt3A_1102, %add3A_1101, %select_n3A_1077 : vector<16xi1>, vector<16xf32>
      %select_n3A_1104 = arith.select %lt3A_1102, %add3A_1081, %select_n3A_1078 : vector<16xi1>, vector<16xi32>
      %add3A_1105 = arith.constant 999984 : i32
      %add3A_1106 = vector.broadcast %add3A_1105 : i32 to vector<16xi32>
      %add3A_1107 = arith.addi %add3A_1106, %iota3A : vector<16xi32>
      %get3A_1108 = arith.constant 0 : i32
      %get3A_1109 = arith.index_cast %get3A_1108 : i32 to index
      %get3A_1110 = arith.constant 560 : index
      %get3A_1111 = tpu.vector_load %arg10[%get3A_1109, %get3A_1110] {strides = array<i32>} : memref<3x31232xf32, #tpu.memory_space<vmem>>, vector<16xf32>,
      %get3A_1112 = arith.constant 1 : i32
      %get3A_1113 = arith.index_cast %get3A_1112 : i32 to index
      %get3A_1114 = arith.constant 560 : index
      %get3A_1115 = tpu.vector_load %arg10[%get3A_1113, %get3A_1114] {strides = array<i32>} : memref<3x31232xf32, #tpu.memory_space<vmem>>, vector<16xf32>,
      %get3A_1116 = arith.constant 2 : i32
      %get3A_1117 = arith.index_cast %get3A_1116 : i32 to index
      %get3A_1118 = arith.constant 560 : index
      %get3A_1119 = tpu.vector_load %arg10[%get3A_1117, %get3A_1118] {strides = array<i32>} : memref<3x31232xf32, #tpu.memory_space<vmem>>, vector<16xf32>,
      %sub3A_1120 = arith.subf %get3A_1111, %get3A_52 : vector<16xf32>
      %sub3A_1121 = arith.subf %get3A_1115, %get3A_56 : vector<16xf32>
      %sub3A_1122 = arith.subf %get3A_1119, %get3A_60 : vector<16xf32>
      %mul3A_1123 = arith.mulf %sub3A_1120, %sub3A_1120 : vector<16xf32>
      %mul3A_1124 = arith.mulf %sub3A_1121, %sub3A_1121 : vector<16xf32>
      %add3A_1125 = arith.addf %mul3A_1123, %mul3A_1124 : vector<16xf32>
      %mul3A_1126 = arith.mulf %sub3A_1122, %sub3A_1122 : vector<16xf32>
      %add3A_1127 = arith.addf %add3A_1125, %mul3A_1126 : vector<16xf32>
      %lt3A_1128 = arith.cmpf olt, %add3A_1127, %select_n3A_1103 : vector<16xf32>
      %select_n3A_1129 = arith.select %lt3A_1128, %add3A_1127, %select_n3A_1103 : vector<16xi1>, vector<16xf32>
      %select_n3A_1130 = arith.select %lt3A_1128, %add3A_1107, %select_n3A_1104 : vector<16xi1>, vector<16xi32>
      %add3A_1131 = arith.constant 1000000 : i32
      %add3A_1132 = vector.broadcast %add3A_1131 : i32 to vector<16xi32>
      %add3A_1133 = arith.addi %add3A_1132, %iota3A : vector<16xi32>
      %get3A_1134 = arith.constant 0 : i32
      %get3A_1135 = arith.index_cast %get3A_1134 : i32 to index
      %get3A_1136 = arith.constant 576 : index
      %get3A_1137 = tpu.vector_load %arg10[%get3A_1135, %get3A_1136] {strides = array<i32>} : memref<3x31232xf32, #tpu.memory_space<vmem>>, vector<16xf32>,
      %get3A_1138 = arith.constant 1 : i32
      %get3A_1139 = arith.index_cast %get3A_1138 : i32 to index
      %get3A_1140 = arith.constant 576 : index
      %get3A_1141 = tpu.vector_load %arg10[%get3A_1139, %get3A_1140] {strides = array<i32>} : memref<3x31232xf32, #tpu.memory_space<vmem>>, vector<16xf32>,
      %get3A_1142 = arith.constant 2 : i32
      %get3A_1143 = arith.index_cast %get3A_1142 : i32 to index
      %get3A_1144 = arith.constant 576 : index
      %get3A_1145 = tpu.vector_load %arg10[%get3A_1143, %get3A_1144] {strides = array<i32>} : memref<3x31232xf32, #tpu.memory_space<vmem>>, vector<16xf32>,
      %sub3A_1146 = arith.subf %get3A_1137, %get3A_52 : vector<16xf32>
      %sub3A_1147 = arith.subf %get3A_1141, %get3A_56 : vector<16xf32>
      %sub3A_1148 = arith.subf %get3A_1145, %get3A_60 : vector<16xf32>
      %mul3A_1149 = arith.mulf %sub3A_1146, %sub3A_1146 : vector<16xf32>
      %mul3A_1150 = arith.mulf %sub3A_1147, %sub3A_1147 : vector<16xf32>
      %add3A_1151 = arith.addf %mul3A_1149, %mul3A_1150 : vector<16xf32>
      %mul3A_1152 = arith.mulf %sub3A_1148, %sub3A_1148 : vector<16xf32>
      %add3A_1153 = arith.addf %add3A_1151, %mul3A_1152 : vector<16xf32>
      %lt3A_1154 = arith.cmpf olt, %add3A_1153, %select_n3A_1129 : vector<16xf32>
      %select_n3A_1155 = arith.select %lt3A_1154, %add3A_1153, %select_n3A_1129 : vector<16xi1>, vector<16xf32>
      %select_n3A_1156 = arith.select %lt3A_1154, %add3A_1133, %select_n3A_1130 : vector<16xi1>, vector<16xi32>
      %add3A_1157 = arith.constant 1000016 : i32
      %add3A_1158 = vector.broadcast %add3A_1157 : i32 to vector<16xi32>
      %add3A_1159 = arith.addi %add3A_1158, %iota3A : vector<16xi32>
      %get3A_1160 = arith.constant 0 : i32
      %get3A_1161 = arith.index_cast %get3A_1160 : i32 to index
      %get3A_1162 = arith.constant 592 : index
      %get3A_1163 = tpu.vector_load %arg10[%get3A_1161, %get3A_1162] {strides = array<i32>} : memref<3x31232xf32, #tpu.memory_space<vmem>>, vector<16xf32>,
      %get3A_1164 = arith.constant 1 : i32
      %get3A_1165 = arith.index_cast %get3A_1164 : i32 to index
      %get3A_1166 = arith.constant 592 : index
      %get3A_1167 = tpu.vector_load %arg10[%get3A_1165, %get3A_1166] {strides = array<i32>} : memref<3x31232xf32, #tpu.memory_space<vmem>>, vector<16xf32>,
      %get3A_1168 = arith.constant 2 : i32
      %get3A_1169 = arith.index_cast %get3A_1168 : i32 to index
      %get3A_1170 = arith.constant 592 : index
      %get3A_1171 = tpu.vector_load %arg10[%get3A_1169, %get3A_1170] {strides = array<i32>} : memref<3x31232xf32, #tpu.memory_space<vmem>>, vector<16xf32>,
      %sub3A_1172 = arith.subf %get3A_1163, %get3A_52 : vector<16xf32>
      %sub3A_1173 = arith.subf %get3A_1167, %get3A_56 : vector<16xf32>
      %sub3A_1174 = arith.subf %get3A_1171, %get3A_60 : vector<16xf32>
      %mul3A_1175 = arith.mulf %sub3A_1172, %sub3A_1172 : vector<16xf32>
      %mul3A_1176 = arith.mulf %sub3A_1173, %sub3A_1173 : vector<16xf32>
      %add3A_1177 = arith.addf %mul3A_1175, %mul3A_1176 : vector<16xf32>
      %mul3A_1178 = arith.mulf %sub3A_1174, %sub3A_1174 : vector<16xf32>
      %add3A_1179 = arith.addf %add3A_1177, %mul3A_1178 : vector<16xf32>
      %lt3A_1180 = arith.cmpf olt, %add3A_1179, %select_n3A_1155 : vector<16xf32>
      %select_n3A_1181 = arith.select %lt3A_1180, %add3A_1179, %select_n3A_1155 : vector<16xi1>, vector<16xf32>
      %select_n3A_1182 = arith.select %lt3A_1180, %add3A_1159, %select_n3A_1156 : vector<16xi1>, vector<16xi32>
      %add3A_1183 = arith.constant 1000032 : i32
      %add3A_1184 = vector.broadcast %add3A_1183 : i32 to vector<16xi32>
      %add3A_1185 = arith.addi %add3A_1184, %iota3A : vector<16xi32>
      %get3A_1186 = arith.constant 0 : i32
      %get3A_1187 = arith.index_cast %get3A_1186 : i32 to index
      %get3A_1188 = arith.constant 608 : index
      %get3A_1189 = tpu.vector_load %arg10[%get3A_1187, %get3A_1188] {strides = array<i32>} : memref<3x31232xf32, #tpu.memory_space<vmem>>, vector<16xf32>,
      %get3A_1190 = arith.constant 1 : i32
      %get3A_1191 = arith.index_cast %get3A_1190 : i32 to index
      %get3A_1192 = arith.constant 608 : index
      %get3A_1193 = tpu.vector_load %arg10[%get3A_1191, %get3A_1192] {strides = array<i32>} : memref<3x31232xf32, #tpu.memory_space<vmem>>, vector<16xf32>,
      %get3A_1194 = arith.constant 2 : i32
      %get3A_1195 = arith.index_cast %get3A_1194 : i32 to index
      %get3A_1196 = arith.constant 608 : index
      %get3A_1197 = tpu.vector_load %arg10[%get3A_1195, %get3A_1196] {strides = array<i32>} : memref<3x31232xf32, #tpu.memory_space<vmem>>, vector<16xf32>,
      %sub3A_1198 = arith.subf %get3A_1189, %get3A_52 : vector<16xf32>
      %sub3A_1199 = arith.subf %get3A_1193, %get3A_56 : vector<16xf32>
      %sub3A_1200 = arith.subf %get3A_1197, %get3A_60 : vector<16xf32>
      %mul3A_1201 = arith.mulf %sub3A_1198, %sub3A_1198 : vector<16xf32>
      %mul3A_1202 = arith.mulf %sub3A_1199, %sub3A_1199 : vector<16xf32>
      %add3A_1203 = arith.addf %mul3A_1201, %mul3A_1202 : vector<16xf32>
      %mul3A_1204 = arith.mulf %sub3A_1200, %sub3A_1200 : vector<16xf32>
      %add3A_1205 = arith.addf %add3A_1203, %mul3A_1204 : vector<16xf32>
      %lt3A_1206 = arith.cmpf olt, %add3A_1205, %select_n3A_1181 : vector<16xf32>
      %select_n3A_1207 = arith.select %lt3A_1206, %add3A_1205, %select_n3A_1181 : vector<16xi1>, vector<16xf32>
      %select_n3A_1208 = arith.select %lt3A_1206, %add3A_1185, %select_n3A_1182 : vector<16xi1>, vector<16xi32>
      %add3A_1209 = arith.constant 1000048 : i32
      %add3A_1210 = vector.broadcast %add3A_1209 : i32 to vector<16xi32>
      %add3A_1211 = arith.addi %add3A_1210, %iota3A : vector<16xi32>
      %get3A_1212 = arith.constant 0 : i32
      %get3A_1213 = arith.index_cast %get3A_1212 : i32 to index
      %get3A_1214 = arith.constant 624 : index
      %get3A_1215 = tpu.vector_load %arg10[%get3A_1213, %get3A_1214] {strides = array<i32>} : memref<3x31232xf32, #tpu.memory_space<vmem>>, vector<16xf32>,
      %get3A_1216 = arith.constant 1 : i32
      %get3A_1217 = arith.index_cast %get3A_1216 : i32 to index
      %get3A_1218 = arith.constant 624 : index
      %get3A_1219 = tpu.vector_load %arg10[%get3A_1217, %get3A_1218] {strides = array<i32>} : memref<3x31232xf32, #tpu.memory_space<vmem>>, vector<16xf32>,
      %get3A_1220 = arith.constant 2 : i32
      %get3A_1221 = arith.index_cast %get3A_1220 : i32 to index
      %get3A_1222 = arith.constant 624 : index
      %get3A_1223 = tpu.vector_load %arg10[%get3A_1221, %get3A_1222] {strides = array<i32>} : memref<3x31232xf32, #tpu.memory_space<vmem>>, vector<16xf32>,
      %sub3A_1224 = arith.subf %get3A_1215, %get3A_52 : vector<16xf32>
      %sub3A_1225 = arith.subf %get3A_1219, %get3A_56 : vector<16xf32>
      %sub3A_1226 = arith.subf %get3A_1223, %get3A_60 : vector<16xf32>
      %mul3A_1227 = arith.mulf %sub3A_1224, %sub3A_1224 : vector<16xf32>
      %mul3A_1228 = arith.mulf %sub3A_1225, %sub3A_1225 : vector<16xf32>
      %add3A_1229 = arith.addf %mul3A_1227, %mul3A_1228 : vector<16xf32>
      %mul3A_1230 = arith.mulf %sub3A_1226, %sub3A_1226 : vector<16xf32>
      %add3A_1231 = arith.addf %add3A_1229, %mul3A_1230 : vector<16xf32>
      %lt3A_1232 = arith.cmpf olt, %add3A_1231, %select_n3A_1207 : vector<16xf32>
      %select_n3A_1233 = arith.select %lt3A_1232, %add3A_1231, %select_n3A_1207 : vector<16xi1>, vector<16xf32>
      %select_n3A_1234 = arith.select %lt3A_1232, %add3A_1211, %select_n3A_1208 : vector<16xi1>, vector<16xi32>
      %swap3A = arith.constant 0 : index
      %swap3A_1235 = tpu.vector_load %arg12[%swap3A] {strides = array<i32>} : memref<16xf32, #tpu.memory_space<vmem>>, vector<16xf32>,
      tpu.vector_store %arg12[%swap3A], %select_n3A_1233 {strides = array<i32>} : memref<16xf32, #tpu.memory_space<vmem>>, vector<16xf32>,
      %swap3A_1236 = arith.constant 0 : index
      %swap3A_1237 = tpu.vector_load %arg13[%swap3A_1236] {strides = array<i32>} : memref<16xi32, #tpu.memory_space<vmem>>, vector<16xi32>,
      tpu.vector_store %arg13[%swap3A_1236], %select_n3A_1234 {strides = array<i32>} : memref<16xi32, #tpu.memory_space<vmem>>, vector<16xi32>,
    } else {
    }
    %ne3A = arith.constant 31 : i32
    %ne3A_175 = arith.cmpi ne, %add3A, %ne3A : i32
    %convert_element_type3A_176 = arith.extui %ne3A_175 : i1 to i32
    %cond3A_177 = arith.constant 0 : i32
    %cond3A_178 = arith.cmpi ne, %convert_element_type3A_176, %cond3A_177 : i32
    scf.if %cond3A_178 {
      %swap3A = arith.constant 0 : index
      %swap3A_184 = tpu.vector_load %arg12[%swap3A] {strides = array<i32>} : memref<16xf32, #tpu.memory_space<vmem>>, vector<16xf32>,
      tpu.vector_store %arg12[%swap3A], %select_n3A_170 {strides = array<i32>} : memref<16xf32, #tpu.memory_space<vmem>>, vector<16xf32>,
      %swap3A_185 = arith.constant 0 : index
      %swap3A_186 = tpu.vector_load %arg13[%swap3A_185] {strides = array<i32>} : memref<16xi32, #tpu.memory_space<vmem>>, vector<16xi32>,
      tpu.vector_store %arg13[%swap3A_185], %select_n3A_171 {strides = array<i32>} : memref<16xi32, #tpu.memory_space<vmem>>, vector<16xi32>,
    } else {
    }
    "tpu.region"() ({
      %run_scoped3A = tpu.sem_alloc : memref<!tpu.dma_semaphore, #tpu.memory_space<semaphore_mem>>
      %dma_start3A_184 = arith.constant 0 : i32
      %dma_start3A_185 = tpu.memref_slice %arg8[%arg0, %arg1, %dma_start3A_184] : memref<2x16x16xf32, #tpu.memory_space<hbm>> -> memref<1x1x16xf32, #tpu.memory_space<hbm>>
      %dma_start3A_186 = tpu.memref_squeeze %dma_start3A_185 : memref<1x1x16xf32, #tpu.memory_space<hbm>> -> memref<16xf32, #tpu.memory_space<hbm>>
      %dma_start3A_187 = arith.constant 0 : i32
      %dma_start3A_188 = tpu.memref_slice %arg8[%arg0, %arg1, %dma_start3A_187] : memref<2x16x16xf32, #tpu.memory_space<hbm>> -> memref<1x1x16xf32, #tpu.memory_space<hbm>>
      %dma_start3A_189 = tpu.memref_squeeze %dma_start3A_188 : memref<1x1x16xf32, #tpu.memory_space<hbm>> -> memref<16xf32, #tpu.memory_space<hbm>>
      tpu.enqueue_dma source(%arg12 : memref<16xf32, #tpu.memory_space<vmem>>) target(%dma_start3A_189 : memref<16xf32, #tpu.memory_space<hbm>>) target_semaphore(%run_scoped3A : memref<!tpu.dma_semaphore, #tpu.memory_space<semaphore_mem>>)
      %dma_wait3A_190 = arith.constant 0 : i32
      %dma_wait3A_191 = tpu.memref_slice %arg8[%arg0, %arg1, %dma_wait3A_190] : memref<2x16x16xf32, #tpu.memory_space<hbm>> -> memref<1x1x16xf32, #tpu.memory_space<hbm>>
      %dma_wait3A_192 = tpu.memref_squeeze %dma_wait3A_191 : memref<1x1x16xf32, #tpu.memory_space<hbm>> -> memref<16xf32, #tpu.memory_space<hbm>>
      %dma_wait3A_193 = arith.constant 0 : i32
      %dma_wait3A_194 = tpu.memref_slice %arg8[%arg0, %arg1, %dma_wait3A_193] : memref<2x16x16xf32, #tpu.memory_space<hbm>> -> memref<1x1x16xf32, #tpu.memory_space<hbm>>
      %dma_wait3A_195 = tpu.memref_squeeze %dma_wait3A_194 : memref<1x1x16xf32, #tpu.memory_space<hbm>> -> memref<16xf32, #tpu.memory_space<hbm>>
      tpu.wait_dma2 semaphore(%run_scoped3A : memref<!tpu.dma_semaphore, #tpu.memory_space<semaphore_mem>>) src(%arg12 : memref<16xf32, #tpu.memory_space<vmem>>) dst(%dma_wait3A_195 : memref<16xf32, #tpu.memory_space<hbm>>)
      tpu.yield
    }) : () -> ()
    "tpu.region"() ({
      %run_scoped3A = tpu.sem_alloc : memref<!tpu.dma_semaphore, #tpu.memory_space<semaphore_mem>>
      %dma_start3A_184 = arith.constant 0 : i32
      %dma_start3A_185 = tpu.memref_slice %arg9[%arg0, %arg1, %dma_start3A_184] : memref<2x16x16xi32, #tpu.memory_space<hbm>> -> memref<1x1x16xi32, #tpu.memory_space<hbm>>
      %dma_start3A_186 = tpu.memref_squeeze %dma_start3A_185 : memref<1x1x16xi32, #tpu.memory_space<hbm>> -> memref<16xi32, #tpu.memory_space<hbm>>
      %dma_start3A_187 = arith.constant 0 : i32
      %dma_start3A_188 = tpu.memref_slice %arg9[%arg0, %arg1, %dma_start3A_187] : memref<2x16x16xi32, #tpu.memory_space<hbm>> -> memref<1x1x16xi32, #tpu.memory_space<hbm>>
      %dma_start3A_189 = tpu.memref_squeeze %dma_start3A_188 : memref<1x1x16xi32, #tpu.memory_space<hbm>> -> memref<16xi32, #tpu.memory_space<hbm>>
      tpu.enqueue_dma source(%arg13 : memref<16xi32, #tpu.memory_space<vmem>>) target(%dma_start3A_189 : memref<16xi32, #tpu.memory_space<hbm>>) target_semaphore(%run_scoped3A : memref<!tpu.dma_semaphore, #tpu.memory_space<semaphore_mem>>)
      %dma_wait3A_190 = arith.constant 0 : i32
      %dma_wait3A_191 = tpu.memref_slice %arg9[%arg0, %arg1, %dma_wait3A_190] : memref<2x16x16xi32, #tpu.memory_space<hbm>> -> memref<1x1x16xi32, #tpu.memory_space<hbm>>
      %dma_wait3A_192 = tpu.memref_squeeze %dma_wait3A_191 : memref<1x1x16xi32, #tpu.memory_space<hbm>> -> memref<16xi32, #tpu.memory_space<hbm>>
      %dma_wait3A_193 = arith.constant 0 : i32
      %dma_wait3A_194 = tpu.memref_slice %arg9[%arg0, %arg1, %dma_wait3A_193] : memref<2x16x16xi32, #tpu.memory_space<hbm>> -> memref<1x1x16xi32, #tpu.memory_space<hbm>>
      %dma_wait3A_195 = tpu.memref_squeeze %dma_wait3A_194 : memref<1x1x16xi32, #tpu.memory_space<hbm>> -> memref<16xi32, #tpu.memory_space<hbm>>
      tpu.wait_dma2 semaphore(%run_scoped3A : memref<!tpu.dma_semaphore, #tpu.memory_space<semaphore_mem>>) src(%arg13 : memref<16xi32, #tpu.memory_space<vmem>>) dst(%dma_wait3A_195 : memref<16xi32, #tpu.memory_space<hbm>>)
      tpu.yield
    }) : () -> ()
    %barrier3A = arith.constant 0 : index
    tpu.barrier barrier_id(%barrier3A)
    %eq3A_179 = arith.constant 0 : i32
    %eq3A_180 = arith.cmpi eq, %arg1, %eq3A_179 : i32
    %convert_element_type3A_181 = arith.extui %eq3A_180 : i1 to i32
    %cond3A_182 = arith.constant 0 : i32
    %cond3A_183 = arith.cmpi ne, %convert_element_type3A_181, %cond3A_182 : i32
    scf.if %cond3A_183 {
      "tpu.region"() ({
        %run_scoped3A = tpu.sem_alloc : memref<!tpu.dma_semaphore, #tpu.memory_space<semaphore_mem>>
        %dma_start3A_443 = arith.constant 0 : i32
        %dma_start3A_444 = arith.constant 0 : i32
        %dma_start3A_445 = tpu.memref_slice %arg8[%arg0, %dma_start3A_443, %dma_start3A_444] : memref<2x16x16xf32, #tpu.memory_space<hbm>> -> memref<1x16x16xf32, #tpu.memory_space<hbm>>
        %dma_start3A_446 = tpu.memref_squeeze %dma_start3A_445 : memref<1x16x16xf32, #tpu.memory_space<hbm>> -> memref<16x16xf32, #tpu.memory_space<hbm>>
        %dma_start3A_447 = arith.constant 0 : i32
        %dma_start3A_448 = arith.constant 0 : i32
        %dma_start3A_449 = tpu.memref_slice %arg8[%arg0, %dma_start3A_447, %dma_start3A_448] : memref<2x16x16xf32, #tpu.memory_space<hbm>> -> memref<1x16x16xf32, #tpu.memory_space<hbm>>
        %dma_start3A_450 = tpu.memref_squeeze %dma_start3A_449 : memref<1x16x16xf32, #tpu.memory_space<hbm>> -> memref<16x16xf32, #tpu.memory_space<hbm>>
        tpu.enqueue_dma source(%dma_start3A_450 : memref<16x16xf32, #tpu.memory_space<hbm>>) target(%arg14 : memref<16x16xf32, #tpu.memory_space<vmem>>) target_semaphore(%run_scoped3A : memref<!tpu.dma_semaphore, #tpu.memory_space<semaphore_mem>>)
        %dma_wait3A_451 = arith.constant 0 : i32
        %dma_wait3A_452 = arith.constant 0 : i32
        %dma_wait3A_453 = tpu.memref_slice %arg8[%arg0, %dma_wait3A_451, %dma_wait3A_452] : memref<2x16x16xf32, #tpu.memory_space<hbm>> -> memref<1x16x16xf32, #tpu.memory_space<hbm>>
        %dma_wait3A_454 = tpu.memref_squeeze %dma_wait3A_453 : memref<1x16x16xf32, #tpu.memory_space<hbm>> -> memref<16x16xf32, #tpu.memory_space<hbm>>
        %dma_wait3A_455 = arith.constant 0 : i32
        %dma_wait3A_456 = arith.constant 0 : i32
        %dma_wait3A_457 = tpu.memref_slice %arg8[%arg0, %dma_wait3A_455, %dma_wait3A_456] : memref<2x16x16xf32, #tpu.memory_space<hbm>> -> memref<1x16x16xf32, #tpu.memory_space<hbm>>
        %dma_wait3A_458 = tpu.memref_squeeze %dma_wait3A_457 : memref<1x16x16xf32, #tpu.memory_space<hbm>> -> memref<16x16xf32, #tpu.memory_space<hbm>>
        tpu.wait_dma2 semaphore(%run_scoped3A : memref<!tpu.dma_semaphore, #tpu.memory_space<semaphore_mem>>) src(%dma_wait3A_458 : memref<16x16xf32, #tpu.memory_space<hbm>>) dst(%arg14 : memref<16x16xf32, #tpu.memory_space<vmem>>)
        tpu.yield
      }) : () -> ()
      "tpu.region"() ({
        %run_scoped3A = tpu.sem_alloc : memref<!tpu.dma_semaphore, #tpu.memory_space<semaphore_mem>>
        %dma_start3A_443 = arith.constant 0 : i32
        %dma_start3A_444 = arith.constant 0 : i32
        %dma_start3A_445 = tpu.memref_slice %arg9[%arg0, %dma_start3A_443, %dma_start3A_444] : memref<2x16x16xi32, #tpu.memory_space<hbm>> -> memref<1x16x16xi32, #tpu.memory_space<hbm>>
        %dma_start3A_446 = tpu.memref_squeeze %dma_start3A_445 : memref<1x16x16xi32, #tpu.memory_space<hbm>> -> memref<16x16xi32, #tpu.memory_space<hbm>>
        %dma_start3A_447 = arith.constant 0 : i32
        %dma_start3A_448 = arith.constant 0 : i32
        %dma_start3A_449 = tpu.memref_slice %arg9[%arg0, %dma_start3A_447, %dma_start3A_448] : memref<2x16x16xi32, #tpu.memory_space<hbm>> -> memref<1x16x16xi32, #tpu.memory_space<hbm>>
        %dma_start3A_450 = tpu.memref_squeeze %dma_start3A_449 : memref<1x16x16xi32, #tpu.memory_space<hbm>> -> memref<16x16xi32, #tpu.memory_space<hbm>>
        tpu.enqueue_dma source(%dma_start3A_450 : memref<16x16xi32, #tpu.memory_space<hbm>>) target(%arg15 : memref<16x16xi32, #tpu.memory_space<vmem>>) target_semaphore(%run_scoped3A : memref<!tpu.dma_semaphore, #tpu.memory_space<semaphore_mem>>)
        %dma_wait3A_451 = arith.constant 0 : i32
        %dma_wait3A_452 = arith.constant 0 : i32
        %dma_wait3A_453 = tpu.memref_slice %arg9[%arg0, %dma_wait3A_451, %dma_wait3A_452] : memref<2x16x16xi32, #tpu.memory_space<hbm>> -> memref<1x16x16xi32, #tpu.memory_space<hbm>>
        %dma_wait3A_454 = tpu.memref_squeeze %dma_wait3A_453 : memref<1x16x16xi32, #tpu.memory_space<hbm>> -> memref<16x16xi32, #tpu.memory_space<hbm>>
        %dma_wait3A_455 = arith.constant 0 : i32
        %dma_wait3A_456 = arith.constant 0 : i32
        %dma_wait3A_457 = tpu.memref_slice %arg9[%arg0, %dma_wait3A_455, %dma_wait3A_456] : memref<2x16x16xi32, #tpu.memory_space<hbm>> -> memref<1x16x16xi32, #tpu.memory_space<hbm>>
        %dma_wait3A_458 = tpu.memref_squeeze %dma_wait3A_457 : memref<1x16x16xi32, #tpu.memory_space<hbm>> -> memref<16x16xi32, #tpu.memory_space<hbm>>
        tpu.wait_dma2 semaphore(%run_scoped3A : memref<!tpu.dma_semaphore, #tpu.memory_space<semaphore_mem>>) src(%dma_wait3A_458 : memref<16x16xi32, #tpu.memory_space<hbm>>) dst(%arg15 : memref<16x16xi32, #tpu.memory_space<vmem>>)
        tpu.yield
      }) : () -> ()
      %get3A_184 = arith.constant 0 : i32
      %get3A_185 = arith.index_cast %get3A_184 : i32 to index
      %get3A_186 = arith.constant 0 : index
      %get3A_187 = tpu.vector_load %arg14[%get3A_185, %get3A_186] {strides = array<i32>} : memref<16x16xf32, #tpu.memory_space<vmem>>, vector<16xf32>,
      %get3A_188 = arith.constant 0 : i32
      %get3A_189 = arith.index_cast %get3A_188 : i32 to index
      %get3A_190 = arith.constant 0 : index
      %get3A_191 = tpu.vector_load %arg15[%get3A_189, %get3A_190] {strides = array<i32>} : memref<16x16xi32, #tpu.memory_space<vmem>>, vector<16xi32>,
      %get3A_192 = arith.constant 1 : i32
      %get3A_193 = arith.index_cast %get3A_192 : i32 to index
      %get3A_194 = arith.constant 0 : index
      %get3A_195 = tpu.vector_load %arg14[%get3A_193, %get3A_194] {strides = array<i32>} : memref<16x16xf32, #tpu.memory_space<vmem>>, vector<16xf32>,
      %get3A_196 = arith.constant 1 : i32
      %get3A_197 = arith.index_cast %get3A_196 : i32 to index
      %get3A_198 = arith.constant 0 : index
      %get3A_199 = tpu.vector_load %arg15[%get3A_197, %get3A_198] {strides = array<i32>} : memref<16x16xi32, #tpu.memory_space<vmem>>, vector<16xi32>,
      %lt3A_200 = arith.cmpf olt, %get3A_195, %get3A_187 : vector<16xf32>
      %eq3A_201 = arith.cmpf oeq, %get3A_195, %get3A_187 : vector<16xf32>
      %lt3A_202 = arith.cmpi slt, %get3A_199, %get3A_191 : vector<16xi32>
      %and3A_203 = arith.andi %eq3A_201, %lt3A_202 : vector<16xi1>
      %or3A_204 = arith.ori %lt3A_200, %and3A_203 : vector<16xi1>
      %select_n3A_205 = arith.select %or3A_204, %get3A_195, %get3A_187 : vector<16xi1>, vector<16xf32>
      %select_n3A_206 = arith.select %or3A_204, %get3A_199, %get3A_191 : vector<16xi1>, vector<16xi32>
      %get3A_207 = arith.constant 2 : i32
      %get3A_208 = arith.index_cast %get3A_207 : i32 to index
      %get3A_209 = arith.constant 0 : index
      %get3A_210 = tpu.vector_load %arg14[%get3A_208, %get3A_209] {strides = array<i32>} : memref<16x16xf32, #tpu.memory_space<vmem>>, vector<16xf32>,
      %get3A_211 = arith.constant 2 : i32
      %get3A_212 = arith.index_cast %get3A_211 : i32 to index
      %get3A_213 = arith.constant 0 : index
      %get3A_214 = tpu.vector_load %arg15[%get3A_212, %get3A_213] {strides = array<i32>} : memref<16x16xi32, #tpu.memory_space<vmem>>, vector<16xi32>,
      %lt3A_215 = arith.cmpf olt, %get3A_210, %select_n3A_205 : vector<16xf32>
      %eq3A_216 = arith.cmpf oeq, %get3A_210, %select_n3A_205 : vector<16xf32>
      %lt3A_217 = arith.cmpi slt, %get3A_214, %select_n3A_206 : vector<16xi32>
      %and3A_218 = arith.andi %eq3A_216, %lt3A_217 : vector<16xi1>
      %or3A_219 = arith.ori %lt3A_215, %and3A_218 : vector<16xi1>
      %select_n3A_220 = arith.select %or3A_219, %get3A_210, %select_n3A_205 : vector<16xi1>, vector<16xf32>
      %select_n3A_221 = arith.select %or3A_219, %get3A_214, %select_n3A_206 : vector<16xi1>, vector<16xi32>
      %get3A_222 = arith.constant 3 : i32
      %get3A_223 = arith.index_cast %get3A_222 : i32 to index
      %get3A_224 = arith.constant 0 : index
      %get3A_225 = tpu.vector_load %arg14[%get3A_223, %get3A_224] {strides = array<i32>} : memref<16x16xf32, #tpu.memory_space<vmem>>, vector<16xf32>,
      %get3A_226 = arith.constant 3 : i32
      %get3A_227 = arith.index_cast %get3A_226 : i32 to index
      %get3A_228 = arith.constant 0 : index
      %get3A_229 = tpu.vector_load %arg15[%get3A_227, %get3A_228] {strides = array<i32>} : memref<16x16xi32, #tpu.memory_space<vmem>>, vector<16xi32>,
      %lt3A_230 = arith.cmpf olt, %get3A_225, %select_n3A_220 : vector<16xf32>
      %eq3A_231 = arith.cmpf oeq, %get3A_225, %select_n3A_220 : vector<16xf32>
      %lt3A_232 = arith.cmpi slt, %get3A_229, %select_n3A_221 : vector<16xi32>
      %and3A_233 = arith.andi %eq3A_231, %lt3A_232 : vector<16xi1>
      %or3A_234 = arith.ori %lt3A_230, %and3A_233 : vector<16xi1>
      %select_n3A_235 = arith.select %or3A_234, %get3A_225, %select_n3A_220 : vector<16xi1>, vector<16xf32>
      %select_n3A_236 = arith.select %or3A_234, %get3A_229, %select_n3A_221 : vector<16xi1>, vector<16xi32>
      %get3A_237 = arith.constant 4 : i32
      %get3A_238 = arith.index_cast %get3A_237 : i32 to index
      %get3A_239 = arith.constant 0 : index
      %get3A_240 = tpu.vector_load %arg14[%get3A_238, %get3A_239] {strides = array<i32>} : memref<16x16xf32, #tpu.memory_space<vmem>>, vector<16xf32>,
      %get3A_241 = arith.constant 4 : i32
      %get3A_242 = arith.index_cast %get3A_241 : i32 to index
      %get3A_243 = arith.constant 0 : index
      %get3A_244 = tpu.vector_load %arg15[%get3A_242, %get3A_243] {strides = array<i32>} : memref<16x16xi32, #tpu.memory_space<vmem>>, vector<16xi32>,
      %lt3A_245 = arith.cmpf olt, %get3A_240, %select_n3A_235 : vector<16xf32>
      %eq3A_246 = arith.cmpf oeq, %get3A_240, %select_n3A_235 : vector<16xf32>
      %lt3A_247 = arith.cmpi slt, %get3A_244, %select_n3A_236 : vector<16xi32>
      %and3A_248 = arith.andi %eq3A_246, %lt3A_247 : vector<16xi1>
      %or3A_249 = arith.ori %lt3A_245, %and3A_248 : vector<16xi1>
      %select_n3A_250 = arith.select %or3A_249, %get3A_240, %select_n3A_235 : vector<16xi1>, vector<16xf32>
      %select_n3A_251 = arith.select %or3A_249, %get3A_244, %select_n3A_236 : vector<16xi1>, vector<16xi32>
      %get3A_252 = arith.constant 5 : i32
      %get3A_253 = arith.index_cast %get3A_252 : i32 to index
      %get3A_254 = arith.constant 0 : index
      %get3A_255 = tpu.vector_load %arg14[%get3A_253, %get3A_254] {strides = array<i32>} : memref<16x16xf32, #tpu.memory_space<vmem>>, vector<16xf32>,
      %get3A_256 = arith.constant 5 : i32
      %get3A_257 = arith.index_cast %get3A_256 : i32 to index
      %get3A_258 = arith.constant 0 : index
      %get3A_259 = tpu.vector_load %arg15[%get3A_257, %get3A_258] {strides = array<i32>} : memref<16x16xi32, #tpu.memory_space<vmem>>, vector<16xi32>,
      %lt3A_260 = arith.cmpf olt, %get3A_255, %select_n3A_250 : vector<16xf32>
      %eq3A_261 = arith.cmpf oeq, %get3A_255, %select_n3A_250 : vector<16xf32>
      %lt3A_262 = arith.cmpi slt, %get3A_259, %select_n3A_251 : vector<16xi32>
      %and3A_263 = arith.andi %eq3A_261, %lt3A_262 : vector<16xi1>
      %or3A_264 = arith.ori %lt3A_260, %and3A_263 : vector<16xi1>
      %select_n3A_265 = arith.select %or3A_264, %get3A_255, %select_n3A_250 : vector<16xi1>, vector<16xf32>
      %select_n3A_266 = arith.select %or3A_264, %get3A_259, %select_n3A_251 : vector<16xi1>, vector<16xi32>
      %get3A_267 = arith.constant 6 : i32
      %get3A_268 = arith.index_cast %get3A_267 : i32 to index
      %get3A_269 = arith.constant 0 : index
      %get3A_270 = tpu.vector_load %arg14[%get3A_268, %get3A_269] {strides = array<i32>} : memref<16x16xf32, #tpu.memory_space<vmem>>, vector<16xf32>,
      %get3A_271 = arith.constant 6 : i32
      %get3A_272 = arith.index_cast %get3A_271 : i32 to index
      %get3A_273 = arith.constant 0 : index
      %get3A_274 = tpu.vector_load %arg15[%get3A_272, %get3A_273] {strides = array<i32>} : memref<16x16xi32, #tpu.memory_space<vmem>>, vector<16xi32>,
      %lt3A_275 = arith.cmpf olt, %get3A_270, %select_n3A_265 : vector<16xf32>
      %eq3A_276 = arith.cmpf oeq, %get3A_270, %select_n3A_265 : vector<16xf32>
      %lt3A_277 = arith.cmpi slt, %get3A_274, %select_n3A_266 : vector<16xi32>
      %and3A_278 = arith.andi %eq3A_276, %lt3A_277 : vector<16xi1>
      %or3A_279 = arith.ori %lt3A_275, %and3A_278 : vector<16xi1>
      %select_n3A_280 = arith.select %or3A_279, %get3A_270, %select_n3A_265 : vector<16xi1>, vector<16xf32>
      %select_n3A_281 = arith.select %or3A_279, %get3A_274, %select_n3A_266 : vector<16xi1>, vector<16xi32>
      %get3A_282 = arith.constant 7 : i32
      %get3A_283 = arith.index_cast %get3A_282 : i32 to index
      %get3A_284 = arith.constant 0 : index
      %get3A_285 = tpu.vector_load %arg14[%get3A_283, %get3A_284] {strides = array<i32>} : memref<16x16xf32, #tpu.memory_space<vmem>>, vector<16xf32>,
      %get3A_286 = arith.constant 7 : i32
      %get3A_287 = arith.index_cast %get3A_286 : i32 to index
      %get3A_288 = arith.constant 0 : index
      %get3A_289 = tpu.vector_load %arg15[%get3A_287, %get3A_288] {strides = array<i32>} : memref<16x16xi32, #tpu.memory_space<vmem>>, vector<16xi32>,
      %lt3A_290 = arith.cmpf olt, %get3A_285, %select_n3A_280 : vector<16xf32>
      %eq3A_291 = arith.cmpf oeq, %get3A_285, %select_n3A_280 : vector<16xf32>
      %lt3A_292 = arith.cmpi slt, %get3A_289, %select_n3A_281 : vector<16xi32>
      %and3A_293 = arith.andi %eq3A_291, %lt3A_292 : vector<16xi1>
      %or3A_294 = arith.ori %lt3A_290, %and3A_293 : vector<16xi1>
      %select_n3A_295 = arith.select %or3A_294, %get3A_285, %select_n3A_280 : vector<16xi1>, vector<16xf32>
      %select_n3A_296 = arith.select %or3A_294, %get3A_289, %select_n3A_281 : vector<16xi1>, vector<16xi32>
      %get3A_297 = arith.constant 8 : i32
      %get3A_298 = arith.index_cast %get3A_297 : i32 to index
      %get3A_299 = arith.constant 0 : index
      %get3A_300 = tpu.vector_load %arg14[%get3A_298, %get3A_299] {strides = array<i32>} : memref<16x16xf32, #tpu.memory_space<vmem>>, vector<16xf32>,
      %get3A_301 = arith.constant 8 : i32
      %get3A_302 = arith.index_cast %get3A_301 : i32 to index
      %get3A_303 = arith.constant 0 : index
      %get3A_304 = tpu.vector_load %arg15[%get3A_302, %get3A_303] {strides = array<i32>} : memref<16x16xi32, #tpu.memory_space<vmem>>, vector<16xi32>,
      %lt3A_305 = arith.cmpf olt, %get3A_300, %select_n3A_295 : vector<16xf32>
      %eq3A_306 = arith.cmpf oeq, %get3A_300, %select_n3A_295 : vector<16xf32>
      %lt3A_307 = arith.cmpi slt, %get3A_304, %select_n3A_296 : vector<16xi32>
      %and3A_308 = arith.andi %eq3A_306, %lt3A_307 : vector<16xi1>
      %or3A_309 = arith.ori %lt3A_305, %and3A_308 : vector<16xi1>
      %select_n3A_310 = arith.select %or3A_309, %get3A_300, %select_n3A_295 : vector<16xi1>, vector<16xf32>
      %select_n3A_311 = arith.select %or3A_309, %get3A_304, %select_n3A_296 : vector<16xi1>, vector<16xi32>
      %get3A_312 = arith.constant 9 : i32
      %get3A_313 = arith.index_cast %get3A_312 : i32 to index
      %get3A_314 = arith.constant 0 : index
      %get3A_315 = tpu.vector_load %arg14[%get3A_313, %get3A_314] {strides = array<i32>} : memref<16x16xf32, #tpu.memory_space<vmem>>, vector<16xf32>,
      %get3A_316 = arith.constant 9 : i32
      %get3A_317 = arith.index_cast %get3A_316 : i32 to index
      %get3A_318 = arith.constant 0 : index
      %get3A_319 = tpu.vector_load %arg15[%get3A_317, %get3A_318] {strides = array<i32>} : memref<16x16xi32, #tpu.memory_space<vmem>>, vector<16xi32>,
      %lt3A_320 = arith.cmpf olt, %get3A_315, %select_n3A_310 : vector<16xf32>
      %eq3A_321 = arith.cmpf oeq, %get3A_315, %select_n3A_310 : vector<16xf32>
      %lt3A_322 = arith.cmpi slt, %get3A_319, %select_n3A_311 : vector<16xi32>
      %and3A_323 = arith.andi %eq3A_321, %lt3A_322 : vector<16xi1>
      %or3A_324 = arith.ori %lt3A_320, %and3A_323 : vector<16xi1>
      %select_n3A_325 = arith.select %or3A_324, %get3A_315, %select_n3A_310 : vector<16xi1>, vector<16xf32>
      %select_n3A_326 = arith.select %or3A_324, %get3A_319, %select_n3A_311 : vector<16xi1>, vector<16xi32>
      %get3A_327 = arith.constant 10 : i32
      %get3A_328 = arith.index_cast %get3A_327 : i32 to index
      %get3A_329 = arith.constant 0 : index
      %get3A_330 = tpu.vector_load %arg14[%get3A_328, %get3A_329] {strides = array<i32>} : memref<16x16xf32, #tpu.memory_space<vmem>>, vector<16xf32>,
      %get3A_331 = arith.constant 10 : i32
      %get3A_332 = arith.index_cast %get3A_331 : i32 to index
      %get3A_333 = arith.constant 0 : index
      %get3A_334 = tpu.vector_load %arg15[%get3A_332, %get3A_333] {strides = array<i32>} : memref<16x16xi32, #tpu.memory_space<vmem>>, vector<16xi32>,
      %lt3A_335 = arith.cmpf olt, %get3A_330, %select_n3A_325 : vector<16xf32>
      %eq3A_336 = arith.cmpf oeq, %get3A_330, %select_n3A_325 : vector<16xf32>
      %lt3A_337 = arith.cmpi slt, %get3A_334, %select_n3A_326 : vector<16xi32>
      %and3A_338 = arith.andi %eq3A_336, %lt3A_337 : vector<16xi1>
      %or3A_339 = arith.ori %lt3A_335, %and3A_338 : vector<16xi1>
      %select_n3A_340 = arith.select %or3A_339, %get3A_330, %select_n3A_325 : vector<16xi1>, vector<16xf32>
      %select_n3A_341 = arith.select %or3A_339, %get3A_334, %select_n3A_326 : vector<16xi1>, vector<16xi32>
      %get3A_342 = arith.constant 11 : i32
      %get3A_343 = arith.index_cast %get3A_342 : i32 to index
      %get3A_344 = arith.constant 0 : index
      %get3A_345 = tpu.vector_load %arg14[%get3A_343, %get3A_344] {strides = array<i32>} : memref<16x16xf32, #tpu.memory_space<vmem>>, vector<16xf32>,
      %get3A_346 = arith.constant 11 : i32
      %get3A_347 = arith.index_cast %get3A_346 : i32 to index
      %get3A_348 = arith.constant 0 : index
      %get3A_349 = tpu.vector_load %arg15[%get3A_347, %get3A_348] {strides = array<i32>} : memref<16x16xi32, #tpu.memory_space<vmem>>, vector<16xi32>,
      %lt3A_350 = arith.cmpf olt, %get3A_345, %select_n3A_340 : vector<16xf32>
      %eq3A_351 = arith.cmpf oeq, %get3A_345, %select_n3A_340 : vector<16xf32>
      %lt3A_352 = arith.cmpi slt, %get3A_349, %select_n3A_341 : vector<16xi32>
      %and3A_353 = arith.andi %eq3A_351, %lt3A_352 : vector<16xi1>
      %or3A_354 = arith.ori %lt3A_350, %and3A_353 : vector<16xi1>
      %select_n3A_355 = arith.select %or3A_354, %get3A_345, %select_n3A_340 : vector<16xi1>, vector<16xf32>
      %select_n3A_356 = arith.select %or3A_354, %get3A_349, %select_n3A_341 : vector<16xi1>, vector<16xi32>
      %get3A_357 = arith.constant 12 : i32
      %get3A_358 = arith.index_cast %get3A_357 : i32 to index
      %get3A_359 = arith.constant 0 : index
      %get3A_360 = tpu.vector_load %arg14[%get3A_358, %get3A_359] {strides = array<i32>} : memref<16x16xf32, #tpu.memory_space<vmem>>, vector<16xf32>,
      %get3A_361 = arith.constant 12 : i32
      %get3A_362 = arith.index_cast %get3A_361 : i32 to index
      %get3A_363 = arith.constant 0 : index
      %get3A_364 = tpu.vector_load %arg15[%get3A_362, %get3A_363] {strides = array<i32>} : memref<16x16xi32, #tpu.memory_space<vmem>>, vector<16xi32>,
      %lt3A_365 = arith.cmpf olt, %get3A_360, %select_n3A_355 : vector<16xf32>
      %eq3A_366 = arith.cmpf oeq, %get3A_360, %select_n3A_355 : vector<16xf32>
      %lt3A_367 = arith.cmpi slt, %get3A_364, %select_n3A_356 : vector<16xi32>
      %and3A_368 = arith.andi %eq3A_366, %lt3A_367 : vector<16xi1>
      %or3A_369 = arith.ori %lt3A_365, %and3A_368 : vector<16xi1>
      %select_n3A_370 = arith.select %or3A_369, %get3A_360, %select_n3A_355 : vector<16xi1>, vector<16xf32>
      %select_n3A_371 = arith.select %or3A_369, %get3A_364, %select_n3A_356 : vector<16xi1>, vector<16xi32>
      %get3A_372 = arith.constant 13 : i32
      %get3A_373 = arith.index_cast %get3A_372 : i32 to index
      %get3A_374 = arith.constant 0 : index
      %get3A_375 = tpu.vector_load %arg14[%get3A_373, %get3A_374] {strides = array<i32>} : memref<16x16xf32, #tpu.memory_space<vmem>>, vector<16xf32>,
      %get3A_376 = arith.constant 13 : i32
      %get3A_377 = arith.index_cast %get3A_376 : i32 to index
      %get3A_378 = arith.constant 0 : index
      %get3A_379 = tpu.vector_load %arg15[%get3A_377, %get3A_378] {strides = array<i32>} : memref<16x16xi32, #tpu.memory_space<vmem>>, vector<16xi32>,
      %lt3A_380 = arith.cmpf olt, %get3A_375, %select_n3A_370 : vector<16xf32>
      %eq3A_381 = arith.cmpf oeq, %get3A_375, %select_n3A_370 : vector<16xf32>
      %lt3A_382 = arith.cmpi slt, %get3A_379, %select_n3A_371 : vector<16xi32>
      %and3A_383 = arith.andi %eq3A_381, %lt3A_382 : vector<16xi1>
      %or3A_384 = arith.ori %lt3A_380, %and3A_383 : vector<16xi1>
      %select_n3A_385 = arith.select %or3A_384, %get3A_375, %select_n3A_370 : vector<16xi1>, vector<16xf32>
      %select_n3A_386 = arith.select %or3A_384, %get3A_379, %select_n3A_371 : vector<16xi1>, vector<16xi32>
      %get3A_387 = arith.constant 14 : i32
      %get3A_388 = arith.index_cast %get3A_387 : i32 to index
      %get3A_389 = arith.constant 0 : index
      %get3A_390 = tpu.vector_load %arg14[%get3A_388, %get3A_389] {strides = array<i32>} : memref<16x16xf32, #tpu.memory_space<vmem>>, vector<16xf32>,
      %get3A_391 = arith.constant 14 : i32
      %get3A_392 = arith.index_cast %get3A_391 : i32 to index
      %get3A_393 = arith.constant 0 : index
      %get3A_394 = tpu.vector_load %arg15[%get3A_392, %get3A_393] {strides = array<i32>} : memref<16x16xi32, #tpu.memory_space<vmem>>, vector<16xi32>,
      %lt3A_395 = arith.cmpf olt, %get3A_390, %select_n3A_385 : vector<16xf32>
      %eq3A_396 = arith.cmpf oeq, %get3A_390, %select_n3A_385 : vector<16xf32>
      %lt3A_397 = arith.cmpi slt, %get3A_394, %select_n3A_386 : vector<16xi32>
      %and3A_398 = arith.andi %eq3A_396, %lt3A_397 : vector<16xi1>
      %or3A_399 = arith.ori %lt3A_395, %and3A_398 : vector<16xi1>
      %select_n3A_400 = arith.select %or3A_399, %get3A_390, %select_n3A_385 : vector<16xi1>, vector<16xf32>
      %select_n3A_401 = arith.select %or3A_399, %get3A_394, %select_n3A_386 : vector<16xi1>, vector<16xi32>
      %get3A_402 = arith.constant 15 : i32
      %get3A_403 = arith.index_cast %get3A_402 : i32 to index
      %get3A_404 = arith.constant 0 : index
      %get3A_405 = tpu.vector_load %arg14[%get3A_403, %get3A_404] {strides = array<i32>} : memref<16x16xf32, #tpu.memory_space<vmem>>, vector<16xf32>,
      %get3A_406 = arith.constant 15 : i32
      %get3A_407 = arith.index_cast %get3A_406 : i32 to index
      %get3A_408 = arith.constant 0 : index
      %get3A_409 = tpu.vector_load %arg15[%get3A_407, %get3A_408] {strides = array<i32>} : memref<16x16xi32, #tpu.memory_space<vmem>>, vector<16xi32>,
      %lt3A_410 = arith.cmpf olt, %get3A_405, %select_n3A_400 : vector<16xf32>
      %eq3A_411 = arith.cmpf oeq, %get3A_405, %select_n3A_400 : vector<16xf32>
      %lt3A_412 = arith.cmpi slt, %get3A_409, %select_n3A_401 : vector<16xi32>
      %and3A_413 = arith.andi %eq3A_411, %lt3A_412 : vector<16xi1>
      %or3A_414 = arith.ori %lt3A_410, %and3A_413 : vector<16xi1>
      %select_n3A_415 = arith.select %or3A_414, %get3A_405, %select_n3A_400 : vector<16xi1>, vector<16xf32>
      %select_n3A_416 = arith.select %or3A_414, %get3A_409, %select_n3A_401 : vector<16xi1>, vector<16xi32>
      %reduce_min3A = arith.constant true
      %reduce_min3A_417 = vector.broadcast %reduce_min3A : i1 to vector<16xi1>
      %reduce_min3A_418 = tpu.scan <min>, %select_n3A_415 masked %reduce_min3A_417 : vector<16xf32>, vector<16xi1> -> vector<16xf32>
      %reduce_min3A_419 = vector.extract %reduce_min3A_418[15] : f32 from vector<16xf32>
      %broadcast_in_dim3A_420 = vector.broadcast %reduce_min3A_419 : f32 to vector<16xf32>
      %eq3A_421 = arith.cmpf oeq, %select_n3A_415, %broadcast_in_dim3A_420 : vector<16xf32>
      %broadcast_in_dim3A_422 = arith.constant 2147483647 : i32
      %broadcast_in_dim3A_423 = vector.broadcast %broadcast_in_dim3A_422 : i32 to vector<16xi32>
      %select_n3A_424 = arith.select %eq3A_421, %select_n3A_416, %broadcast_in_dim3A_423 : vector<16xi1>, vector<16xi32>
      %reduce_min3A_425 = arith.constant true
      %reduce_min3A_426 = vector.broadcast %reduce_min3A_425 : i1 to vector<16xi1>
      %reduce_min3A_427 = arith.constant -2147483648 : i32
      %reduce_min3A_428 = vector.broadcast %reduce_min3A_427 : i32 to vector<16xi32>
      %reduce_min3A_429 = arith.xori %select_n3A_424, %reduce_min3A_428 : vector<16xi32>
      %reduce_min3A_430 = tpu.scan <min>, %reduce_min3A_429 masked %reduce_min3A_426 : vector<16xi32>, vector<16xi1> -> vector<16xi32>
      %reduce_min3A_431 = arith.xori %reduce_min3A_430, %reduce_min3A_428 : vector<16xi32>
      %reduce_min3A_432 = vector.extract %reduce_min3A_431[15] : i32 from vector<16xi32>
      %broadcast_in_dim3A_433 = vector.broadcast %reduce_min3A_419 : f32 to vector<16xf32>
      %swap3A = arith.constant 0 : index
      %swap3A_434 = tpu.vector_load %arg12[%swap3A] {strides = array<i32>} : memref<16xf32, #tpu.memory_space<vmem>>, vector<16xf32>,
      tpu.vector_store %arg12[%swap3A], %broadcast_in_dim3A_433 {strides = array<i32>} : memref<16xf32, #tpu.memory_space<vmem>>, vector<16xf32>,
      %broadcast_in_dim3A_435 = vector.broadcast %reduce_min3A_432 : i32 to vector<16xi32>
      %swap3A_436 = arith.constant 0 : index
      %swap3A_437 = tpu.vector_load %arg13[%swap3A_436] {strides = array<i32>} : memref<16xi32, #tpu.memory_space<vmem>>, vector<16xi32>,
      tpu.vector_store %arg13[%swap3A_436], %broadcast_in_dim3A_435 {strides = array<i32>} : memref<16xi32, #tpu.memory_space<vmem>>, vector<16xi32>,
      "tpu.region"() ({
        %run_scoped3A = tpu.sem_alloc : memref<!tpu.dma_semaphore, #tpu.memory_space<semaphore_mem>>
        %dma_start3A_443 = arith.constant 0 : i32
        %dma_start3A_444 = tpu.memref_slice %arg6[%arg0, %dma_start3A_443] : memref<2x16xf32, #tpu.memory_space<hbm>> -> memref<1x16xf32, #tpu.memory_space<hbm>>
        %dma_start3A_445 = tpu.memref_squeeze %dma_start3A_444 : memref<1x16xf32, #tpu.memory_space<hbm>> -> memref<16xf32, #tpu.memory_space<hbm>>
        %dma_start3A_446 = arith.constant 0 : i32
        %dma_start3A_447 = tpu.memref_slice %arg6[%arg0, %dma_start3A_446] : memref<2x16xf32, #tpu.memory_space<hbm>> -> memref<1x16xf32, #tpu.memory_space<hbm>>
        %dma_start3A_448 = tpu.memref_squeeze %dma_start3A_447 : memref<1x16xf32, #tpu.memory_space<hbm>> -> memref<16xf32, #tpu.memory_space<hbm>>
        tpu.enqueue_dma source(%arg12 : memref<16xf32, #tpu.memory_space<vmem>>) target(%dma_start3A_448 : memref<16xf32, #tpu.memory_space<hbm>>) target_semaphore(%run_scoped3A : memref<!tpu.dma_semaphore, #tpu.memory_space<semaphore_mem>>)
        %dma_wait3A_449 = arith.constant 0 : i32
        %dma_wait3A_450 = tpu.memref_slice %arg6[%arg0, %dma_wait3A_449] : memref<2x16xf32, #tpu.memory_space<hbm>> -> memref<1x16xf32, #tpu.memory_space<hbm>>
        %dma_wait3A_451 = tpu.memref_squeeze %dma_wait3A_450 : memref<1x16xf32, #tpu.memory_space<hbm>> -> memref<16xf32, #tpu.memory_space<hbm>>
        %dma_wait3A_452 = arith.constant 0 : i32
        %dma_wait3A_453 = tpu.memref_slice %arg6[%arg0, %dma_wait3A_452] : memref<2x16xf32, #tpu.memory_space<hbm>> -> memref<1x16xf32, #tpu.memory_space<hbm>>
        %dma_wait3A_454 = tpu.memref_squeeze %dma_wait3A_453 : memref<1x16xf32, #tpu.memory_space<hbm>> -> memref<16xf32, #tpu.memory_space<hbm>>
        tpu.wait_dma2 semaphore(%run_scoped3A : memref<!tpu.dma_semaphore, #tpu.memory_space<semaphore_mem>>) src(%arg12 : memref<16xf32, #tpu.memory_space<vmem>>) dst(%dma_wait3A_454 : memref<16xf32, #tpu.memory_space<hbm>>)
        tpu.yield
      }) : () -> ()
      "tpu.region"() ({
        %run_scoped3A = tpu.sem_alloc : memref<!tpu.dma_semaphore, #tpu.memory_space<semaphore_mem>>
        %dma_start3A_443 = arith.constant 0 : i32
        %dma_start3A_444 = tpu.memref_slice %arg7[%arg0, %dma_start3A_443] : memref<2x16xi32, #tpu.memory_space<hbm>> -> memref<1x16xi32, #tpu.memory_space<hbm>>
        %dma_start3A_445 = tpu.memref_squeeze %dma_start3A_444 : memref<1x16xi32, #tpu.memory_space<hbm>> -> memref<16xi32, #tpu.memory_space<hbm>>
        %dma_start3A_446 = arith.constant 0 : i32
        %dma_start3A_447 = tpu.memref_slice %arg7[%arg0, %dma_start3A_446] : memref<2x16xi32, #tpu.memory_space<hbm>> -> memref<1x16xi32, #tpu.memory_space<hbm>>
        %dma_start3A_448 = tpu.memref_squeeze %dma_start3A_447 : memref<1x16xi32, #tpu.memory_space<hbm>> -> memref<16xi32, #tpu.memory_space<hbm>>
        tpu.enqueue_dma source(%arg13 : memref<16xi32, #tpu.memory_space<vmem>>) target(%dma_start3A_448 : memref<16xi32, #tpu.memory_space<hbm>>) target_semaphore(%run_scoped3A : memref<!tpu.dma_semaphore, #tpu.memory_space<semaphore_mem>>)
        %dma_wait3A_449 = arith.constant 0 : i32
        %dma_wait3A_450 = tpu.memref_slice %arg7[%arg0, %dma_wait3A_449] : memref<2x16xi32, #tpu.memory_space<hbm>> -> memref<1x16xi32, #tpu.memory_space<hbm>>
        %dma_wait3A_451 = tpu.memref_squeeze %dma_wait3A_450 : memref<1x16xi32, #tpu.memory_space<hbm>> -> memref<16xi32, #tpu.memory_space<hbm>>
        %dma_wait3A_452 = arith.constant 0 : i32
        %dma_wait3A_453 = tpu.memref_slice %arg7[%arg0, %dma_wait3A_452] : memref<2x16xi32, #tpu.memory_space<hbm>> -> memref<1x16xi32, #tpu.memory_space<hbm>>
        %dma_wait3A_454 = tpu.memref_squeeze %dma_wait3A_453 : memref<1x16xi32, #tpu.memory_space<hbm>> -> memref<16xi32, #tpu.memory_space<hbm>>
        tpu.wait_dma2 semaphore(%run_scoped3A : memref<!tpu.dma_semaphore, #tpu.memory_space<semaphore_mem>>) src(%arg13 : memref<16xi32, #tpu.memory_space<vmem>>) dst(%dma_wait3A_454 : memref<16xi32, #tpu.memory_space<hbm>>)
        tpu.yield
      }) : () -> ()
      %eq3A_438 = arith.constant 0 : i32
      %eq3A_439 = arith.cmpi eq, %arg0, %eq3A_438 : i32
      %convert_element_type3A_440 = arith.extui %eq3A_439 : i1 to i32
      %cond3A_441 = arith.constant 0 : i32
      %cond3A_442 = arith.cmpi ne, %convert_element_type3A_440, %cond3A_441 : i32
      scf.if %cond3A_442 {
        %broadcast_in_dim3A_443 = arith.constant 0.000000e+00 : f32
        %broadcast_in_dim3A_444 = vector.broadcast %broadcast_in_dim3A_443 : f32 to vector<16xf32>
        %swap3A_445 = arith.constant 0 : index
        %swap3A_446 = tpu.vector_load %arg12[%swap3A_445] {strides = array<i32>} : memref<16xf32, #tpu.memory_space<vmem>>, vector<16xf32>,
        tpu.vector_store %arg12[%swap3A_445], %broadcast_in_dim3A_444 {strides = array<i32>} : memref<16xf32, #tpu.memory_space<vmem>>, vector<16xf32>,
        "tpu.region"() ({
          %run_scoped3A = tpu.sem_alloc : memref<!tpu.dma_semaphore, #tpu.memory_space<semaphore_mem>>
          tpu.enqueue_dma source(%arg12 : memref<16xf32, #tpu.memory_space<vmem>>) target(%arg5 : memref<16xf32, #tpu.memory_space<hbm>>) target_semaphore(%run_scoped3A : memref<!tpu.dma_semaphore, #tpu.memory_space<semaphore_mem>>)
          tpu.wait_dma2 semaphore(%run_scoped3A : memref<!tpu.dma_semaphore, #tpu.memory_space<semaphore_mem>>) src(%arg12 : memref<16xf32, #tpu.memory_space<vmem>>) dst(%arg5 : memref<16xf32, #tpu.memory_space<hbm>>)
          tpu.yield
        }) : () -> ()
      } else {
      }
    } else {
    }
    return
  }
}

</mosaic_0001>

<sc_bundles>
// kernel: kernel.3.cloned.1.call-start
scs
__scs_entry_jumppad:
0x0: {  	(pc) =	sbr.rel $0x88, $3  }
0x1: {  	(tag) =	ssettag $0x0;
	lr =	simm.s32 $0x1  }
0x2: {  	[smem:$0x3F9F] =	sst lr;
	_ =	strace $0xD0000000  }
0x3: {  	_ = 	snop  }
0x4: {  	_ = 	snop  }
0x5: {  	_ = 	snop  }
0x6: {  	_ = 	snop  }
0x7: {  	_ = 	snop  }
__scs_overlays_trampoline_lowered:
0x8: {  	[smem:$0x3FAE] =	sst s0  }
0x9: {  	[smem:$0x3FAF] =	sst s1  }
0xa: {  	[smem:$0x3FB0] =	sst s2  }
0xb: {  	[smem:$0x3FB1] =	sst s3  }
0xc: {  	[smem:$0x3FB2] =	sst s4  }
0xd: {  	[smem:$0x3FB3] =	sst s5  }
0xe: {  	[smem:$0x3FB4] =	sst s6  }
0xf: {  	[smem:$0x3FB5] =	sst s7  }
0x10: {  	[smem:$0x3FB6] =	sst s8  }
0x11: {  	[smem:$0x3FB7] =	sst s9;
	s0 =	simm.s32 @!p0 $0x0  }
0x12: {  	s1 =	sld [smem:$0x3F9D];
	s0 =	simm.s32 @p0 $0x1  }
0x13: {  	[smem:$0x3FB8] =	sst s0;
	s0 =	simm.s32 @!p1 $0x0  }
0x14: {  	s2 =	sld [smem:$0x3F9C];
	s0 =	simm.s32 @p1 $0x1  }
0x15: {  	[smem:$0x3FB9] =	sst s0;
	s0 =	simm.s32 @!p2 $0x0  }
0x16: {  	s3 =	sld [smem:$0x3FDB];
	s0 =	simm.s32 @p2 $0x1  }
0x17: {  	s4 =	simm.s32 $0x1BF5;
	[smem:$0x3FBB] =	sst s0  }
0x18: {  	s0 =	sld [smem:$0x3F9E];
	_ =	swait.ge [sflag:s4], $0x0  }
0x19: {  	s7 =	sld [smem:$0x3F9F]  }
0x1a: {  	s8 =	sadd.s32 $0xFFFFE003, lr  }
0x1b: {  	s9 =	sadd.s32 $0xFFFFFEF7, lr;
	s5 =	simm.s32 $0xFFFFFFFF;
	p2 =	slt.u32 s8, $0xFFFFF086  }
0x1c: {  	p1 =	slt.u32 s9, $0xF7A;
	s5 =	simm.s32 @!p2 $0x0  }
0x1d: {  	s5 =	simm.s32 @p1 $0x1;
	p0 =	seq.s32 s7, s2  }
0x1e: {  	s7 =	smul.u32 @!p0 $0xF7A, s2;
	p2 =	seq.s32 @!p0 s5, $0x0  }
0x1f: {  	s9 =	smul.u32 $0xF7A, s1;
	s8 =	simm.s32 @!p0 $0x1BF5;
	p2 =	por !p2, p0  }
0x20: {  	[sflag:s8] =	ssyncset.s32 @!p0 $0xFFFFF086;
	s6 =	sadd.s32 @!p0 s3, s7;
	s7 =	simm.s32 @!p0 $0x108  }
0x21: {  	s3 =	sadd.s32 s3, s9;
	s6 =	sadd.s32 @!p0 $0x88, s6;
	s7 =	simm.s32 @p2 $0x1082  }
0x22: {  	[simem:s7], [sflag:s8] =	dma.local @!p0 [hbm:s6], $0xF7A  }
0x23: {  	s9 =	sor.u32 $0xD0000000, s2;
	s6 =	simm.s32 $0x108;
	_ =	swait.ge @!p0 [sflag:s8], $0x0  }
0x24: {  	s3 =	sadd.s32 $0x88, s3;
	s6 =	simm.s32 @!p1 $0x1082;
	[sflag:s4] =	ssyncset.s32 $0xFFFFF086  }
0x25: {  	[simem:s6], [sflag:s4] =	dma.local [hbm:s3], $0xF7A  }
0x26: {  	[smem:$0x3F9F] =	sst s1;
	(tag) =	ssettag s2;
	_ =	strace s9  }
0x27: {  	s1 =	sld [smem:$0x3FAF]  }
0x28: {  	s2 =	sld [smem:$0x3FB0]  }
0x29: {  	s4 =	sld [smem:$0x3FB2]  }
0x2a: {  	p0 =	seq.s32 s5, $0x0;
	s5 =	sld [smem:$0x3FB3]  }
0x2b: {  	s6 =	sld [smem:$0x3FB4]  }
0x2c: {  	s7 =	sld [smem:$0x3FB5]  }
0x2d: {  	s3 =	simm.s32 $0x108;
	s8 =	sld [smem:$0x3FB6]  }
0x2e: {  	s3 =	simm.s32 @!p0 $0x1082;
	s9 =	sld [smem:$0x3FB7]  }
0x2f: {  	lr =	sadd.s32 s0, s3;
	s0 =	sld [smem:$0x3FAE]  }
0x30: {  	s3 =	sld [smem:$0x3FB1]  }
0x31: {  	[smem:$0x3FBA] =	sst s10  }
0x32: {  	s10 =	sld [smem:$0x3FB8];
	_ =	sdelay $0x3  }
0x33: {  	p0 =	seq.s32 s10, $0x1;
	s10 =	sld [smem:$0x3FBA];
	_ =	sdelay $0x3  }
0x34: {  	[smem:$0x3FBA] =	sst s10  }
0x35: {  	s10 =	sld [smem:$0x3FB9];
	_ =	sdelay $0x3  }
0x36: {  	p1 =	seq.s32 s10, $0x1;
	s10 =	sld [smem:$0x3FBA];
	_ =	sdelay $0x3  }
0x37: {  	[smem:$0x3FBA] =	sst s10  }
0x38: {  	s10 =	sld [smem:$0x3FBB]  }
0x39: {  	_ = 	snop;
	(pc) =	sbr.ind lr, $3  }
0x3a: {  	_ = 	snop  }
0x3b: {  	_ = 	snop  }
0x3c: {  	p2 =	seq.s32 s10, $0x1;
	s10 =	sld [smem:$0x3FBA]  }
0x3d: {  	_ =	shalt  }
0x3e: {  	_ =	shalt  }
0x3f: {  	_ =	shalt  }
0x40: {  	_ =	shalt  }
0x41: {  	_ =	shalt  }
0x42: {  	_ =	shalt  }
0x43: {  	_ =	shalt  }
0x44: {  	_ =	shalt  }
0x45: {  	_ =	shalt  }
0x46: {  	_ =	shalt  }
0x47: {  	_ =	shalt  }
0x48: {  	_ =	shalt  }
0x49: {  	_ =	shalt  }
0x4a: {  	_ =	shalt  }
0x4b: {  	_ =	shalt  }
0x4c: {  	_ =	shalt  }
0x4d: {  	_ =	shalt  }
0x4e: {  	_ =	shalt  }
0x4f: {  	_ =	shalt  }
0x50: {  	_ =	shalt  }
0x51: {  	_ =	shalt  }
0x52: {  	_ =	shalt  }
0x53: {  	_ =	shalt  }
0x54: {  	_ =	shalt  }
0x55: {  	_ =	shalt  }
0x56: {  	_ =	shalt  }
0x57: {  	_ =	shalt  }
0x58: {  	_ =	shalt  }
0x59: {  	_ =	shalt  }
0x5a: {  	_ =	shalt  }
0x5b: {  	_ =	shalt  }
0x5c: {  	_ =	shalt  }
0x5d: {  	_ =	shalt  }
0x5e: {  	_ =	shalt  }
0x5f: {  	_ =	shalt  }
0x60: {  	_ =	shalt  }
0x61: {  	_ =	shalt  }
0x62: {  	_ =	shalt  }
0x63: {  	_ =	shalt  }
0x64: {  	_ =	shalt  }
0x65: {  	_ =	shalt  }
0x66: {  	_ =	shalt  }
0x67: {  	_ =	shalt  }
0x68: {  	_ =	shalt  }
0x69: {  	_ =	shalt  }
0x6a: {  	_ =	shalt  }
0x6b: {  	_ =	shalt  }
0x6c: {  	_ =	shalt  }
0x6d: {  	_ =	shalt  }
0x6e: {  	_ =	shalt  }
0x6f: {  	_ =	shalt  }
0x70: {  	_ =	shalt  }
0x71: {  	_ =	shalt  }
0x72: {  	_ =	shalt  }
0x73: {  	_ =	shalt  }
0x74: {  	_ =	shalt  }
0x75: {  	_ =	shalt  }
0x76: {  	_ =	shalt  }
0x77: {  	_ =	shalt  }
0x78: {  	_ =	shalt  }
0x79: {  	_ =	shalt  }
0x7a: {  	_ =	shalt  }
0x7b: {  	_ =	shalt  }
0x7c: {  	_ =	shalt  }
0x7d: {  	_ =	shalt  }
0x7e: {  	_ =	shalt  }
0x7f: {  	_ =	shalt  }
0x80: {  	_ =	shalt  }
0x81: {  	_ =	shalt  }
0x82: {  	_ =	shalt  }
0x83: {  	_ =	shalt  }
0x84: {  	_ =	shalt  }
0x85: {  	_ =	shalt  }
0x86: {  	_ =	shalt  }
0x87: {  	_ =	shalt  }
.Lfunc_end0:
.L_simem_size_0:
called_computation_lowered:
.L_overlay_start_0:
0x88: {  	s2 =	sld [smem:$0x3FD9]  }
0x89: {  	s3 =	sld [smem:$0x3FFE];
	_ =	sdelay $0x1  }
0x8a: {  	s1 =	srdreg.scid  }
0x8b: {  	s0 =	sand.u32 $0x1, s1  }
0x8c: {  	s17 =	sshll.u32 s0, $0xA;
	s2 =	sadd.s32 s3, s2  }
0x8d: {  	s2 =	sadd.s32 s2, s17  }
0x8e: {  	[smem:$0x3FC6] =	sst s2  }
0x8f: {  	_ = 	snop  }
0x90: {  	s2 =	sld [smem:$0x3FC8];
	(tm) =	ssettm $0x1  }
0x91: {  	s18 =	sld [smem:$0x3FFB];
	_ =	sdelay $0x3  }
0x92: {  	_ =	strace s18  }
0x93: {  	s3 =	sld [smem:$0x3FFC];
	_ =	sdelay $0x3  }
0x94: {  	_ =	strace s3  }
0x95: {  	s3 =	sld [smem:$0x3FFD];
	_ =	sdelay $0x3  }
0x96: {  	_ =	strace s3  }
0x97: {  	_ =	strace $0x8FFFFFFF  }
0x98: {  	s19 =	sld [smem:$0x3FDB];
	_ =	sdelay $0x1  }
0x99: {  	s4 =	simm.s32 $_scs_section_size  }
0x9a: {  	s5 =	simm.s32 $_size__tile_overlayer_lowered;
	s6 =	simm.s32 $_tile_overlayer_lowered  }
0x9b: {  	s22 =	simm.s32 $0x1BFF;
	s21 =	sshll.u32 s6, $0x1;
	s3 =	sadd.s32 s4, s19  }
0x9c: {  	s7 =	simm.s32 $0x0;
	s20 =	sshll.u32 s5, $0x1;
	s5 =	sadd.s32 s21, s3  }
0x9d: {  	[timem:s7], [sflag:s22] =	dma.local [hbm:s5], s20  }
0x9e: {  	_ =	swait.ge [sflag:s22], s20  }
0x9f: {  	s4 =	ssub.s32 $0x0, s20;
	[sflag:s22] =	ssyncset.done $0x0  }
0xa0: {  	[sflag:s22] =	ssyncadd.s32 s4;
	_ =	sdelay $0x1  }
0xa1: {  	s23 =	simm.s32 $0x1B8B  }
0xa2: {  	_ =	swait.ge [sflag:s23], $0x1  }
0xa3: {  	[sflag:s23] =	ssyncset.done $0x0  }
0xa4: {  	s25 =	simm.s32 $0x1B8E;
	s24 =	sld [smem:$0x3FFE];
	[sflag:s23] =	ssyncadd.s32 $0xFFFFFFFF  }
0xa5: {  	s26 =	simm.s32 $execute0_lowered;
	[smem:$0x3FD2] =	sst s25  }
0xa6: {  	s5 =	sshll.u32 s26, $0x1;
	_ =	strace $0x80000046;
	[dreg:$0x1] =	wrdreg $0xFFFFFFFF  }
0xa7: {  	s28 =	simm.s32 $_size_execute0_lowered;
	s3 =	sadd.s32 s3, s5;
	[dreg:$0x0] =	wrdreg $0x0  }
0xa8: {  	s5 =	sshll.u32 s28, $0x1;
	[dreg:$0x2] =	wrdreg s3  }
0xa9: {  	[dreg:$0x3] =	wrdreg s5  }
0xaa: {  	[dreg:$0x4] =	wrdreg $0xC0  }
0xab: {  	_ =	task [dreg:s7], $0x5FFFF  }
0xac: {  	[dreg:$0x1] =	wrdreg $0xFFFFFFFF  }
0xad: {  	[dreg:$0x0] =	wrdreg $0x60  }
0xae: {  	[dreg:$0x2] =	wrdreg s2  }
0xaf: {  	[dreg:$0x3] =	wrdreg s24  }
0xb0: {  	[dreg:$0x4] =	wrdreg $0x9  }
0xb1: {  	_ =	task.clear_ibuf [dreg:s7], $0x5FFFF;
	_ =	strace $0x90000046  }
0xb2: {  	s29 =	simm.s32 $0x9;
	_ =	strace $0x80000048  }
0xb3: {  	_ =	swait.ge [sflag:s29], $0x1  }
0xb4: {  	[sflag:s29] =	ssyncadd.s32 $0xFFFFFFFF  }
0xb5: {  	_ =	strace $0x90000048  }
0xb6: {  	_ =	sfence  }
0xb7: {  	s30 =	sld [smem:$0x0];
	_ =	sdelay $0x2  }
0xb8: {  	s31 =	sshll.u32 s1, $0xD;
	s1 =	sshrl.u32 s1, $0x2  }
0xb9: {  	s3 =	sand.u32 $0x4000, s31;
	s1 =	sadd.s32 s1, s30  }
0xba: {  	s0 =	sor.u32 s3, s0;
	s1 =	sshll.u32 s1, $0x11  }
0xbb: {  	s0 =	sor.u32 s1, s0  }
0xbc: {  	s0 =	sadd.s32 $0x8F2B, s0  }
0xbd: {  	[sflag:s0] =	ssyncadd.remote.s32 $0x1  }
0xbe: {  	_ =	sfence.sel $0xFFFF  }
0xbf: {  	[dreg:$0x0] =	wrdreg $0xFFFFFFFF;
	(pc) =	sbr.abs _section_cstart, $3  }
0xc0: {  	[dreg:$0x1] =	wrdreg $0xFFFFFFFF  }
0xc1: {  	_ =	task.clear_ibuf [dreg:s7], $0x2FFFF;
	_ =	strace $0x9FFFFFFF  }
0xc2: {  	(tm) =	ssettm $0x7FFFFFFF  }
0xc3: {  	_ =	shalt  }
tec
execute0_lowered:
.L_overlay_start_1:
0x0: {  	(tag) =	ssettag $0x1  }
0x1: {  	s0 =	rddreg [dreg:$0x0]  }
0x2: {  	s5 =	rddreg [dreg:$0x1];
	s1 =	simm.s32 $0x0  }
0x3: {  	s4 =	srdreg.scid;
	s23 =	stileid.u32;
	s16 =	simm.s32 $0x7A00  }
0x4: {  	s17 =	simm.s32 $0xF400;
	s18 =	simm.s32 $0x16E00;
	s19 =	simm.s32 $0x1E800  }
0x5: {  	s29 =	simm.s32 $0x1F300;
	s30 =	simm.s32 $0x0;
	[smem:$0x7FF] =	sst s1  }
0x6: {  	s2 =	sadd.s32 $0x800, s5;
	s3 =	sadd.s32 $0xA00, s5;
	s24 =	sand.u32 $0x1, s4  }
0x7: {  	s6 =	sshll.u32 s23, $0x1;
	s4 =	sadd.s32 $0x1400, s5;
	s11 =	sadd.s32 $0x1000, s5  }
0x8: {  	s12 =	sadd.s32 $0x1200, s5;
	s26 =	sshll.u32 s23, $0x4;
	p0 =	sne.s32 s23, $0x0  }
0x9: {  	s23 =	simm.s32 $0x3;
	_ =	strace $0x80000047;
	s7 =	sshll.u32 s24, $0x4  }
0xa: {  	s22 =	sor.u32 s24, s6;
	s20 =	ssub.s32 $0x2, s24;
	s13 =	sshll.u32 s24, $0x8  }
0xb: {  	p2 =	sne.s32 s24, $0x0;
	s24 =	simm.s32 $0x4;
	s21 =	smul.u32 $0x1E800, s22  }
0xc: {  	s14 =	sadd.s32 s7, s5;
	s8 =	sshrl.u32 s20, $0x1;
	s9 =	smul.u32 $0x3D00, s22  }
0xd: {  	s28 =	smul.u32 $0x7A00, s22;
	s31 =	sor.u32 s26, s13;
	p1 =	sne.s32 s22, $0x1F  }
0xe: {  	s22 =	simm.s32 $0x2;
	s26 =	simm.s32 $0x1EA80;
	s15 =	ssub.s32 s20, s8  }
0xf: {  	s10 =	sadd.s32 s12, s31;
	s12 =	sadd.s32 s12, s13;
	s20 =	simm.s32 $0x5  }
.Ltmp0:
0x10: {  	s25 =	sshrl.u32 s21, $0x3;
	s5 =	sadd.s32 s0, s9;
	(pc) =	sbr.rel .LBB2_1-.Ltmp0, $4  }
0x11: {  	s9 =	sadd.s32 s11, s31;
	s11 =	sadd.s32 s11, s13;
	s13 =	sadd.s32 $0xC00, s14  }
0x12: {  	v0 =	vlaneseq.u32;
	s14 =	sadd.s32 $0xE00, s14;
	s15 =	smax.u32 s15, $0x1;
	s21 =	simm.s32 $0x1  }
0x13: {  	v1 =	vor.u32 s28, v0;
	s28 =	simm.s32 $0x1EB00;
	s0 =	sadd.s32 s0, s25;
	s25 =	simm.s32 $0x1EA00  }
0x14: {  	s6 =	sadd.s32 $0xF40, s0;
	s7 =	sadd.s32 $0x1E80, s0;
	s8 =	sadd.s32 $0x2DC0, s0  }
.LBB2_13:
0x15: {  	s30 =	sadd.s32 $0x1, s30  }
0x16: {  	p3 =	sne.s32 s30, s15  }
.Ltmp1:
0x17: {  	_ = 	snop;
	(pc) =	sbr.rel @!p3 .LBB2_14-.Ltmp1, $1  }
0x18: {  	_ =	sdelay $0x3  }
.LBB2_1:
0x19: {  	[tilespmem:s1], [sflag:$0x1] =	stream.linear.gather [hbm4b:s5+s1], $0x7A00, $0x38;
	[tilespmem:$0x1FB00] =	vst v63  }
0x1a: {  	_ = 	snop  }
0x1b: {  	[tilespmem:s16], [sflag:$0x2] =	stream.linear.gather [hbm4b:s6+s1], $0x7A00, $0x38;
	[tilespmem:$0x1FB00] =	vst v63  }
0x1c: {  	_ = 	snop  }
0x1d: {  	[tilespmem:s17], [sflag:$0x3] =	stream.linear.gather [hbm4b:s7+s1], $0x7A00, $0x38;
	[tilespmem:$0x1FB00] =	vst v63  }
0x1e: {  	_ = 	snop  }
0x1f: {  	[tilespmem:s18], [sflag:$0x4] =	stream.linear.gather [hbm4b:s8+s1], $0x7A00, $0x38;
	[tilespmem:$0x1FB00] =	vst v63  }
0x20: {  	_ = 	snop  }
0x21: {  	[tilespmem:s19], [sflag:$0x5] =	stream.linear.gather [hbm4b:s3+s1], $0x180, $0x38;
	[tilespmem:$0x1FB00] =	vst v63  }
0x22: {  	_ =	swait.ge [sflag:s20], $0x180  }
0x23: {  	[sflag:s20] =	ssyncset.done $0x0  }
0x24: {  	[sflag:s20] =	ssyncadd.s32 $0xFFFFFE80  }
0x25: {  	v3 =	vld [tilespmem:$0x1E800]  }
0x26: {  	v4 =	vld [tilespmem:$0x1E880]  }
0x27: {  	v2 =	vld [tilespmem:$0x1E900];
	_ =	swait.ge [sflag:s21], $0x7A00  }
0x28: {  	[sflag:s21] =	ssyncset.done $0x0  }
0x29: {  	s0 =	simm.s32 $0x0;
	[sflag:s21] =	ssyncadd.s32 $0xFFFF8600  }
0x2a: {  	v7 =	vld [tilespmem:s0+$0x100]  }
0x2b: {  	v8 =	vld [tilespmem:s0+$0x110]  }
0x2c: {  	v9 =	vld [tilespmem:s0+$0x120]  }
0x2d: {  	v10 =	vld [tilespmem:s0+$0x130]  }
0x2e: {  	v11 =	vld [tilespmem:s0+$0x140]  }
0x2f: {  	v12 =	vld [tilespmem:s0+$0x150]  }
0x30: {  	v13 =	vld [tilespmem:s0+$0x160]  }
0x31: {  	v14 =	vld [tilespmem:s0+$0x170]  }
0x32: {  	v19 =	vld [tilespmem:s0+$0x0]  }
0x33: {  	v20 =	vld [tilespmem:s0+$0x80]  }
0x34: {  	v21 =	vld [tilespmem:s0+$0x10]  }
0x35: {  	v6 =	vimm.f32 $3.402823470e+38;
	v22 =	vld [tilespmem:s0+$0x90]  }
0x36: {  	v5 =	vimm.s32 $0x0;
	v23 =	vld [tilespmem:s0+$0x20];
	v7 =	vsub.f32 v7, v2;
	v8 =	vsub.f32 v8, v2  }
0x37: {  	v15 =	vadd.s32 $0x10, v1;
	v24 =	vld [tilespmem:s0+$0xA0];
	v9 =	vsub.f32 v9, v2;
	v33 =	vsub.f32 v10, v2  }
0x38: {  	v16 =	vadd.s32 $0x20, v1;
	v28 =	vld [tilespmem:s0+$0x50];
	v32 =	vsub.f32 v11, v2;
	v31 =	vsub.f32 v12, v2  }
0x39: {  	v17 =	vadd.s32 $0x30, v1;
	v29 =	vld [tilespmem:s0+$0xD0];
	v30 =	vsub.f32 v13, v2;
	v14 =	vsub.f32 v14, v2  }
0x3a: {  	v18 =	vadd.s32 $0x40, v1;
	v13 =	vsub.f32 v19, v3;
	v25 =	vsub.f32 v20, v4  }
0x3b: {  	v19 =	vadd.s32 $0x50, v1;
	v27 =	vsub.f32 v21, v3;
	v22 =	vsub.f32 v22, v4  }
0x3c: {  	v10 =	vld [tilespmem:s0+$0x30];
	v20 =	vadd.s32 $0x60, v1;
	v23 =	vsub.f32 v23, v3;
	v24 =	vsub.f32 v24, v4  }
0x3d: {  	v11 =	vld [tilespmem:s0+$0xB0];
	v21 =	vadd.s32 $0x70, v1;
	v47 =	vsub.f32 v28, v3;
	v34 =	vmul.f32 v7, v7  }
0x3e: {  	v12 =	vld [tilespmem:s0+$0x40];
	v48 =	vsub.f32 v29, v4;
	v36 =	vmul.f32 v8, v8;
	v35 =	vmul.f32 v9, v9  }
0x3f: {  	v26 =	vld [tilespmem:s0+$0xC0];
	v29 =	vimm.s32 $0x0;
	v37 =	vmul.f32 v13, v13;
	v38 =	vmul.f32 v25, v25  }
0x40: {  	v28 =	vimm.s32 $0x0;
	v39 =	vmul.f32 v27, v27;
	v40 =	vmul.f32 v22, v22  }
0x41: {  	v9 =	vld [tilespmem:s0+$0xE0];
	v41 =	vmul.f32 v23, v23;
	v42 =	vmul.f32 v24, v24;
	v13 =	vimm.f32 $3.402823470e+38  }
0x42: {  	v23 =	vimm.s32 $0x0;
	v24 =	vimm.s32 $0x0;
	v7 =	vsub.f32 v10, v3  }
0x43: {  	v25 =	vimm.s32 $0x0;
	v10 =	vsub.f32 v11, v4;
	v11 =	vld [tilespmem:s0+$0x60];
	v8 =	vsub.f32 v12, v3  }
0x44: {  	v50 =	vld [tilespmem:s0+$0x70];
	v27 =	vimm.s32 $0x0;
	v12 =	vsub.f32 v26, v4;
	v44 =	vmul.f32 v7, v7  }
0x45: {  	v51 =	vld [tilespmem:s0+$0xF0];
	v26 =	vimm.s32 $0x0;
	v46 =	vmul.f32 v10, v10;
	v43 =	vmul.f32 v8, v8  }
0x46: {  	v45 =	vmul.f32 v12, v12;
	v52 =	vsub.f32 v9, v4;
	v7 =	vimm.f32 $3.402823470e+38  }
0x47: {  	v8 =	vimm.f32 $3.402823470e+38;
	v9 =	vimm.f32 $3.402823470e+38;
	v10 =	vimm.f32 $3.402823470e+38  }
0x48: {  	s31 =	simm.s32 $0x800;
	v22 =	vmovc v1;
	v12 =	vimm.f32 $3.402823470e+38;
	v49 =	vsub.f32 v11, v3;
	v11 =	vimm.f32 $3.402823470e+38  }
.LBB2_2:
0x49: {  	p3 =	sne.s32 s31, $0x1E000;
	v47 =	vmul.f32 v47, v47;
	v48 =	vmul.f32 v48, v48;
	v50 =	vsub.f32 v50, v3  }
0x4a: {  	v49 =	vmul.f32 v49, v49;
	v52 =	vmul.f32 v52, v52;
	v51 =	vsub.f32 v51, v4  }
0x4b: {  	v37 =	vadd.f32 v38, v37;
	v38 =	vadd.f32 v40, v39;
	v39 =	vmul.f32 v50, v50  }
0x4c: {  	v40 =	vadd.f32 v42, v41;
	v41 =	vadd.f32 v46, v44;
	v42 =	vmul.f32 v51, v51  }
0x4d: {  	s0 =	sshra.s32 s31, $0x2;
	v33 =	vmul.f32 v33, v33;
	v43 =	vadd.f32 v45, v43;
	v44 =	vadd.f32 v48, v47  }
0x4e: {  	v32 =	vmul.f32 v32, v32;
	v46 =	vadd.f32 v52, v49;
	v45 =	vld [tilespmem:s0+$0x100];
	v39 =	vadd.f32 v42, v39  }
0x4f: {  	v31 =	vmul.f32 v31, v31;
	v34 =	vadd.f32 v34, v37;
	v36 =	vadd.f32 v36, v38;
	v42 =	vld [tilespmem:s0+$0x110]  }
0x50: {  	v30 =	vmul.f32 v30, v30;
	v35 =	vadd.f32 v35, v40;
	v33 =	vadd.f32 v33, v41;
	v37 =	vld [tilespmem:s0+$0x120]  }
0x51: {  	v14 =	vmul.f32 v14, v14;
	v32 =	vadd.f32 v32, v43;
	v31 =	vadd.f32 v31, v44;
	v38 =	vld [tilespmem:s0+$0x130]  }
0x52: {  	vm0 =	vlt.f32 v34, v6;
	vm1 =	vlt.f32 v36, v7;
	v30 =	vadd.f32 v30, v46;
	v40 =	vld [tilespmem:s0+$0x140]  }
0x53: {  	v6 =	vsel vm0, v34, v6;
	v7 =	vsel vm1, v36, v7;
	v14 =	vadd.f32 v14, v39;
	v41 =	vld [tilespmem:s0+$0x150]  }
0x54: {  	vm2 =	vlt.f32 v35, v8;
	vm3 =	vlt.f32 v33, v9;
	vm4 =	vlt.f32 v32, v10;
	v34 =	vld [tilespmem:s0+$0x160]  }
0x55: {  	v8 =	vsel vm2, v35, v8;
	v9 =	vsel vm3, v33, v9;
	v10 =	vsel vm4, v32, v10;
	v36 =	vld [tilespmem:s0+$0x170]  }
0x56: {  	vm5 =	vlt.f32 v31, v11;
	vm6 =	vlt.f32 v30, v12;
	vm7 =	vlt.f32 v14, v13;
	v35 =	vld [tilespmem:s0+$0x0]  }
0x57: {  	v11 =	vsel vm5, v31, v11;
	v12 =	vsel vm6, v30, v12;
	v13 =	vsel vm7, v14, v13;
	v39 =	vld [tilespmem:s0+$0x80]  }
0x58: {  	v5 =	vsel vm0, v22, v5;
	v23 =	vsel vm1, v15, v23;
	v26 =	vsel vm2, v16, v26;
	v43 =	vld [tilespmem:s0+$0x10]  }
0x59: {  	v24 =	vsel vm3, v17, v24;
	v25 =	vsel vm4, v18, v25;
	v29 =	vsel vm5, v19, v29;
	v44 =	vld [tilespmem:s0+$0x90]  }
0x5a: {  	v22 =	vadd.s32 $0x80, v22;
	v27 =	vsel vm6, v20, v27;
	v28 =	vsel vm7, v21, v28;
	v46 =	vld [tilespmem:s0+$0x20]  }
0x5b: {  	v15 =	vadd.s32 $0x10, v22;
	v45 =	vsub.f32 v45, v2;
	v42 =	vsub.f32 v42, v2;
	v21 =	vld [tilespmem:s0+$0xA0]  }
0x5c: {  	v16 =	vadd.s32 $0x20, v22;
	v37 =	vsub.f32 v37, v2;
	v33 =	vsub.f32 v38, v2;
	v47 =	vld [tilespmem:s0+$0x30]  }
0x5d: {  	v17 =	vadd.s32 $0x30, v22;
	v32 =	vsub.f32 v40, v2;
	v31 =	vsub.f32 v41, v2;
	v38 =	vld [tilespmem:s0+$0xB0]  }
0x5e: {  	v18 =	vadd.s32 $0x40, v22;
	v30 =	vsub.f32 v34, v2;
	v14 =	vsub.f32 v36, v2;
	v40 =	vld [tilespmem:s0+$0x40]  }
0x5f: {  	v19 =	vadd.s32 $0x50, v22;
	v41 =	vsub.f32 v35, v3;
	v39 =	vsub.f32 v39, v4;
	v48 =	vld [tilespmem:s0+$0xC0]  }
0x60: {  	v20 =	vadd.s32 $0x60, v22;
	v43 =	vsub.f32 v43, v3;
	v44 =	vsub.f32 v44, v4;
	v49 =	vld [tilespmem:s0+$0x50]  }
0x61: {  	v46 =	vsub.f32 v46, v3;
	v52 =	vsub.f32 v21, v4;
	v21 =	vadd.s32 $0x70, v22;
	v53 =	vld [tilespmem:s0+$0xD0]  }
0x62: {  	v34 =	vmul.f32 v45, v45;
	v45 =	vsub.f32 v47, v3;
	v54 =	vsub.f32 v38, v4;
	v55 =	vld [tilespmem:s0+$0x60]  }
0x63: {  	v36 =	vmul.f32 v42, v42;
	v35 =	vmul.f32 v37, v37;
	v56 =	vsub.f32 v40, v3;
	v57 =	vld [tilespmem:s0+$0xE0]  }
.Ltmp2:
0x64: {  	v37 =	vmul.f32 v41, v41;
	v38 =	vmul.f32 v39, v39;
	v58 =	vsub.f32 v48, v4;
	v50 =	vld [tilespmem:s0+$0x70];
	(pc) =	sbr.rel @p3 .LBB2_2-.Ltmp2, $4  }
0x65: {  	v39 =	vmul.f32 v43, v43;
	v40 =	vmul.f32 v44, v44;
	v47 =	vsub.f32 v49, v3;
	v51 =	vld [tilespmem:s0+$0xF0]  }
0x66: {  	v41 =	vmul.f32 v46, v46;
	v42 =	vmul.f32 v52, v52;
	v48 =	vsub.f32 v53, v4  }
0x67: {  	v44 =	vmul.f32 v45, v45;
	v46 =	vmul.f32 v54, v54;
	v49 =	vsub.f32 v55, v3  }
0x68: {  	s31 =	sadd.s32 $0x800, s31;
	v43 =	vmul.f32 v56, v56;
	v45 =	vmul.f32 v58, v58;
	v52 =	vsub.f32 v57, v4  }
0x69: {  	v47 =	vmul.f32 v47, v47;
	v48 =	vmul.f32 v48, v48;
	v50 =	vsub.f32 v50, v3  }
0x6a: {  	v49 =	vmul.f32 v49, v49;
	v37 =	vadd.f32 v38, v37;
	v53 =	vadd.f32 v40, v39;
	_ =	swait.ge [sflag:s22], $0x7A00  }
0x6b: {  	v55 =	vadd.f32 v42, v41;
	v33 =	vmul.f32 v33, v33;
	v32 =	vmul.f32 v32, v32;
	[sflag:s22] =	ssyncset.done $0x0  }
0x6c: {  	v56 =	vadd.f32 v46, v44;
	s0 =	simm.s32 $0x0;
	v31 =	vmul.f32 v31, v31;
	v30 =	vmul.f32 v30, v30;
	[sflag:s22] =	ssyncadd.s32 $0xFFFF8600  }
0x6d: {  	v14 =	vmul.f32 v14, v14;
	v51 =	vsub.f32 v51, v4;
	v43 =	vadd.f32 v45, v43;
	v60 =	vld [tilespmem:s0+$0x7B00]  }
0x6e: {  	v52 =	vmul.f32 v52, v52;
	v58 =	vadd.f32 v48, v47;
	v34 =	vadd.f32 v34, v37;
	v61 =	vld [tilespmem:s0+$0x7B10]  }
0x6f: {  	v54 =	vmul.f32 v50, v50;
	v36 =	vadd.f32 v36, v53;
	v35 =	vadd.f32 v35, v55;
	v62 =	vld [tilespmem:s0+$0x7B20]  }
0x70: {  	v33 =	vadd.f32 v33, v56;
	v57 =	vmul.f32 v51, v51;
	v59 =	vadd.f32 v52, v49;
	v63 =	vld [tilespmem:s0+$0x7B30]  }
0x71: {  	v32 =	vadd.f32 v32, v43;
	v48 =	vld [tilespmem:s0+$0x7B40];
	v31 =	vadd.f32 v31, v58;
	vm0 =	vlt.f32 v34, v6  }
0x72: {  	v49 =	vld [tilespmem:s0+$0x7B50];
	vm1 =	vlt.f32 v36, v7;
	vm2 =	vlt.f32 v35, v8;
	vm3 =	vlt.f32 v33, v9  }
0x73: {  	v50 =	vld [tilespmem:s0+$0x7B60];
	v39 =	vadd.f32 v57, v54;
	v30 =	vadd.f32 v30, v59;
	v6 =	vsel vm0, v34, v6  }
0x74: {  	v52 =	vld [tilespmem:s0+$0x7A00];
	v7 =	vsel vm1, v36, v7;
	vm4 =	vlt.f32 v32, v10;
	v8 =	vsel vm2, v35, v8  }
0x75: {  	v53 =	vld [tilespmem:s0+$0x7A80];
	v9 =	vsel vm3, v33, v9;
	v15 =	vsel vm1, v15, v23;
	v16 =	vsel vm2, v16, v26  }
0x76: {  	v55 =	vld [tilespmem:s0+$0x7A20];
	v17 =	vsel vm3, v17, v24;
	v10 =	vsel vm4, v32, v10;
	vm5 =	vlt.f32 v31, v11  }
0x77: {  	v56 =	vld [tilespmem:s0+$0x7AA0];
	v18 =	vsel vm4, v18, v25;
	v14 =	vadd.f32 v14, v39;
	vm6 =	vlt.f32 v30, v12  }
0x78: {  	v58 =	vld [tilespmem:s0+$0x7AB0];
	v11 =	vsel vm5, v31, v11;
	v42 =	vsub.f32 v60, v2;
	v37 =	vsub.f32 v61, v2  }
0x79: {  	v51 =	vld [tilespmem:s0+$0x7B70];
	v19 =	vsel vm5, v19, v29;
	v38 =	vsub.f32 v62, v2;
	v33 =	vsub.f32 v63, v2  }
0x7a: {  	v54 =	vld [tilespmem:s0+$0x7A10];
	v12 =	vsel vm6, v30, v12;
	v32 =	vsub.f32 v48, v2;
	v31 =	vsub.f32 v49, v2  }
0x7b: {  	v57 =	vld [tilespmem:s0+$0x7A30];
	v20 =	vsel vm6, v20, v27;
	v30 =	vsub.f32 v50, v2;
	v39 =	vsub.f32 v52, v3  }
0x7c: {  	v59 =	vld [tilespmem:s0+$0x7A40];
	v43 =	vsub.f32 v53, v4;
	v45 =	vsub.f32 v55, v3;
	vm7 =	vlt.f32 v14, v13  }
0x7d: {  	v46 =	vsub.f32 v56, v4;
	v53 =	vsub.f32 v58, v4;
	v13 =	vsel vm7, v14, v13  }
0x7e: {  	v29 =	vld [tilespmem:s0+$0x7A90];
	v14 =	vsel vm0, v22, v5;
	v21 =	vsel vm7, v21, v28;
	v5 =	vadd.s32 $0x80, v22  }
0x7f: {  	v48 =	vld [tilespmem:s0+$0x7AC0];
	v22 =	vsub.f32 v51, v2;
	v44 =	vsub.f32 v54, v3;
	v34 =	vmul.f32 v42, v42  }
0x80: {  	v61 =	vld [tilespmem:s0+$0x7A50];
	v63 =	vsub.f32 v57, v3;
	v36 =	vmul.f32 v37, v37;
	v35 =	vmul.f32 v38, v38  }
0x81: {  	v62 =	vld [tilespmem:s0+$0x7AD0];
	v55 =	vsub.f32 v59, v3;
	v37 =	vmul.f32 v39, v39;
	v38 =	vmul.f32 v43, v43  }
0x82: {  	v56 =	vld [tilespmem:s0+$0x7AE0];
	v41 =	vmul.f32 v45, v45;
	v42 =	vmul.f32 v46, v46;
	v23 =	vadd.s32 $0x10, v5  }
0x83: {  	v54 =	vld [tilespmem:s0+$0x7A60];
	v24 =	vadd.s32 $0x20, v5;
	v25 =	vadd.s32 $0x30, v5;
	v26 =	vadd.s32 $0x40, v5  }
0x84: {  	v47 =	vld [tilespmem:s0+$0x7A70];
	v27 =	vadd.s32 $0x50, v5;
	v28 =	vadd.s32 $0x60, v5;
	v46 =	vmul.f32 v53, v53  }
0x85: {  	v60 =	vsub.f32 v29, v4;
	v29 =	vadd.s32 $0x70, v5;
	v57 =	vsub.f32 v48, v4;
	v48 =	vld [tilespmem:s0+$0x7AF0]  }
0x86: {  	v39 =	vmul.f32 v44, v44;
	v44 =	vmul.f32 v63, v63;
	v49 =	vsub.f32 v61, v3  }
0x87: {  	v43 =	vmul.f32 v55, v55;
	v50 =	vsub.f32 v62, v4;
	v52 =	vsub.f32 v56, v4  }
0x88: {  	s31 =	simm.s32 $0x800;
	v40 =	vmul.f32 v60, v60;
	v51 =	vsub.f32 v54, v3;
	v45 =	vmul.f32 v57, v57  }
.LBB2_4:
0x89: {  	p3 =	sne.s32 s31, $0x1E000;
	v49 =	vmul.f32 v49, v49;
	v50 =	vmul.f32 v50, v50;
	v47 =	vsub.f32 v47, v3  }
0x8a: {  	v51 =	vmul.f32 v51, v51;
	v52 =	vmul.f32 v52, v52;
	v48 =	vsub.f32 v48, v4  }
0x8b: {  	v37 =	vadd.f32 v38, v37;
	v38 =	vadd.f32 v40, v39;
	v39 =	vmul.f32 v47, v47  }
0x8c: {  	v40 =	vadd.f32 v42, v41;
	v41 =	vadd.f32 v46, v44;
	v42 =	vmul.f32 v48, v48  }
0x8d: {  	s0 =	sshra.s32 s31, $0x2;
	v33 =	vmul.f32 v33, v33;
	v43 =	vadd.f32 v45, v43;
	v44 =	vadd.f32 v50, v49  }
0x8e: {  	v32 =	vmul.f32 v32, v32;
	v46 =	vadd.f32 v52, v51;
	v45 =	vld [tilespmem:s0+$0x7B00];
	v39 =	vadd.f32 v42, v39  }
0x8f: {  	v31 =	vmul.f32 v31, v31;
	v34 =	vadd.f32 v34, v37;
	v36 =	vadd.f32 v36, v38;
	v42 =	vld [tilespmem:s0+$0x7B10]  }
0x90: {  	v30 =	vmul.f32 v30, v30;
	v35 =	vadd.f32 v35, v40;
	v33 =	vadd.f32 v33, v41;
	v37 =	vld [tilespmem:s0+$0x7B20]  }
0x91: {  	v22 =	vmul.f32 v22, v22;
	v32 =	vadd.f32 v32, v43;
	v31 =	vadd.f32 v31, v44;
	v38 =	vld [tilespmem:s0+$0x7B30]  }
0x92: {  	vm0 =	vlt.f32 v34, v6;
	vm1 =	vlt.f32 v36, v7;
	v30 =	vadd.f32 v30, v46;
	v40 =	vld [tilespmem:s0+$0x7B40]  }
0x93: {  	v6 =	vsel vm0, v34, v6;
	v7 =	vsel vm1, v36, v7;
	v22 =	vadd.f32 v22, v39;
	v41 =	vld [tilespmem:s0+$0x7B50]  }
0x94: {  	vm2 =	vlt.f32 v35, v8;
	vm3 =	vlt.f32 v33, v9;
	vm4 =	vlt.f32 v32, v10;
	v34 =	vld [tilespmem:s0+$0x7B60]  }
0x95: {  	v8 =	vsel vm2, v35, v8;
	v9 =	vsel vm3, v33, v9;
	v10 =	vsel vm4, v32, v10;
	v36 =	vld [tilespmem:s0+$0x7B70]  }
0x96: {  	vm5 =	vlt.f32 v31, v11;
	vm6 =	vlt.f32 v30, v12;
	vm7 =	vlt.f32 v22, v13;
	v35 =	vld [tilespmem:s0+$0x7A00]  }
0x97: {  	v11 =	vsel vm5, v31, v11;
	v12 =	vsel vm6, v30, v12;
	v13 =	vsel vm7, v22, v13;
	v39 =	vld [tilespmem:s0+$0x7A80]  }
0x98: {  	v14 =	vsel vm0, v5, v14;
	v15 =	vsel vm1, v23, v15;
	v16 =	vsel vm2, v24, v16;
	v43 =	vld [tilespmem:s0+$0x7A10]  }
0x99: {  	v17 =	vsel vm3, v25, v17;
	v18 =	vsel vm4, v26, v18;
	v19 =	vsel vm5, v27, v19;
	v44 =	vld [tilespmem:s0+$0x7A90]  }
0x9a: {  	v5 =	vadd.s32 $0x80, v5;
	v20 =	vsel vm6, v28, v20;
	v21 =	vsel vm7, v29, v21;
	v46 =	vld [tilespmem:s0+$0x7A20]  }
0x9b: {  	v23 =	vadd.s32 $0x10, v5;
	v45 =	vsub.f32 v45, v2;
	v42 =	vsub.f32 v42, v2;
	v29 =	vld [tilespmem:s0+$0x7AA0]  }
0x9c: {  	v24 =	vadd.s32 $0x20, v5;
	v37 =	vsub.f32 v37, v2;
	v33 =	vsub.f32 v38, v2;
	v47 =	vld [tilespmem:s0+$0x7A30]  }
0x9d: {  	v25 =	vadd.s32 $0x30, v5;
	v32 =	vsub.f32 v40, v2;
	v31 =	vsub.f32 v41, v2;
	v38 =	vld [tilespmem:s0+$0x7AB0]  }
0x9e: {  	v26 =	vadd.s32 $0x40, v5;
	v30 =	vsub.f32 v34, v2;
	v22 =	vsub.f32 v36, v2;
	v40 =	vld [tilespmem:s0+$0x7A40]  }
0x9f: {  	v27 =	vadd.s32 $0x50, v5;
	v41 =	vsub.f32 v35, v3;
	v39 =	vsub.f32 v39, v4;
	v48 =	vld [tilespmem:s0+$0x7AC0]  }
0xa0: {  	v28 =	vadd.s32 $0x60, v5;
	v43 =	vsub.f32 v43, v3;
	v44 =	vsub.f32 v44, v4;
	v49 =	vld [tilespmem:s0+$0x7A50]  }
0xa1: {  	v46 =	vsub.f32 v46, v3;
	v50 =	vsub.f32 v29, v4;
	v29 =	vadd.s32 $0x70, v5;
	v51 =	vld [tilespmem:s0+$0x7AD0]  }
0xa2: {  	v34 =	vmul.f32 v45, v45;
	v45 =	vsub.f32 v47, v3;
	v52 =	vsub.f32 v38, v4;
	v53 =	vld [tilespmem:s0+$0x7A60]  }
0xa3: {  	v36 =	vmul.f32 v42, v42;
	v35 =	vmul.f32 v37, v37;
	v54 =	vsub.f32 v40, v3;
	v55 =	vld [tilespmem:s0+$0x7AE0]  }
.Ltmp3:
0xa4: {  	v37 =	vmul.f32 v41, v41;
	v38 =	vmul.f32 v39, v39;
	v56 =	vsub.f32 v48, v4;
	v47 =	vld [tilespmem:s0+$0x7A70];
	(pc) =	sbr.rel @p3 .LBB2_4-.Ltmp3, $4  }
0xa5: {  	v39 =	vmul.f32 v43, v43;
	v40 =	vmul.f32 v44, v44;
	v49 =	vsub.f32 v49, v3;
	v48 =	vld [tilespmem:s0+$0x7AF0]  }
0xa6: {  	v41 =	vmul.f32 v46, v46;
	v42 =	vmul.f32 v50, v50;
	v50 =	vsub.f32 v51, v4  }
0xa7: {  	v44 =	vmul.f32 v45, v45;
	v46 =	vmul.f32 v52, v52;
	v51 =	vsub.f32 v53, v3  }
0xa8: {  	s31 =	sadd.s32 $0x800, s31;
	v43 =	vmul.f32 v54, v54;
	v45 =	vmul.f32 v56, v56;
	v52 =	vsub.f32 v55, v4  }
0xa9: {  	v49 =	vmul.f32 v49, v49;
	v50 =	vmul.f32 v50, v50;
	v47 =	vsub.f32 v47, v3  }
0xaa: {  	v51 =	vmul.f32 v51, v51;
	v37 =	vadd.f32 v38, v37;
	v53 =	vadd.f32 v40, v39;
	_ =	swait.ge [sflag:s23], $0x7A00  }
0xab: {  	v55 =	vadd.f32 v42, v41;
	v33 =	vmul.f32 v33, v33;
	v32 =	vmul.f32 v32, v32;
	[sflag:s23] =	ssyncset.done $0x0  }
0xac: {  	v56 =	vadd.f32 v46, v44;
	s0 =	simm.s32 $0x0;
	v31 =	vmul.f32 v31, v31;
	v30 =	vmul.f32 v30, v30;
	[sflag:s23] =	ssyncadd.s32 $0xFFFF8600  }
0xad: {  	v22 =	vmul.f32 v22, v22;
	v48 =	vsub.f32 v48, v4;
	v43 =	vadd.f32 v45, v43;
	v60 =	vld [tilespmem:s0+$0xF500]  }
0xae: {  	v52 =	vmul.f32 v52, v52;
	v58 =	vadd.f32 v50, v49;
	v34 =	vadd.f32 v34, v37;
	v61 =	vld [tilespmem:s0+$0xF510]  }
0xaf: {  	v54 =	vmul.f32 v47, v47;
	v36 =	vadd.f32 v36, v53;
	v35 =	vadd.f32 v35, v55;
	v62 =	vld [tilespmem:s0+$0xF520]  }
0xb0: {  	v33 =	vadd.f32 v33, v56;
	v57 =	vmul.f32 v48, v48;
	v59 =	vadd.f32 v52, v51;
	v63 =	vld [tilespmem:s0+$0xF530]  }
0xb1: {  	v32 =	vadd.f32 v32, v43;
	v48 =	vld [tilespmem:s0+$0xF540];
	v31 =	vadd.f32 v31, v58;
	vm0 =	vlt.f32 v34, v6  }
0xb2: {  	v49 =	vld [tilespmem:s0+$0xF550];
	vm1 =	vlt.f32 v36, v7;
	vm2 =	vlt.f32 v35, v8;
	vm3 =	vlt.f32 v33, v9  }
0xb3: {  	v50 =	vld [tilespmem:s0+$0xF560];
	v39 =	vadd.f32 v57, v54;
	v30 =	vadd.f32 v30, v59;
	v6 =	vsel vm0, v34, v6  }
0xb4: {  	v52 =	vld [tilespmem:s0+$0xF400];
	v7 =	vsel vm1, v36, v7;
	vm4 =	vlt.f32 v32, v10;
	v8 =	vsel vm2, v35, v8  }
0xb5: {  	v53 =	vld [tilespmem:s0+$0xF410];
	v9 =	vsel vm3, v33, v9;
	v15 =	vsel vm1, v23, v15;
	v16 =	vsel vm2, v24, v16  }
0xb6: {  	v55 =	vld [tilespmem:s0+$0xF420];
	v17 =	vsel vm3, v25, v17;
	v10 =	vsel vm4, v32, v10;
	vm5 =	vlt.f32 v31, v11  }
0xb7: {  	v56 =	vld [tilespmem:s0+$0xF4A0];
	v18 =	vsel vm4, v26, v18;
	v22 =	vadd.f32 v22, v39;
	vm6 =	vlt.f32 v30, v12  }
0xb8: {  	v58 =	vld [tilespmem:s0+$0xF4B0];
	v11 =	vsel vm5, v31, v11;
	v42 =	vsub.f32 v60, v2;
	v37 =	vsub.f32 v61, v2  }
0xb9: {  	v51 =	vld [tilespmem:s0+$0xF570];
	v19 =	vsel vm5, v27, v19;
	v38 =	vsub.f32 v62, v2;
	v26 =	vsub.f32 v63, v2  }
0xba: {  	v54 =	vld [tilespmem:s0+$0xF490];
	v12 =	vsel vm6, v30, v12;
	v25 =	vsub.f32 v48, v2;
	v24 =	vsub.f32 v49, v2  }
0xbb: {  	v57 =	vld [tilespmem:s0+$0xF430];
	v20 =	vsel vm6, v28, v20;
	v23 =	vsub.f32 v50, v2;
	v46 =	vsub.f32 v52, v3  }
0xbc: {  	v59 =	vld [tilespmem:s0+$0xF440];
	v60 =	vsub.f32 v53, v3;
	v43 =	vsub.f32 v55, v3;
	vm7 =	vlt.f32 v22, v13  }
0xbd: {  	v31 =	vld [tilespmem:s0+$0xF480];
	v44 =	vsub.f32 v56, v4;
	v53 =	vsub.f32 v58, v4;
	v13 =	vsel vm7, v22, v13  }
0xbe: {  	v22 =	vsel vm0, v5, v14;
	v21 =	vsel vm7, v29, v21;
	v14 =	vadd.s32 $0x80, v5  }
0xbf: {  	v48 =	vld [tilespmem:s0+$0xF4C0];
	v5 =	vsub.f32 v51, v2;
	v61 =	vsub.f32 v54, v4;
	v34 =	vmul.f32 v42, v42  }
0xc0: {  	v62 =	vld [tilespmem:s0+$0xF450];
	v45 =	vsub.f32 v57, v3;
	v36 =	vmul.f32 v37, v37;
	v35 =	vmul.f32 v38, v38  }
0xc1: {  	v63 =	vld [tilespmem:s0+$0xF4D0];
	v55 =	vsub.f32 v59, v3;
	v37 =	vmul.f32 v46, v46;
	v39 =	vmul.f32 v60, v60  }
0xc2: {  	v56 =	vld [tilespmem:s0+$0xF4E0];
	v41 =	vmul.f32 v43, v43;
	v42 =	vmul.f32 v44, v44;
	v47 =	vsub.f32 v31, v4  }
0xc3: {  	v54 =	vld [tilespmem:s0+$0xF460];
	v27 =	vadd.s32 $0x10, v14;
	v28 =	vadd.s32 $0x20, v14;
	v29 =	vadd.s32 $0x30, v14  }
0xc4: {  	v30 =	vadd.s32 $0x40, v14;
	v32 =	vadd.s32 $0x60, v14;
	v38 =	vmul.f32 v47, v47;
	v47 =	vld [tilespmem:s0+$0xF470]  }
0xc5: {  	v33 =	vadd.s32 $0x70, v14;
	v46 =	vmul.f32 v53, v53;
	v57 =	vsub.f32 v48, v4;
	v48 =	vld [tilespmem:s0+$0xF4F0]  }
0xc6: {  	v31 =	vadd.s32 $0x50, v14;
	v40 =	vmul.f32 v61, v61;
	v44 =	vmul.f32 v45, v45  }
0xc7: {  	v43 =	vmul.f32 v55, v55;
	v49 =	vsub.f32 v62, v3;
	v50 =	vsub.f32 v63, v4  }
0xc8: {  	s31 =	simm.s32 $0x800;
	v52 =	vsub.f32 v56, v4;
	v51 =	vsub.f32 v54, v3;
	v45 =	vmul.f32 v57, v57  }
.LBB2_6:
0xc9: {  	p3 =	sne.s32 s31, $0x1E000;
	v49 =	vmul.f32 v49, v49;
	v50 =	vmul.f32 v50, v50;
	v47 =	vsub.f32 v47, v3  }
0xca: {  	v51 =	vmul.f32 v51, v51;
	v52 =	vmul.f32 v52, v52;
	v48 =	vsub.f32 v48, v4  }
0xcb: {  	v37 =	vadd.f32 v38, v37;
	v38 =	vadd.f32 v40, v39;
	v39 =	vmul.f32 v47, v47  }
0xcc: {  	v40 =	vadd.f32 v42, v41;
	v41 =	vadd.f32 v46, v44;
	v42 =	vmul.f32 v48, v48  }
0xcd: {  	s0 =	sshra.s32 s31, $0x2;
	v26 =	vmul.f32 v26, v26;
	v43 =	vadd.f32 v45, v43;
	v44 =	vadd.f32 v50, v49  }
0xce: {  	v25 =	vmul.f32 v25, v25;
	v46 =	vadd.f32 v52, v51;
	v45 =	vld [tilespmem:s0+$0xF500];
	v39 =	vadd.f32 v42, v39  }
0xcf: {  	v24 =	vmul.f32 v24, v24;
	v34 =	vadd.f32 v34, v37;
	v36 =	vadd.f32 v36, v38;
	v42 =	vld [tilespmem:s0+$0xF510]  }
0xd0: {  	v23 =	vmul.f32 v23, v23;
	v35 =	vadd.f32 v35, v40;
	v26 =	vadd.f32 v26, v41;
	v37 =	vld [tilespmem:s0+$0xF520]  }
0xd1: {  	v5 =	vmul.f32 v5, v5;
	v25 =	vadd.f32 v25, v43;
	v24 =	vadd.f32 v24, v44;
	v38 =	vld [tilespmem:s0+$0xF530]  }
0xd2: {  	vm0 =	vlt.f32 v34, v6;
	vm1 =	vlt.f32 v36, v7;
	v23 =	vadd.f32 v23, v46;
	v40 =	vld [tilespmem:s0+$0xF540]  }
0xd3: {  	v6 =	vsel vm0, v34, v6;
	v7 =	vsel vm1, v36, v7;
	v5 =	vadd.f32 v5, v39;
	v41 =	vld [tilespmem:s0+$0xF550]  }
0xd4: {  	vm2 =	vlt.f32 v35, v8;
	vm3 =	vlt.f32 v26, v9;
	vm4 =	vlt.f32 v25, v10;
	v34 =	vld [tilespmem:s0+$0xF560]  }
0xd5: {  	v8 =	vsel vm2, v35, v8;
	v9 =	vsel vm3, v26, v9;
	v10 =	vsel vm4, v25, v10;
	v36 =	vld [tilespmem:s0+$0xF570]  }
0xd6: {  	vm5 =	vlt.f32 v24, v11;
	vm6 =	vlt.f32 v23, v12;
	vm7 =	vlt.f32 v5, v13;
	v35 =	vld [tilespmem:s0+$0xF400]  }
0xd7: {  	v11 =	vsel vm5, v24, v11;
	v12 =	vsel vm6, v23, v12;
	v13 =	vsel vm7, v5, v13;
	v39 =	vld [tilespmem:s0+$0xF480]  }
0xd8: {  	v22 =	vsel vm0, v14, v22;
	v15 =	vsel vm1, v27, v15;
	v16 =	vsel vm2, v28, v16;
	v43 =	vld [tilespmem:s0+$0xF410]  }
0xd9: {  	v17 =	vsel vm3, v29, v17;
	v18 =	vsel vm4, v30, v18;
	v19 =	vsel vm5, v31, v19;
	v44 =	vld [tilespmem:s0+$0xF490]  }
0xda: {  	v14 =	vadd.s32 $0x80, v14;
	v20 =	vsel vm6, v32, v20;
	v21 =	vsel vm7, v33, v21;
	v46 =	vld [tilespmem:s0+$0xF420]  }
0xdb: {  	v27 =	vadd.s32 $0x10, v14;
	v45 =	vsub.f32 v45, v2;
	v42 =	vsub.f32 v42, v2;
	v33 =	vld [tilespmem:s0+$0xF4A0]  }
0xdc: {  	v28 =	vadd.s32 $0x20, v14;
	v37 =	vsub.f32 v37, v2;
	v26 =	vsub.f32 v38, v2;
	v47 =	vld [tilespmem:s0+$0xF430]  }
0xdd: {  	v29 =	vadd.s32 $0x30, v14;
	v25 =	vsub.f32 v40, v2;
	v24 =	vsub.f32 v41, v2;
	v38 =	vld [tilespmem:s0+$0xF4B0]  }
0xde: {  	v30 =	vadd.s32 $0x40, v14;
	v23 =	vsub.f32 v34, v2;
	v5 =	vsub.f32 v36, v2;
	v40 =	vld [tilespmem:s0+$0xF440]  }
0xdf: {  	v31 =	vadd.s32 $0x50, v14;
	v41 =	vsub.f32 v35, v3;
	v39 =	vsub.f32 v39, v4;
	v48 =	vld [tilespmem:s0+$0xF4C0]  }
0xe0: {  	v32 =	vadd.s32 $0x60, v14;
	v43 =	vsub.f32 v43, v3;
	v44 =	vsub.f32 v44, v4;
	v49 =	vld [tilespmem:s0+$0xF450]  }
0xe1: {  	v46 =	vsub.f32 v46, v3;
	v50 =	vsub.f32 v33, v4;
	v33 =	vadd.s32 $0x70, v14;
	v51 =	vld [tilespmem:s0+$0xF4D0]  }
0xe2: {  	v34 =	vmul.f32 v45, v45;
	v45 =	vsub.f32 v47, v3;
	v52 =	vsub.f32 v38, v4;
	v53 =	vld [tilespmem:s0+$0xF460]  }
0xe3: {  	v36 =	vmul.f32 v42, v42;
	v35 =	vmul.f32 v37, v37;
	v54 =	vsub.f32 v40, v3;
	v55 =	vld [tilespmem:s0+$0xF4E0]  }
.Ltmp4:
0xe4: {  	v37 =	vmul.f32 v41, v41;
	v38 =	vmul.f32 v39, v39;
	v56 =	vsub.f32 v48, v4;
	v47 =	vld [tilespmem:s0+$0xF470];
	(pc) =	sbr.rel @p3 .LBB2_6-.Ltmp4, $4  }
0xe5: {  	v39 =	vmul.f32 v43, v43;
	v40 =	vmul.f32 v44, v44;
	v49 =	vsub.f32 v49, v3;
	v48 =	vld [tilespmem:s0+$0xF4F0]  }
0xe6: {  	v41 =	vmul.f32 v46, v46;
	v42 =	vmul.f32 v50, v50;
	v50 =	vsub.f32 v51, v4  }
0xe7: {  	v44 =	vmul.f32 v45, v45;
	v46 =	vmul.f32 v52, v52;
	v51 =	vsub.f32 v53, v3  }
0xe8: {  	s31 =	sadd.s32 $0x800, s31;
	v43 =	vmul.f32 v54, v54;
	v45 =	vmul.f32 v56, v56;
	v52 =	vsub.f32 v55, v4  }
0xe9: {  	v49 =	vmul.f32 v49, v49;
	v50 =	vmul.f32 v50, v50;
	v47 =	vsub.f32 v47, v3  }
0xea: {  	v51 =	vmul.f32 v51, v51;
	v37 =	vadd.f32 v38, v37;
	v61 =	vadd.f32 v40, v39  }
0xeb: {  	_ =	swait.ge [sflag:s24], $0x7A00;
	v63 =	vadd.f32 v42, v41;
	v26 =	vmul.f32 v26, v26;
	v25 =	vmul.f32 v25, v25  }
0xec: {  	v53 =	vadd.f32 v46, v44;
	v24 =	vmul.f32 v24, v24;
	v23 =	vmul.f32 v23, v23;
	[sflag:s24] =	ssyncset.done $0x0  }
0xed: {  	s0 =	simm.s32 $0x0;
	v5 =	vmul.f32 v5, v5;
	v48 =	vsub.f32 v48, v4;
	v43 =	vadd.f32 v45, v43;
	[sflag:s24] =	ssyncadd.s32 $0xFFFF8600  }
0xee: {  	v52 =	vmul.f32 v52, v52;
	v55 =	vadd.f32 v50, v49;
	v34 =	vadd.f32 v34, v37;
	v57 =	vld [tilespmem:s0+$0x16F00]  }
0xef: {  	v62 =	vmul.f32 v47, v47;
	v36 =	vadd.f32 v36, v61;
	v35 =	vadd.f32 v35, v63;
	v58 =	vld [tilespmem:s0+$0x16F10]  }
0xf0: {  	v59 =	vadd.f32 v26, v53;
	v54 =	vmul.f32 v48, v48;
	v56 =	vadd.f32 v52, v51;
	v60 =	vld [tilespmem:s0+$0x16F20]  }
0xf1: {  	v61 =	vadd.f32 v25, v43;
	v63 =	vld [tilespmem:s0+$0x16F30];
	vm0 =	vlt.f32 v34, v6;
	vm1 =	vlt.f32 v36, v7  }
0xf2: {  	v48 =	vld [tilespmem:s0+$0x16F40];
	vm2 =	vlt.f32 v35, v8;
	vm3 =	vlt.f32 v59, v9;
	v39 =	vadd.f32 v54, v62  }
0xf3: {  	v49 =	vld [tilespmem:s0+$0x16F50];
	v62 =	vadd.f32 v24, v55;
	v45 =	vadd.f32 v23, v56;
	v25 =	vsel vm0, v34, v6  }
0xf4: {  	v50 =	vld [tilespmem:s0+$0x16F60];
	v26 =	vsel vm1, v36, v7;
	vm4 =	vlt.f32 v61, v10;
	v24 =	vsel vm2, v35, v8  }
0xf5: {  	v51 =	vld [tilespmem:s0+$0x16F70];
	v23 =	vsel vm3, v59, v9;
	v22 =	vsel vm0, v14, v22;
	v27 =	vsel vm1, v27, v15  }
0xf6: {  	v52 =	vld [tilespmem:s0+$0x16E00];
	v15 =	vsel vm2, v28, v16;
	v10 =	vsel vm4, v61, v10;
	vm5 =	vlt.f32 v62, v11  }
0xf7: {  	v53 =	vld [tilespmem:s0+$0x16E80];
	v5 =	vadd.f32 v5, v39;
	vm6 =	vlt.f32 v45, v12;
	v9 =	vsel vm5, v62, v11  }
0xf8: {  	v16 =	vld [tilespmem:s0+$0x16E10];
	v6 =	vsel vm6, v45, v12;
	v12 =	vsel vm4, v30, v18;
	v42 =	vsub.f32 v57, v2  }
0xf9: {  	v54 =	vld [tilespmem:s0+$0x16E90];
	v11 =	vsel vm5, v31, v19;
	v37 =	vsub.f32 v58, v2;
	v40 =	vsub.f32 v60, v2  }
0xfa: {  	v55 =	vld [tilespmem:s0+$0x16EA0];
	v8 =	vsel vm6, v32, v20;
	v32 =	vsub.f32 v48, v2;
	v31 =	vsub.f32 v49, v2  }
0xfb: {  	v56 =	vld [tilespmem:s0+$0x16E30];
	v30 =	vsub.f32 v50, v2;
	v38 =	vsub.f32 v52, v3;
	vm7 =	vlt.f32 v5, v13  }
0xfc: {  	v59 =	vld [tilespmem:s0+$0x16EC0];
	v39 =	vsub.f32 v53, v4;
	v5 =	vsel vm7, v5, v13;
	v13 =	vsel vm3, v29, v17  }
0xfd: {  	v57 =	vld [tilespmem:s0+$0x16EB0];
	v7 =	vsel vm7, v33, v21;
	v33 =	vsub.f32 v63, v2;
	v29 =	vsub.f32 v51, v2  }
0xfe: {  	v58 =	vld [tilespmem:s0+$0x16E40];
	v17 =	vadd.s32 $0x80, v14;
	v48 =	vsub.f32 v16, v3;
	v41 =	vsub.f32 v54, v4  }
0xff: {  	v60 =	vld [tilespmem:s0+$0x16E50];
	v43 =	vsub.f32 v55, v4;
	v35 =	vmul.f32 v42, v42;
	v36 =	vmul.f32 v37, v37  }
0x100: {  	v62 =	vld [tilespmem:s0+$0x16ED0];
	v45 =	vsub.f32 v56, v3;
	v34 =	vmul.f32 v40, v40;
	v37 =	vmul.f32 v38, v38  }
0x101: {  	v14 =	vld [tilespmem:s0+$0x16E20];
	v38 =	vmul.f32 v39, v39;
	v56 =	vsub.f32 v59, v4;
	v28 =	vadd.s32 $0x10, v17  }
0x102: {  	v53 =	vld [tilespmem:s0+$0x16E60];
	v21 =	vadd.s32 $0x20, v17;
	v20 =	vadd.s32 $0x30, v17;
	v18 =	vadd.s32 $0x40, v17  }
0x103: {  	v55 =	vld [tilespmem:s0+$0x16EE0];
	v19 =	vadd.s32 $0x50, v17;
	v16 =	vadd.s32 $0x60, v17;
	v39 =	vmul.f32 v48, v48  }
0x104: {  	v47 =	vld [tilespmem:s0+$0x16E70];
	v40 =	vmul.f32 v41, v41;
	v42 =	vmul.f32 v43, v43;
	v63 =	vsub.f32 v57, v4  }
0x105: {  	v44 =	vmul.f32 v45, v45;
	v48 =	vld [tilespmem:s0+$0x16EF0];
	v54 =	vsub.f32 v58, v3;
	v49 =	vsub.f32 v60, v3  }
0x106: {  	v45 =	vmul.f32 v56, v56;
	v50 =	vsub.f32 v62, v4;
	v61 =	vsub.f32 v14, v3  }
0x107: {  	v51 =	vsub.f32 v53, v3;
	v14 =	vadd.s32 $0x70, v17;
	v46 =	vmul.f32 v63, v63  }
0x108: {  	s31 =	simm.s32 $0x800;
	v43 =	vmul.f32 v54, v54;
	v52 =	vsub.f32 v55, v4;
	v41 =	vmul.f32 v61, v61  }
.LBB2_8:
0x109: {  	p3 =	sne.s32 s31, $0x1E000;
	v49 =	vmul.f32 v49, v49;
	v50 =	vmul.f32 v50, v50;
	v47 =	vsub.f32 v47, v3  }
0x10a: {  	v51 =	vmul.f32 v51, v51;
	v52 =	vmul.f32 v52, v52;
	v48 =	vsub.f32 v48, v4  }
0x10b: {  	v37 =	vadd.f32 v38, v37;
	v38 =	vadd.f32 v40, v39;
	v39 =	vmul.f32 v47, v47  }
0x10c: {  	v40 =	vadd.f32 v42, v41;
	v41 =	vadd.f32 v46, v44;
	v42 =	vmul.f32 v48, v48  }
0x10d: {  	s0 =	sshra.s32 s31, $0x2;
	v33 =	vmul.f32 v33, v33;
	v43 =	vadd.f32 v45, v43;
	v44 =	vadd.f32 v50, v49  }
0x10e: {  	v32 =	vmul.f32 v32, v32;
	v46 =	vadd.f32 v52, v51;
	v45 =	vld [tilespmem:s0+$0x16F00];
	v39 =	vadd.f32 v42, v39  }
0x10f: {  	v31 =	vmul.f32 v31, v31;
	v35 =	vadd.f32 v35, v37;
	v36 =	vadd.f32 v36, v38;
	v42 =	vld [tilespmem:s0+$0x16F10]  }
0x110: {  	v30 =	vmul.f32 v30, v30;
	v34 =	vadd.f32 v34, v40;
	v33 =	vadd.f32 v33, v41;
	v37 =	vld [tilespmem:s0+$0x16F20]  }
0x111: {  	v29 =	vmul.f32 v29, v29;
	v32 =	vadd.f32 v32, v43;
	v31 =	vadd.f32 v31, v44;
	v38 =	vld [tilespmem:s0+$0x16F30]  }
0x112: {  	vm0 =	vlt.f32 v35, v25;
	vm1 =	vlt.f32 v36, v26;
	v30 =	vadd.f32 v30, v46;
	v40 =	vld [tilespmem:s0+$0x16F40]  }
0x113: {  	v25 =	vsel vm0, v35, v25;
	v26 =	vsel vm1, v36, v26;
	v29 =	vadd.f32 v29, v39;
	v41 =	vld [tilespmem:s0+$0x16F50]  }
0x114: {  	vm2 =	vlt.f32 v34, v24;
	vm3 =	vlt.f32 v33, v23;
	vm4 =	vlt.f32 v32, v10;
	v35 =	vld [tilespmem:s0+$0x16F60]  }
0x115: {  	v24 =	vsel vm2, v34, v24;
	v23 =	vsel vm3, v33, v23;
	v10 =	vsel vm4, v32, v10;
	v36 =	vld [tilespmem:s0+$0x16F70]  }
0x116: {  	vm5 =	vlt.f32 v31, v9;
	vm6 =	vlt.f32 v30, v6;
	vm7 =	vlt.f32 v29, v5;
	v34 =	vld [tilespmem:s0+$0x16E00]  }
0x117: {  	v9 =	vsel vm5, v31, v9;
	v6 =	vsel vm6, v30, v6;
	v5 =	vsel vm7, v29, v5;
	v39 =	vld [tilespmem:s0+$0x16E80]  }
0x118: {  	v22 =	vsel vm0, v17, v22;
	v27 =	vsel vm1, v28, v27;
	v15 =	vsel vm2, v21, v15;
	v43 =	vld [tilespmem:s0+$0x16E10]  }
0x119: {  	v13 =	vsel vm3, v20, v13;
	v12 =	vsel vm4, v18, v12;
	v11 =	vsel vm5, v19, v11;
	v44 =	vld [tilespmem:s0+$0x16E90]  }
0x11a: {  	v17 =	vadd.s32 $0x80, v17;
	v8 =	vsel vm6, v16, v8;
	v7 =	vsel vm7, v14, v7;
	v46 =	vld [tilespmem:s0+$0x16E20]  }
0x11b: {  	v28 =	vadd.s32 $0x10, v17;
	v45 =	vsub.f32 v45, v2;
	v42 =	vsub.f32 v42, v2;
	v14 =	vld [tilespmem:s0+$0x16EA0]  }
0x11c: {  	v21 =	vadd.s32 $0x20, v17;
	v37 =	vsub.f32 v37, v2;
	v33 =	vsub.f32 v38, v2;
	v47 =	vld [tilespmem:s0+$0x16E30]  }
0x11d: {  	v20 =	vadd.s32 $0x30, v17;
	v32 =	vsub.f32 v40, v2;
	v31 =	vsub.f32 v41, v2;
	v38 =	vld [tilespmem:s0+$0x16EB0]  }
0x11e: {  	v18 =	vadd.s32 $0x40, v17;
	v30 =	vsub.f32 v35, v2;
	v29 =	vsub.f32 v36, v2;
	v40 =	vld [tilespmem:s0+$0x16E40]  }
0x11f: {  	v19 =	vadd.s32 $0x50, v17;
	v41 =	vsub.f32 v34, v3;
	v39 =	vsub.f32 v39, v4;
	v48 =	vld [tilespmem:s0+$0x16EC0]  }
0x120: {  	v16 =	vadd.s32 $0x60, v17;
	v43 =	vsub.f32 v43, v3;
	v44 =	vsub.f32 v44, v4;
	v49 =	vld [tilespmem:s0+$0x16E50]  }
0x121: {  	v46 =	vsub.f32 v46, v3;
	v50 =	vsub.f32 v14, v4;
	v14 =	vadd.s32 $0x70, v17;
	v51 =	vld [tilespmem:s0+$0x16ED0]  }
0x122: {  	v35 =	vmul.f32 v45, v45;
	v45 =	vsub.f32 v47, v3;
	v52 =	vsub.f32 v38, v4;
	v53 =	vld [tilespmem:s0+$0x16E60]  }
0x123: {  	v36 =	vmul.f32 v42, v42;
	v34 =	vmul.f32 v37, v37;
	v54 =	vsub.f32 v40, v3;
	v55 =	vld [tilespmem:s0+$0x16EE0]  }
.Ltmp5:
0x124: {  	v37 =	vmul.f32 v41, v41;
	v38 =	vmul.f32 v39, v39;
	v56 =	vsub.f32 v48, v4;
	v47 =	vld [tilespmem:s0+$0x16E70];
	(pc) =	sbr.rel @p3 .LBB2_8-.Ltmp5, $4  }
0x125: {  	v39 =	vmul.f32 v43, v43;
	v40 =	vmul.f32 v44, v44;
	v49 =	vsub.f32 v49, v3;
	v48 =	vld [tilespmem:s0+$0x16EF0]  }
0x126: {  	v41 =	vmul.f32 v46, v46;
	v42 =	vmul.f32 v50, v50;
	v50 =	vsub.f32 v51, v4  }
0x127: {  	v44 =	vmul.f32 v45, v45;
	v46 =	vmul.f32 v52, v52;
	v51 =	vsub.f32 v53, v3  }
0x128: {  	s31 =	sadd.s32 $0x800, s31;
	v43 =	vmul.f32 v54, v54;
	v45 =	vmul.f32 v56, v56;
	v52 =	vsub.f32 v55, v4  }
0x129: {  	v49 =	vmul.f32 v49, v49  }
0x12a: {  	v50 =	vmul.f32 v50, v50;
	v47 =	vsub.f32 v47, v3;
	v37 =	vadd.f32 v38, v37  }
0x12b: {  	v51 =	vmul.f32 v51, v51;
	v61 =	vadd.f32 v40, v39;
	v63 =	vadd.f32 v42, v41  }
0x12c: {  	v46 =	vadd.f32 v46, v44;
	v33 =	vmul.f32 v33, v33;
	v32 =	vmul.f32 v32, v32  }
0x12d: {  	v59 =	vmul.f32 v31, v31;
	v52 =	vmul.f32 v52, v52;
	v35 =	vadd.f32 v35, v37  }
0x12e: {  	v48 =	vsub.f32 v48, v4;
	v62 =	vmul.f32 v47, v47;
	v36 =	vadd.f32 v36, v61  }
0x12f: {  	v49 =	vadd.f32 v50, v49;
	v34 =	vadd.f32 v34, v63;
	vm0 =	vlt.f32 v35, v25  }
0x130: {  	v54 =	vadd.f32 v33, v46;
	vm1 =	vlt.f32 v36, v26;
	v25 =	vsel vm0, v35, v25  }
0x131: {  	v26 =	vsel vm1, v36, v26;
	v17 =	vsel vm0, v17, v22;
	v50 =	vsel vm1, v28, v27  }
0x132: {  	v61 =	vmul.f32 v30, v30;
	vm12 =	veq.f32 v26, v25;
	vm1 =	vlt.s32 v50, v17  }
0x133: {  	vm2 =	vlt.f32 v34, v24;
	vm3 =	vlt.f32 v26, v25;
	vm0 =	vmand vm12, vm1  }
0x134: {  	v47 =	vmul.f32 v48, v48;
	v24 =	vsel vm2, v34, v24;
	vm0 =	vmor vm3, vm0  }
0x135: {  	v15 =	vsel vm2, v21, v15;
	v55 =	vsel vm0, v26, v25;
	v17 =	vsel vm0, v50, v17  }
0x136: {  	v48 =	vadd.f32 v45, v43;
	vm13 =	veq.f32 v24, v55;
	vm14 =	vlt.s32 v15, v17  }
0x137: {  	vm15 =	vlt.f32 v54, v23;
	vm6 =	vlt.f32 v24, v55;
	vm0 =	vmand vm13, vm14  }
0x138: {  	v57 =	vadd.f32 v32, v48;
	v23 =	vsel vm15, v54, v23;
	vm0 =	vmor vm6, vm0  }
0x139: {  	v13 =	vsel vm15, v20, v13;
	v58 =	vsel vm0, v24, v55;
	v15 =	vsel vm0, v15, v17  }
0x13a: {  	v53 =	vadd.f32 v52, v51;
	vm7 =	veq.f32 v23, v58;
	vm8 =	vlt.s32 v13, v15  }
0x13b: {  	vm9 =	vlt.f32 v57, v10;
	vm10 =	vlt.f32 v23, v58;
	vm0 =	vmand vm7, vm8  }
0x13c: {  	v10 =	vsel vm9, v57, v10;
	v12 =	vsel vm9, v18, v12;
	vm0 =	vmor vm10, vm0  }
0x13d: {  	v17 =	vadd.f32 v59, v49;
	v60 =	vsel vm0, v23, v58;
	v13 =	vsel vm0, v13, v15  }
0x13e: {  	v56 =	vadd.f32 v47, v62;
	vm11 =	veq.f32 v10, v60;
	vm12 =	vlt.s32 v12, v13  }
0x13f: {  	vm13 =	vlt.f32 v17, v9;
	vm14 =	vlt.f32 v10, v60;
	vm0 =	vmand vm11, vm12  }
0x140: {  	v9 =	vsel vm13, v17, v9;
	v11 =	vsel vm13, v19, v11;
	vm0 =	vmor vm14, vm0  }
0x141: {  	v15 =	vadd.f32 v61, v53;
	v10 =	vsel vm0, v10, v60;
	v12 =	vsel vm0, v12, v13  }
0x142: {  	v62 =	vmul.f32 v29, v29;
	vm15 =	veq.f32 v9, v10;
	vm6 =	vlt.s32 v11, v12  }
0x143: {  	vm7 =	vlt.f32 v15, v6;
	vm8 =	vlt.f32 v9, v10;
	vm0 =	vmand vm15, vm6  }
0x144: {  	v6 =	vsel vm7, v15, v6;
	v8 =	vsel vm7, v16, v8;
	vm0 =	vmor vm8, vm0  }
0x145: {  	v13 =	vadd.f32 v62, v56;
	v9 =	vsel vm0, v9, v10;
	v63 =	vsel vm0, v11, v12  }
0x146: {  	vm9 =	veq.f32 v6, v9;
	vm10 =	vlt.s32 v8, v63  }
0x147: {  	vm11 =	vlt.f32 v13, v5;
	vm12 =	vlt.f32 v6, v9;
	vm0 =	vmand vm9, vm10  }
0x148: {  	v5 =	vsel vm11, v13, v5;
	vm0 =	vmor vm12, vm0  }
.Ltmp6:
0x149: {  	v7 =	vsel vm11, v14, v7;
	v6 =	vsel vm0, v6, v9;
	v8 =	vsel vm0, v8, v63;
	(pc) =	sbr.rel @p1 .LBB2_11-.Ltmp6, $4  }
0x14a: {  	vm13 =	veq.f32 v5, v6;
	vm14 =	vlt.s32 v7, v8  }
0x14b: {  	vm15 =	vlt.f32 v5, v6;
	vm0 =	vmand vm13, vm14  }
0x14c: {  	vm0 =	vmor vm15, vm0  }
0x14d: {  	v6 =	vsel vm0, v5, v6;
	v5 =	vsel vm0, v7, v8  }
0x14e: {  	[tilespmem:s1], [sflag:$0x1] =	stream.linear.gather [hbm4b:s2+s1], $0xA00, $0x38;
	[tilespmem:$0x1FB00] =	vst v63  }
0x14f: {  	_ =	swait.ge [sflag:s21], $0xA00  }
0x150: {  	[sflag:s21] =	ssyncset.done $0x0  }
0x151: {  	[sflag:s21] =	ssyncadd.s32 $0xFFFFF600  }
0x152: {  	v7 =	vld [tilespmem:$0x0]  }
0x153: {  	v8 =	vld [tilespmem:$0x80]  }
0x154: {  	v9 =	vld [tilespmem:$0x100]  }
0x155: {  	v10 =	vld [tilespmem:$0x10]  }
0x156: {  	v11 =	vld [tilespmem:$0x90]  }
0x157: {  	v13 =	vld [tilespmem:$0x20]  }
0x158: {  	v14 =	vld [tilespmem:$0xA0]  }
0x159: {  	v51 =	vld [tilespmem:$0x120]  }
0x15a: {  	v15 =	vld [tilespmem:$0xB0]  }
0x15b: {  	v53 =	vld [tilespmem:$0x130]  }
0x15c: {  	v16 =	vld [tilespmem:$0x40]  }
0x15d: {  	v54 =	vor.u32 $0xF4000, v0;
	v61 =	vor.u32 $0xF4010, v0;
	v56 =	vld [tilespmem:$0x140]  }
0x15e: {  	v22 =	vor.u32 $0xF4020, v0;
	v63 =	vld [tilespmem:$0xD0];
	v7 =	vsub.f32 v7, v3;
	v8 =	vsub.f32 v8, v4  }
0x15f: {  	v29 =	vor.u32 $0xF4030, v0;
	v17 =	vld [tilespmem:$0x60];
	v9 =	vsub.f32 v9, v2;
	v49 =	vsub.f32 v10, v3  }
0x160: {  	v34 =	vor.u32 $0xF4040, v0;
	v31 =	vld [tilespmem:$0xF0];
	v50 =	vsub.f32 v11, v4;
	v13 =	vsub.f32 v13, v3  }
0x161: {  	v42 =	vor.u32 $0xF4050, v0;
	v32 =	vld [tilespmem:$0x170];
	v14 =	vsub.f32 v14, v4;
	v11 =	vsub.f32 v51, v2  }
0x162: {  	v48 =	vor.u32 $0xF4060, v0;
	v33 =	vld [tilespmem:$0x200];
	v55 =	vsub.f32 v15, v4;
	v57 =	vsub.f32 v53, v2  }
0x163: {  	v18 =	vor.u32 $0xF4160, v0;
	v46 =	vld [tilespmem:$0x220];
	v62 =	vsub.f32 v16, v3;
	v15 =	vsub.f32 v56, v2  }
0x164: {  	v25 =	vld [tilespmem:$0x160];
	v24 =	vsub.f32 v63, v4;
	v30 =	vsub.f32 v17, v3;
	v7 =	vmul.f32 v7, v7  }
0x165: {  	v44 =	vld [tilespmem:$0x290];
	v36 =	vsub.f32 v31, v4;
	v8 =	vmul.f32 v8, v8;
	v10 =	vmul.f32 v50, v50  }
0x166: {  	v12 =	vld [tilespmem:$0x110];
	v38 =	vsub.f32 v32, v2;
	v13 =	vmul.f32 v13, v13;
	v14 =	vmul.f32 v14, v14  }
0x167: {  	v43 =	vsub.f32 v33, v3;
	v11 =	vmul.f32 v11, v11;
	v59 =	vmul.f32 v55, v55  }
0x168: {  	v52 =	vld [tilespmem:$0x30];
	v56 =	vsub.f32 v46, v3;
	v23 =	vmul.f32 v15, v15;
	v27 =	vmul.f32 v24, v24  }
0x169: {  	v37 =	vld [tilespmem:$0x300];
	v15 =	vsub.f32 v25, v2;
	v7 =	vadd.f32 v8, v7;
	v8 =	vmul.f32 v9, v9  }
0x16a: {  	v40 =	vmul.f32 v36, v36;
	v50 =	vsub.f32 v44, v4;
	v55 =	vor.u32 $0xF4070, v0  }
0x16b: {  	v60 =	vld [tilespmem:$0x50];
	v9 =	vmul.f32 v49, v49;
	v7 =	vadd.f32 v8, v7;
	v8 =	vsub.f32 v12, v2  }
0x16c: {  	v51 =	vld [tilespmem:$0x320];
	v24 =	vor.u32 $0xF4090, v0;
	v13 =	vadd.f32 v14, v13;
	v14 =	vmul.f32 v62, v62  }
0x16d: {  	v35 =	vmul.f32 v15, v15;
	v9 =	vadd.f32 v10, v9;
	v8 =	vmul.f32 v8, v8  }
0x16e: {  	v28 =	vld [tilespmem:$0x70];
	v15 =	vsub.f32 v37, v2;
	v12 =	vsub.f32 v52, v3;
	vm0 =	vlt.f32 v7, v6  }
0x16f: {  	v53 =	vmul.f32 v50, v50;
	v6 =	vsel vm0, v7, v6;
	v7 =	vadd.f32 v8, v9;
	v8 =	vld [tilespmem:$0xC0]  }
0x170: {  	v41 =	vld [tilespmem:$0x210];
	v37 =	vor.u32 $0xF40B0, v0;
	v50 =	vor.u32 $0xF40D0, v0;
	v58 =	vmul.f32 v12, v12  }
0x171: {  	v49 =	vmul.f32 v15, v15;
	v15 =	vsub.f32 v51, v2;
	v12 =	vsub.f32 v60, v3  }
0x172: {  	v20 =	vld [tilespmem:$0x150];
	v60 =	vor.u32 $0xF4080, v0;
	v5 =	vsel vm0, v54, v5;
	v10 =	vadd.f32 v59, v58  }
0x173: {  	v63 =	vld [tilespmem:$0x340];
	v26 =	vmul.f32 v12, v12;
	v12 =	vsub.f32 v28, v3;
	vm1 =	vlt.f32 v7, v6  }
0x174: {  	v54 =	vld [tilespmem:$0x230];
	v6 =	vsel vm1, v7, v6;
	v7 =	vadd.f32 v11, v13;
	v8 =	vsub.f32 v8, v4  }
0x175: {  	v9 =	vmul.f32 v57, v57;
	v57 =	vld [tilespmem:$0x2B0];
	v39 =	vmul.f32 v12, v12;
	v12 =	vsub.f32 v41, v3  }
0x176: {  	v59 =	vld [tilespmem:$0x240];
	v5 =	vsel vm1, v61, v5;
	vm15 =	vlt.f32 v7, v6;
	v8 =	vmul.f32 v8, v8  }
0x177: {  	v61 =	vmul.f32 v15, v15;
	v6 =	vsel vm15, v7, v6;
	v7 =	vadd.f32 v9, v10  }
0x178: {  	v21 =	vld [tilespmem:$0xE0];
	v15 =	vsub.f32 v63, v2;
	v63 =	vor.u32 $0xF40F0, v0;
	v8 =	vadd.f32 v8, v14  }
0x179: {  	v52 =	vmul.f32 v12, v12;
	v12 =	vsub.f32 v54, v3;
	vm4 =	vlt.f32 v7, v6  }
0x17a: {  	v33 =	vld [tilespmem:$0x360];
	v6 =	vsel vm4, v7, v6;
	v7 =	vadd.f32 v23, v8;
	v8 =	vsub.f32 v20, v2  }
0x17b: {  	v41 =	vld [tilespmem:$0x400];
	v62 =	vsub.f32 v57, v4;
	v25 =	vsub.f32 v59, v3;
	v31 =	vmul.f32 v15, v15  }
0x17c: {  	v58 =	vld [tilespmem:$0x330];
	v5 =	vsel vm15, v22, v5;
	v10 =	vadd.f32 v27, v26;
	v8 =	vmul.f32 v8, v8  }
0x17d: {  	v9 =	vsub.f32 v21, v4;
	v21 =	vmul.f32 v12, v12;
	v26 =	vld [tilespmem:$0x2D0];
	vm5 =	vlt.f32 v7, v6  }
0x17e: {  	v22 =	vmul.f32 v62, v62;
	v6 =	vsel vm5, v7, v6;
	v7 =	vadd.f32 v8, v10;
	v8 =	vld [tilespmem:$0x280]  }
0x17f: {  	v15 =	vsub.f32 v33, v2;
	v9 =	vmul.f32 v9, v9;
	v14 =	vmul.f32 v30, v30  }
0x180: {  	v51 =	vsub.f32 v41, v3;
	v5 =	vsel vm4, v29, v5;
	v30 =	vor.u32 $0xF40A0, v0;
	v23 =	vld [tilespmem:$0x250]  }
0x181: {  	v9 =	vadd.f32 v9, v14;
	v14 =	vmul.f32 v43, v43;
	v20 =	vsub.f32 v58, v2  }
0x182: {  	v45 =	vld [tilespmem:$0x310];
	v32 =	vsub.f32 v26, v4;
	v43 =	vmul.f32 v15, v15;
	vm6 =	vlt.f32 v7, v6  }
0x183: {  	v28 =	vld [tilespmem:$0x260];
	v6 =	vsel vm6, v7, v6;
	v7 =	vadd.f32 v35, v9;
	v8 =	vsub.f32 v8, v4  }
0x184: {  	v36 =	vld [tilespmem:$0x270];
	v5 =	vsel vm5, v34, v5;
	v10 =	vadd.f32 v40, v39;
	v9 =	vmul.f32 v38, v38  }
0x185: {  	v39 =	vld [tilespmem:$0x2F0];
	v12 =	vsub.f32 v23, v3;
	vm7 =	vlt.f32 v7, v6;
	v8 =	vmul.f32 v8, v8  }
0x186: {  	v40 =	vld [tilespmem:$0x370];
	v5 =	vsel vm6, v42, v5;
	v6 =	vsel vm7, v7, v6;
	v7 =	vadd.f32 v9, v10  }
0x187: {  	v47 =	vld [tilespmem:$0x2A0];
	v34 =	vmul.f32 v12, v12;
	v35 =	vmul.f32 v32, v32;
	v8 =	vadd.f32 v8, v14  }
0x188: {  	v38 =	vsub.f32 v28, v3;
	v42 =	vor.u32 $0xF40C0, v0;
	vm8 =	vlt.f32 v7, v6  }
0x189: {  	v23 =	vld [tilespmem:$0x440];
	v6 =	vsel vm8, v7, v6;
	v7 =	vadd.f32 v49, v8;
	v8 =	vsub.f32 v45, v2  }
0x18a: {  	v12 =	vsub.f32 v36, v3;
	v32 =	vor.u32 $0xF4110, v0;
	v44 =	vsub.f32 v39, v4  }
0x18b: {  	v46 =	vsub.f32 v40, v2;
	v10 =	vadd.f32 v53, v52;
	v52 =	vld [tilespmem:$0x490];
	v8 =	vmul.f32 v8, v8  }
0x18c: {  	v5 =	vsel vm7, v48, v5;
	v9 =	vsub.f32 v47, v4;
	v45 =	vld [tilespmem:$0x500];
	vm9 =	vlt.f32 v7, v6  }
0x18d: {  	v47 =	vmul.f32 v12, v12;
	v6 =	vsel vm9, v7, v6;
	v7 =	vadd.f32 v8, v10;
	v8 =	vld [tilespmem:$0x2C0]  }
0x18e: {  	v33 =	vsub.f32 v23, v3;
	v9 =	vmul.f32 v9, v9;
	v14 =	vmul.f32 v56, v56;
	v49 =	vld [tilespmem:$0x410]  }
0x18f: {  	v48 =	vmul.f32 v44, v44;
	v5 =	vsel vm8, v55, v5;
	v56 =	vor.u32 $0xF40E0, v0  }
0x190: {  	v9 =	vadd.f32 v9, v14;
	v14 =	vmul.f32 v25, v25;
	v58 =	vsub.f32 v52, v4  }
0x191: {  	v54 =	vld [tilespmem:$0x420];
	v5 =	vsel vm9, v60, v5;
	v10 =	vadd.f32 v22, v21;
	vm10 =	vlt.f32 v7, v6  }
0x192: {  	v59 =	vld [tilespmem:$0x520];
	v6 =	vsel vm10, v7, v6;
	v7 =	vadd.f32 v61, v9;
	v8 =	vsub.f32 v8, v4  }
0x193: {  	v27 =	vld [tilespmem:$0x350];
	v15 =	vsub.f32 v45, v2;
	v12 =	vsub.f32 v49, v3;
	v9 =	vmul.f32 v20, v20  }
0x194: {  	v62 =	vld [tilespmem:$0x430];
	v45 =	vor.u32 $0xF4130, v0;
	vm11 =	vlt.f32 v7, v6;
	v8 =	vmul.f32 v8, v8  }
0x195: {  	v5 =	vsel vm10, v24, v5;
	v6 =	vsel vm11, v7, v6;
	v7 =	vadd.f32 v9, v10  }
0x196: {  	v29 =	vld [tilespmem:$0x2E0];
	v57 =	vmul.f32 v15, v15;
	v60 =	vmul.f32 v12, v12;
	v8 =	vadd.f32 v8, v14  }
0x197: {  	v21 =	vld [tilespmem:$0x4B0];
	v61 =	vmul.f32 v58, v58;
	v20 =	vsub.f32 v54, v3;
	vm12 =	vlt.f32 v7, v6  }
0x198: {  	v22 =	vld [tilespmem:$0x530];
	v6 =	vsel vm12, v7, v6;
	v7 =	vadd.f32 v31, v8;
	v8 =	vsub.f32 v27, v2  }
0x199: {  	v49 =	vld [tilespmem:$0x600];
	v15 =	vsub.f32 v59, v2;
	v24 =	vor.u32 $0xF4100, v0;
	v12 =	vsub.f32 v62, v3  }
0x19a: {  	v58 =	vor.u32 $0xF4150, v0;
	v62 =	vld [tilespmem:$0x620];
	v10 =	vadd.f32 v35, v34;
	v8 =	vmul.f32 v8, v8  }
0x19b: {  	v25 =	vmul.f32 v15, v15;
	v9 =	vsub.f32 v29, v4;
	vm13 =	vlt.f32 v7, v6  }
0x19c: {  	v26 =	vsub.f32 v21, v4;
	v6 =	vsel vm13, v7, v6;
	v7 =	vadd.f32 v8, v10;
	v8 =	vld [tilespmem:$0x480]  }
0x19d: {  	v28 =	vsub.f32 v22, v2;
	v9 =	vmul.f32 v9, v9;
	v14 =	vmul.f32 v38, v38  }
0x19e: {  	v5 =	vsel vm11, v30, v5;
	v29 =	vmul.f32 v12, v12;
	v34 =	vld [tilespmem:$0x4D0];
	v59 =	vsub.f32 v49, v3  }
0x19f: {  	v30 =	vmul.f32 v26, v26;
	v26 =	vsub.f32 v62, v3;
	v9 =	vadd.f32 v9, v14;
	v27 =	vld [tilespmem:$0x540]  }
0x1a0: {  	v5 =	vsel vm12, v37, v5;
	v38 =	vor.u32 $0xF4120, v0;
	v31 =	vld [tilespmem:$0x450];
	vm14 =	vlt.f32 v7, v6  }
0x1a1: {  	v6 =	vsel vm14, v7, v6;
	v7 =	vadd.f32 v43, v9;
	v8 =	vsub.f32 v8, v4  }
0x1a2: {  	v53 =	vld [tilespmem:$0x510];
	v14 =	vmul.f32 v51, v51;
	v10 =	vadd.f32 v48, v47;
	v9 =	vmul.f32 v46, v46  }
0x1a3: {  	v36 =	vld [tilespmem:$0x460];
	v40 =	vsub.f32 v34, v4;
	vm15 =	vlt.f32 v7, v6;
	v8 =	vmul.f32 v8, v8  }
0x1a4: {  	v41 =	vld [tilespmem:$0x560];
	v15 =	vsub.f32 v27, v2;
	v6 =	vsel vm15, v7, v6;
	v7 =	vadd.f32 v9, v10  }
0x1a5: {  	v55 =	vld [tilespmem:$0x4A0];
	v5 =	vsel vm13, v42, v5;
	v12 =	vsub.f32 v31, v3;
	v8 =	vadd.f32 v8, v14  }
0x1a6: {  	v44 =	vld [tilespmem:$0x470];
	v5 =	vsel vm14, v50, v5;
	v39 =	vmul.f32 v15, v15;
	vm4 =	vlt.f32 v7, v6  }
0x1a7: {  	v47 =	vld [tilespmem:$0x4F0];
	v6 =	vsel vm4, v7, v6;
	v7 =	vadd.f32 v57, v8;
	v8 =	vsub.f32 v53, v2  }
0x1a8: {  	v48 =	vld [tilespmem:$0x570];
	v42 =	vmul.f32 v12, v12;
	v43 =	vmul.f32 v40, v40;
	v46 =	vsub.f32 v36, v3  }
0x1a9: {  	v15 =	vsub.f32 v41, v2;
	v10 =	vadd.f32 v61, v60;
	v8 =	vmul.f32 v8, v8  }
0x1aa: {  	v50 =	vor.u32 $0xF4140, v0;
	v9 =	vsub.f32 v55, v4;
	vm5 =	vlt.f32 v7, v6  }
0x1ab: {  	v12 =	vsub.f32 v44, v3;
	v6 =	vsel vm5, v7, v6;
	v7 =	vadd.f32 v8, v10;
	v8 =	vld [tilespmem:$0x4C0]  }
0x1ac: {  	v44 =	vor.u32 $0xF41A0, v0;
	v60 =	vld [tilespmem:$0x690];
	v9 =	vmul.f32 v9, v9;
	v14 =	vmul.f32 v20, v20  }
0x1ad: {  	v51 =	vmul.f32 v15, v15;
	v52 =	vsub.f32 v47, v4;
	v54 =	vsub.f32 v48, v2  }
0x1ae: {  	v5 =	vsel vm15, v56, v5;
	v55 =	vmul.f32 v12, v12;
	v9 =	vadd.f32 v9, v14  }
0x1af: {  	v56 =	vmul.f32 v52, v52;
	v5 =	vsel vm4, v63, v5;
	v53 =	vld [tilespmem:$0x700];
	vm6 =	vlt.f32 v7, v6  }
0x1b0: {  	v57 =	vld [tilespmem:$0x610];
	v6 =	vsel vm6, v7, v6;
	v7 =	vadd.f32 v25, v9;
	v8 =	vsub.f32 v8, v4  }
0x1b1: {  	v35 =	vld [tilespmem:$0x550];
	v20 =	vsub.f32 v60, v4;
	v10 =	vadd.f32 v30, v29;
	v9 =	vmul.f32 v28, v28  }
0x1b2: {  	v14 =	vmul.f32 v33, v33;
	vm7 =	vlt.f32 v7, v6;
	v8 =	vmul.f32 v8, v8  }
0x1b3: {  	v21 =	vld [tilespmem:$0x720];
	v23 =	vmul.f32 v20, v20;
	v6 =	vsel vm7, v7, v6;
	v7 =	vadd.f32 v9, v10  }
0x1b4: {  	v37 =	vld [tilespmem:$0x4E0];
	v20 =	vor.u32 $0xF41D0, v0;
	v5 =	vsel vm5, v24, v5;
	v8 =	vadd.f32 v8, v14  }
0x1b5: {  	v27 =	vld [tilespmem:$0x6B0];
	v15 =	vsub.f32 v53, v2;
	v12 =	vsub.f32 v57, v3;
	vm8 =	vlt.f32 v7, v6  }
0x1b6: {  	v6 =	vsel vm8, v7, v6;
	v7 =	vadd.f32 v39, v8;
	v8 =	vsub.f32 v35, v2  }
0x1b7: {  	v24 =	vld [tilespmem:$0x630];
	v30 =	vor.u32 $0xF4180, v0;
	v5 =	vsel vm6, v32, v5;
	v19 =	vmul.f32 v15, v15  }
0x1b8: {  	v33 =	vld [tilespmem:$0x740];
	v22 =	vmul.f32 v12, v12;
	v10 =	vadd.f32 v43, v42;
	v8 =	vmul.f32 v8, v8  }
0x1b9: {  	v28 =	vld [tilespmem:$0x730];
	v15 =	vsub.f32 v21, v2;
	v9 =	vsub.f32 v37, v4;
	vm9 =	vlt.f32 v7, v6  }
0x1ba: {  	v32 =	vsub.f32 v27, v4;
	v6 =	vsel vm9, v7, v6;
	v7 =	vadd.f32 v8, v10;
	v8 =	vld [tilespmem:$0x680]  }
0x1bb: {  	v25 =	vor.u32 $0xF4170, v0;
	v9 =	vmul.f32 v9, v9;
	v14 =	vmul.f32 v46, v46  }
0x1bc: {  	v12 =	vsub.f32 v24, v3;
	v31 =	vmul.f32 v15, v15;
	v36 =	vmul.f32 v32, v32  }
0x1bd: {  	v40 =	vld [tilespmem:$0x6D0];
	v15 =	vsub.f32 v33, v2;
	v5 =	vsel vm7, v38, v5;
	v9 =	vadd.f32 v9, v14  }
0x1be: {  	v47 =	vld [tilespmem:$0x760];
	v38 =	vor.u32 $0xF4190, v0;
	v34 =	vsub.f32 v28, v2;
	vm10 =	vlt.f32 v7, v6  }
0x1bf: {  	v61 =	vld [tilespmem:$0x710];
	v6 =	vsel vm10, v7, v6;
	v7 =	vadd.f32 v51, v9;
	v8 =	vsub.f32 v8, v4  }
0x1c0: {  	v29 =	vld [tilespmem:$0x640];
	v5 =	vsel vm8, v45, v5;
	v10 =	vadd.f32 v56, v55;
	v9 =	vmul.f32 v54, v54  }
0x1c1: {  	v37 =	vld [tilespmem:$0x650];
	v14 =	vmul.f32 v59, v59;
	vm11 =	vlt.f32 v7, v6;
	v8 =	vmul.f32 v8, v8  }
0x1c2: {  	v46 =	vsub.f32 v40, v4;
	v6 =	vsel vm11, v7, v6;
	v7 =	vadd.f32 v9, v10  }
0x1c3: {  	v63 =	vld [tilespmem:$0x6A0];
	v45 =	vmul.f32 v15, v15;
	v15 =	vsub.f32 v47, v2;
	v8 =	vadd.f32 v8, v14  }
0x1c4: {  	v28 =	vld [tilespmem:$0x920];
	v47 =	vor.u32 $0xF4210, v0;
	v35 =	vmul.f32 v12, v12;
	vm12 =	vlt.f32 v7, v6  }
0x1c5: {  	v42 =	vld [tilespmem:$0x660];
	v6 =	vsel vm12, v7, v6;
	v7 =	vadd.f32 v19, v8;
	v8 =	vsub.f32 v61, v2  }
0x1c6: {  	v39 =	vsub.f32 v29, v3;
	v12 =	vsub.f32 v37, v3;
	v49 =	vmul.f32 v46, v46  }
0x1c7: {  	v57 =	vmul.f32 v15, v15;
	v59 =	vld [tilespmem:$0x900];
	v10 =	vadd.f32 v23, v22;
	v8 =	vmul.f32 v8, v8  }
0x1c8: {  	v53 =	vld [tilespmem:$0x6F0];
	v48 =	vmul.f32 v12, v12;
	v9 =	vsub.f32 v63, v4;
	vm13 =	vlt.f32 v7, v6  }
0x1c9: {  	v37 =	vsub.f32 v28, v2;
	v6 =	vsel vm13, v7, v6;
	v7 =	vadd.f32 v8, v10;
	v8 =	vld [tilespmem:$0x6C0]  }
0x1ca: {  	v52 =	vsub.f32 v42, v3;
	v9 =	vmul.f32 v9, v9;
	v14 =	vmul.f32 v26, v26  }
0x1cb: {  	v5 =	vsel vm9, v50, v5;
	v56 =	vor.u32 $0xF41C0, v0;
	v40 =	vmul.f32 v37, v37  }
0x1cc: {  	v50 =	vld [tilespmem:$0x670];
	v15 =	vsub.f32 v59, v2;
	v5 =	vsel vm10, v58, v5;
	v9 =	vadd.f32 v9, v14  }
0x1cd: {  	v55 =	vld [tilespmem:$0x800];
	v51 =	vor.u32 $0xF41B0, v0;
	v58 =	vsub.f32 v53, v4;
	vm14 =	vlt.f32 v7, v6  }
0x1ce: {  	v54 =	vld [tilespmem:$0x770];
	v6 =	vsel vm14, v7, v6;
	v7 =	vadd.f32 v31, v9;
	v8 =	vsub.f32 v8, v4  }
0x1cf: {  	v41 =	vld [tilespmem:$0x750];
	v27 =	vmul.f32 v15, v15;
	v10 =	vadd.f32 v36, v35;
	v9 =	vmul.f32 v34, v34  }
0x1d0: {  	v63 =	vld [tilespmem:$0x810];
	v14 =	vmul.f32 v39, v39;
	vm15 =	vlt.f32 v7, v6;
	v8 =	vmul.f32 v8, v8  }
0x1d1: {  	v12 =	vsub.f32 v50, v3;
	v22 =	vld [tilespmem:$0x890];
	v6 =	vsel vm15, v7, v6;
	v7 =	vadd.f32 v9, v10  }
0x1d2: {  	v43 =	vld [tilespmem:$0x6E0];
	v62 =	vmul.f32 v58, v58;
	v21 =	vsub.f32 v55, v3;
	v8 =	vadd.f32 v8, v14  }
0x1d3: {  	v5 =	vsel vm11, v18, v5;
	v60 =	vsub.f32 v54, v2;
	vm4 =	vlt.f32 v7, v6  }
0x1d4: {  	v24 =	vld [tilespmem:$0x820];
	v6 =	vsel vm4, v7, v6;
	v7 =	vadd.f32 v45, v8;
	v8 =	vsub.f32 v41, v2  }
0x1d5: {  	v54 =	vld [tilespmem:$0x8E0];
	v5 =	vsel vm12, v25, v5;
	v61 =	vmul.f32 v12, v12;
	v12 =	vsub.f32 v63, v3  }
0x1d6: {  	v29 =	vsub.f32 v22, v4;
	v10 =	vadd.f32 v49, v48;
	v8 =	vmul.f32 v8, v8  }
0x1d7: {  	v23 =	vld [tilespmem:$0x910];
	v32 =	vmul.f32 v12, v12;
	v9 =	vsub.f32 v43, v4;
	vm5 =	vlt.f32 v7, v6  }
0x1d8: {  	v33 =	vmul.f32 v29, v29;
	v6 =	vsel vm5, v7, v6;
	v7 =	vadd.f32 v8, v10;
	v8 =	vld [tilespmem:$0x880]  }
0x1d9: {  	v26 =	vor.u32 $0xF41E0, v0;
	v9 =	vmul.f32 v9, v9;
	v14 =	vmul.f32 v52, v52  }
0x1da: {  	v59 =	vsub.f32 v54, v4;
	v5 =	vsel vm13, v30, v5;
	v35 =	vsub.f32 v24, v3  }
0x1db: {  	v36 =	vld [tilespmem:$0x930];
	v11 =	vadd.f32 v33, v32;
	v5 =	vsel vm14, v38, v5;
	v9 =	vadd.f32 v9, v14  }
0x1dc: {  	v55 =	vld [tilespmem:$0x960];
	v31 =	vsub.f32 v23, v2;
	v34 =	vor.u32 $0xF41F0, v0;
	vm6 =	vlt.f32 v7, v6  }
0x1dd: {  	v48 =	vld [tilespmem:$0x950];
	v6 =	vsel vm6, v7, v6;
	v7 =	vadd.f32 v57, v9;
	v8 =	vsub.f32 v8, v4  }
0x1de: {  	v25 =	vld [tilespmem:$0x8A0];
	v38 =	vmul.f32 v35, v35;
	v10 =	vadd.f32 v62, v61;
	v9 =	vmul.f32 v60, v60  }
0x1df: {  	v43 =	vld [tilespmem:$0x850];
	v14 =	vmul.f32 v21, v21;
	vm2 =	vlt.f32 v7, v6;
	v8 =	vmul.f32 v8, v8  }
0x1e0: {  	v42 =	vsub.f32 v36, v2;
	v41 =	vld [tilespmem:$0x8C0];
	v6 =	vsel vm2, v7, v6;
	v7 =	vadd.f32 v9, v10  }
0x1e1: {  	v5 =	vsel vm15, v44, v5;
	v44 =	vor.u32 $0xF4200, v0;
	v45 =	vld [tilespmem:$0x8D0];
	v8 =	vadd.f32 v8, v14  }
0x1e2: {  	v30 =	vld [tilespmem:$0x830];
	v5 =	vsel vm4, v51, v5;
	v13 =	vsub.f32 v48, v2;
	vm7 =	vlt.f32 v7, v6  }
0x1e3: {  	v51 =	vor.u32 $0xF4220, v0;
	v6 =	vsel vm7, v7, v6;
	v7 =	vadd.f32 v27, v8;
	v8 =	vld [tilespmem:$0x8B0]  }
0x1e4: {  	v52 =	vsub.f32 v43, v3;
	v13 =	vmul.f32 v13, v13;
	v62 =	vsub.f32 v55, v2  }
0x1e5: {  	v46 =	vld [tilespmem:$0x940];
	v5 =	vsel vm5, v56, v5;
	v61 =	vor.u32 $0xF4230, v0;
	v49 =	vsub.f32 v41, v4  }
0x1e6: {  	v58 =	vld [tilespmem:$0x970];
	v53 =	vsub.f32 v45, v4;
	v63 =	vmul.f32 v62, v62;
	v5 =	vsel vm6, v20, v5  }
0x1e7: {  	v9 =	vsub.f32 v25, v4;
	v10 =	vmul.f32 v31, v31;
	vm8 =	vlt.f32 v7, v6  }
0x1e8: {  	v6 =	vsel vm8, v7, v6;
	v7 =	vsub.f32 v30, v3;
	v8 =	vsub.f32 v8, v4  }
0x1e9: {  	v39 =	vld [tilespmem:$0x840];
	v15 =	vmul.f32 v53, v53;
	v9 =	vmul.f32 v9, v9;
	v10 =	vadd.f32 v10, v11  }
0x1ea: {  	v11 =	vsub.f32 v46, v2;
	v7 =	vmul.f32 v7, v7;
	v8 =	vmul.f32 v8, v8  }
0x1eb: {  	v5 =	vsel vm2, v26, v5;
	v2 =	vsub.f32 v58, v2;
	v9 =	vadd.f32 v9, v38  }
0x1ec: {  	v50 =	vld [tilespmem:$0x860];
	v5 =	vsel vm7, v34, v5;
	v7 =	vadd.f32 v8, v7;
	v8 =	vmul.f32 v42, v42  }
0x1ed: {  	v18 =	vld [tilespmem:$0x870];
	v14 =	vmul.f32 v52, v52;
	v9 =	vadd.f32 v40, v9;
	vm9 =	vlt.f32 v10, v6  }
0x1ee: {  	v56 =	vld [tilespmem:$0x8F0];
	v6 =	vsel vm9, v10, v6;
	v7 =	vadd.f32 v8, v7;
	v8 =	vsub.f32 v39, v3  }
0x1ef: {  	v11 =	vmul.f32 v11, v11;
	v57 =	vadd.f32 v15, v14;
	vm10 =	vlt.f32 v9, v6  }
0x1f0: {  	v6 =	vsel vm10, v9, v6;
	v9 =	vmul.f32 v49, v49;
	v8 =	vmul.f32 v8, v8  }
0x1f1: {  	v2 =	vmul.f32 v2, v2;
	v60 =	vadd.f32 v13, v57;
	vm11 =	vlt.f32 v7, v6  }
0x1f2: {  	v6 =	vsel vm11, v7, v6;
	v7 =	vsub.f32 v50, v3;
	v8 =	vadd.f32 v9, v8  }
0x1f3: {  	v5 =	vsel vm8, v44, v5;
	v4 =	vsub.f32 v56, v4;
	v3 =	vsub.f32 v18, v3  }
0x1f4: {  	v10 =	vmul.f32 v59, v59;
	v7 =	vmul.f32 v7, v7;
	v8 =	vadd.f32 v11, v8  }
0x1f5: {  	v5 =	vsel vm9, v47, v5;
	v4 =	vmul.f32 v4, v4;
	v3 =	vmul.f32 v3, v3  }
0x1f6: {  	v5 =	vsel vm10, v51, v5;
	v7 =	vadd.f32 v10, v7;
	vm12 =	vlt.f32 v8, v6  }
0x1f7: {  	v5 =	vsel vm11, v61, v5;
	v3 =	vadd.f32 v4, v3;
	v6 =	vsel vm12, v8, v6  }
0x1f8: {  	v7 =	vadd.f32 v63, v7;
	v8 =	vor.u32 $0xF4240, v0;
	vm13 =	vlt.f32 v60, v6  }
0x1f9: {  	v4 =	vsel vm12, v8, v5;
	v5 =	vsel vm13, v60, v6  }
0x1fa: {  	v2 =	vadd.f32 v2, v3;
	v6 =	vor.u32 $0xF4250, v0;
	vm14 =	vlt.f32 v7, v5  }
0x1fb: {  	v3 =	vsel vm13, v6, v4;
	v4 =	vsel vm14, v7, v5;
	v5 =	vor.u32 $0xF4260, v0  }
0x1fc: {  	v3 =	vsel vm14, v5, v3;
	vm15 =	vlt.f32 v2, v4;
	v5 =	vor.u32 $0xF4270, v0  }
0x1fd: {  	v6 =	vsel vm15, v2, v4;
	v5 =	vsel vm15, v5, v3  }
.LBB2_11:
0x1fe: {  	[tilespmem:$0x1EA00] =	vst v6  }
0x1ff: {  	[tilespmem:$0x1EA80] =	vst v5  }
0x200: {  	[hbm4b:s9+s1] =	stream.linear.scatter [tilespmem:s25], [sflag:$0x5], $0x80, $0x38;
	[tilespmem:$0x1FB00] =	vst v63  }
0x201: {  	_ =	swait.ge [sflag:s20], $0x80  }
0x202: {  	[sflag:s20] =	ssyncset.done $0x0  }
0x203: {  	[sflag:s20] =	ssyncadd.s32 $0xFFFFFF80  }
0x204: {  	[hbm4b:s10+s1] =	stream.linear.scatter [tilespmem:s26], [sflag:$0x5], $0x80, $0x38;
	[tilespmem:$0x1FB00] =	vst v63  }
.Ltmp7:
0x205: {  	_ =	swait.ge [sflag:s20], $0x80;
	(pc) =	sbr.rel @p0 .LBB2_13-.Ltmp7, $3  }
0x206: {  	[sflag:s20] =	ssyncset.done $0x0  }
0x207: {  	[sflag:s20] =	ssyncadd.s32 $0xFFFFFF80  }
0x208: {  	[bflag:$0x0] =	sbarrier.arrive $0xFFFF;
	_ =	sdelay $0x1  }
0x209: {  	[tilespmem:s28], [sflag:$0x5] =	stream.linear.gather [hbm4b:s11+s1], $0x800, $0x38;
	[tilespmem:$0x1FB00] =	vst v63  }
0x20a: {  	_ =	swait.ge [sflag:s20], $0x800  }
0x20b: {  	[sflag:s20] =	ssyncset.done $0x0  }
0x20c: {  	[sflag:s20] =	ssyncadd.s32 $0xFFFFF800  }
0x20d: {  	[tilespmem:s29], [sflag:$0x5] =	stream.linear.gather [hbm4b:s12+s1], $0x800, $0x38;
	[tilespmem:$0x1FB00] =	vst v63  }
0x20e: {  	_ =	swait.ge [sflag:s20], $0x800  }
0x20f: {  	[sflag:s20] =	ssyncset.done $0x0  }
0x210: {  	[sflag:s20] =	ssyncadd.s32 $0xFFFFF800  }
0x211: {  	v2 =	vld [tilespmem:$0x1EB00]  }
0x212: {  	v3 =	vld [tilespmem:$0x1F300]  }
0x213: {  	v4 =	vld [tilespmem:$0x1EB80]  }
0x214: {  	v5 =	vld [tilespmem:$0x1F380];
	_ =	sdelay $0x2  }
0x215: {  	v6 =	vld [tilespmem:$0x1EC00]  }
0x216: {  	v7 =	vld [tilespmem:$0x1F400]  }
0x217: {  	vm0 =	veq.f32 v4, v2;
	vm1 =	vlt.s32 v5, v3  }
0x218: {  	vm9 =	vlt.f32 v4, v2;
	vm0 =	vmand vm0, vm1  }
0x219: {  	v8 =	vld [tilespmem:$0x1EC80];
	vm0 =	vmor vm9, vm0  }
0x21a: {  	v38 =	vld [tilespmem:$0x1F480];
	v2 =	vsel vm0, v4, v2;
	v3 =	vsel vm0, v5, v3  }
0x21b: {  	vm10 =	veq.f32 v6, v2;
	vm11 =	vlt.s32 v7, v3  }
0x21c: {  	vm12 =	vlt.f32 v6, v2;
	vm0 =	vmand vm10, vm11  }
0x21d: {  	v39 =	vld [tilespmem:$0x1ED00];
	vm0 =	vmor vm12, vm0  }
0x21e: {  	v40 =	vld [tilespmem:$0x1F500];
	v2 =	vsel vm0, v6, v2;
	v3 =	vsel vm0, v7, v3  }
0x21f: {  	vm13 =	veq.f32 v8, v2;
	vm14 =	vlt.s32 v38, v3  }
0x220: {  	vm15 =	vlt.f32 v8, v2;
	vm0 =	vmand vm13, vm14  }
0x221: {  	v41 =	vld [tilespmem:$0x1ED80];
	vm0 =	vmor vm15, vm0  }
0x222: {  	v42 =	vld [tilespmem:$0x1F580];
	v2 =	vsel vm0, v8, v2;
	v3 =	vsel vm0, v38, v3  }
0x223: {  	vm4 =	veq.f32 v39, v2;
	vm5 =	vlt.s32 v40, v3  }
0x224: {  	vm6 =	vlt.f32 v39, v2;
	vm0 =	vmand vm4, vm5  }
0x225: {  	v43 =	vld [tilespmem:$0x1EE00];
	vm0 =	vmor vm6, vm0  }
0x226: {  	v44 =	vld [tilespmem:$0x1F600];
	v2 =	vsel vm0, v39, v2;
	v3 =	vsel vm0, v40, v3  }
0x227: {  	vm7 =	veq.f32 v41, v2;
	vm8 =	vlt.s32 v42, v3  }
0x228: {  	vm9 =	vlt.f32 v41, v2;
	vm0 =	vmand vm7, vm8  }
0x229: {  	v45 =	vld [tilespmem:$0x1EE80];
	vm0 =	vmor vm9, vm0  }
0x22a: {  	v46 =	vld [tilespmem:$0x1F680];
	v2 =	vsel vm0, v41, v2;
	v3 =	vsel vm0, v42, v3  }
0x22b: {  	vm10 =	veq.f32 v43, v2;
	vm11 =	vlt.s32 v44, v3  }
0x22c: {  	vm12 =	vlt.f32 v43, v2;
	vm0 =	vmand vm10, vm11  }
0x22d: {  	v47 =	vld [tilespmem:$0x1EF00];
	vm0 =	vmor vm12, vm0  }
0x22e: {  	v48 =	vld [tilespmem:$0x1F700];
	v2 =	vsel vm0, v43, v2;
	v3 =	vsel vm0, v44, v3  }
0x22f: {  	vm13 =	veq.f32 v45, v2;
	vm14 =	vlt.s32 v46, v3  }
0x230: {  	vm15 =	vlt.f32 v45, v2;
	vm0 =	vmand vm13, vm14  }
0x231: {  	v49 =	vld [tilespmem:$0x1EF80];
	vm0 =	vmor vm15, vm0  }
0x232: {  	v50 =	vld [tilespmem:$0x1F780];
	v2 =	vsel vm0, v45, v2;
	v3 =	vsel vm0, v46, v3  }
0x233: {  	vm4 =	veq.f32 v47, v2;
	vm5 =	vlt.s32 v48, v3  }
0x234: {  	vm6 =	vlt.f32 v47, v2;
	vm0 =	vmand vm4, vm5  }
0x235: {  	v51 =	vld [tilespmem:$0x1F000];
	vm0 =	vmor vm6, vm0  }
0x236: {  	v52 =	vld [tilespmem:$0x1F800];
	v2 =	vsel vm0, v47, v2;
	v3 =	vsel vm0, v48, v3  }
0x237: {  	vm7 =	veq.f32 v49, v2;
	vm8 =	vlt.s32 v50, v3  }
0x238: {  	vm9 =	vlt.f32 v49, v2;
	vm0 =	vmand vm7, vm8  }
0x239: {  	v53 =	vld [tilespmem:$0x1F080];
	vm0 =	vmor vm9, vm0  }
0x23a: {  	v54 =	vld [tilespmem:$0x1F880];
	v2 =	vsel vm0, v49, v2;
	v3 =	vsel vm0, v50, v3  }
0x23b: {  	vm10 =	veq.f32 v51, v2;
	vm11 =	vlt.s32 v52, v3  }
0x23c: {  	vm12 =	vlt.f32 v51, v2;
	vm0 =	vmand vm10, vm11  }
0x23d: {  	v55 =	vld [tilespmem:$0x1F100];
	vm0 =	vmor vm12, vm0  }
0x23e: {  	v56 =	vld [tilespmem:$0x1F900];
	v2 =	vsel vm0, v51, v2;
	v3 =	vsel vm0, v52, v3  }
0x23f: {  	vm13 =	veq.f32 v53, v2;
	vm14 =	vlt.s32 v54, v3  }
0x240: {  	vm15 =	vlt.f32 v53, v2;
	vm0 =	vmand vm13, vm14  }
0x241: {  	v57 =	vld [tilespmem:$0x1F180];
	vm0 =	vmor vm15, vm0  }
0x242: {  	v58 =	vld [tilespmem:$0x1F980];
	v2 =	vsel vm0, v53, v2;
	v3 =	vsel vm0, v54, v3  }
0x243: {  	vm4 =	veq.f32 v55, v2;
	vm5 =	vlt.s32 v56, v3  }
0x244: {  	vm6 =	vlt.f32 v55, v2;
	vm0 =	vmand vm4, vm5  }
0x245: {  	v59 =	vld [tilespmem:$0x1F200];
	vm0 =	vmor vm6, vm0  }
0x246: {  	v60 =	vld [tilespmem:$0x1FA00];
	v2 =	vsel vm0, v55, v2;
	v3 =	vsel vm0, v56, v3  }
0x247: {  	vm7 =	veq.f32 v57, v2;
	vm8 =	vlt.s32 v58, v3  }
0x248: {  	vm9 =	vlt.f32 v57, v2;
	vm0 =	vmand vm7, vm8  }
0x249: {  	v61 =	vld [tilespmem:$0x1F280];
	vm0 =	vmor vm9, vm0  }
0x24a: {  	v62 =	vld [tilespmem:$0x1FA80];
	v2 =	vsel vm0, v57, v2;
	v3 =	vsel vm0, v58, v3  }
0x24b: {  	vm10 =	veq.f32 v59, v2;
	vm11 =	vlt.s32 v60, v3  }
0x24c: {  	vm12 =	vlt.f32 v59, v2;
	vm0 =	vmand vm10, vm11  }
0x24d: {  	vm0 =	vmor vm12, vm0  }
0x24e: {  	v2 =	vsel vm0, v59, v2;
	v3 =	vsel vm0, v60, v3  }
0x24f: {  	vm13 =	veq.f32 v61, v2;
	vm14 =	vlt.s32 v62, v3  }
0x250: {  	vm2 =	vlt.f32 v61, v2;
	vm0 =	vmand vm13, vm14  }
0x251: {  	vm0 =	vmor vm2, vm0  }
0x252: {  	v2 =	vsel vm0, v61, v2  }
0x253: {  	(xrf0) =	vmin.scan.msk.f32 $0xffff, v2;
	_ =	sdelay $0x5  }
0x254: {  	v63, _, _ =	vpop (xrf0)  }
0x255: {  	v5 =	vbroadcast v63, $0xF  }
0x256: {  	v3 =	vsel vm0, v62, v3  }
0x257: {  	vm15 =	veq.f32 v2, v5;
	v2 =	vxor.u32 $0x80000000, v3  }
0x258: {  	v2 =	vnsel vm15, $0xFFFFFFFF, v2  }
0x259: {  	(xrf0) =	vmin.scan.msk.u32 $0xffff, v2;
	_ =	sdelay $0x5  }
0x25a: {  	v2, _, _ =	vpop (xrf0)  }
0x25b: {  	(v2sf) =	vpush v2, $0xF;
	_ =	sdelay $0xe  }
0x25c: {  	s0 =	spop (v2sf)  }
0x25d: {  	s0 =	sxor.u32 $0x80000000, s0  }
0x25e: {  	[tilespmem:$0x1EA00] =	vst v5;
	v2 =	vmov s0  }
0x25f: {  	[tilespmem:$0x1EA80] =	vst v2  }
0x260: {  	[hbm4b:s13+s1] =	stream.linear.scatter [tilespmem:s25], [sflag:$0x5], $0x80, $0x38;
	[tilespmem:$0x1FB00] =	vst v63  }
0x261: {  	_ =	swait.ge [sflag:s20], $0x80  }
0x262: {  	[sflag:s20] =	ssyncset.done $0x0  }
0x263: {  	[sflag:s20] =	ssyncadd.s32 $0xFFFFFF80  }
0x264: {  	[hbm4b:s14+s1] =	stream.linear.scatter [tilespmem:s26], [sflag:$0x5], $0x80, $0x38;
	[tilespmem:$0x1FB00] =	vst v63  }
0x265: {  	_ =	swait.ge [sflag:s20], $0x80  }
0x266: {  	[sflag:s20] =	ssyncset.done $0x0  }
0x267: {  	v2 =	vimm.f32 @!p2 $0.0e+00;
	[sflag:s20] =	ssyncadd.s32 $0xFFFFFF80  }
0x268: {  	s31 =	simm.s32 @!p2 $0x1EA00;
	s0 =	simm.s32 @!p2 $0x0;
	[tilespmem:$0x1EA00] =	vst @!p2 v2  }
0x269: {  	[hbm4b:s4+s0] =	stream.linear.scatter @!p2 [tilespmem:s31], [sflag:$0x5], $0x80, $0x38;
	[tilespmem:$0x1FB00] =	vst v63  }
.Ltmp8:
0x26a: {  	_ = 	snop;
	(pc) =	sbr.rel .LBB2_13-.Ltmp8, $4  }
0x26b: {  	s0 =	simm.s32 @!p2 $0x5  }
0x26c: {  	_ =	swait.ge @!p2 [sflag:s0], $0x80  }
0x26d: {  	[sflag:s0] =	ssyncset.done @!p2 $0x0  }
0x26e: {  	[sflag:s0] =	ssyncadd.s32 @!p2 $0xFFFFFF80  }
.LBB2_14:
0x26f: {  	_ =	sfence.sel $0x180000  }
0x270: {  	[bflag:$0x0] =	sbarrier.arrive $0xFFFF  }
0x271: {  	_ =	strace $0x90000047  }
0x272: {  	[bflag:$0x2] =	sbarrier.arrive $0xFFFF  }
0x273: {  	s0 =	rddreg [dreg:$0x2]  }
0x274: {  	s0 =	sadd.s32 @!p0 $0x100000, s0  }
0x275: {  	[sflag:s0] =	ssyncadd.tile.s32 @!p0 $0x1;
	_ =	shalt  }
.Lfunc_end2:
_tile_overlayer_lowered:
.L_overlay_start_2:
0x276: {  	(tag) =	ssettag $0x2  }
0x277: {  	s0 =	rddreg [dreg:$0x0];
	s2 =	stileid.u32  }
0x278: {  	s1 =	rddreg [dreg:$0x1];
	p0 =	sne.s32 s2, $0x0  }
0x279: {  	s3 =	rddreg [dreg:$0x2];
	[bflag:$0x3] =	sbarrier.arrive $0xFFFF;
	s2 =	simm.s32 @!p0 $0x1C05  }
0x27a: {  	[timem:s3], [sflag:s2] =	dma.local @!p0 [hbm:s0], s1  }
0x27b: {  	s0 =	simm.s32 @!p0 $0x5  }
0x27c: {  	_ =	swait.ge @!p0 [sflag:s0], s1  }
0x27d: {  	s1 =	ssub.s32 @!p0 $0x0, s1;
	[sflag:s0] =	ssyncset.done @!p0 $0x0  }
0x27e: {  	[sflag:s0] =	ssyncadd.s32 @!p0 s1  }
0x27f: {  	[bflag:$0x3] =	sbarrier.arrive $0xFFFF  }
0x280: {  	_ =	shalt  }

</sc_bundles>
